<compile_context>
chip_gen: v7x
topology: tpu7x:2x2x1
jax: 0.10.2.dev20260603
libtpu: 0.0.44.dev20260713+nightly
codegen_flags: <defaults>
</compile_context>

<pallas_src>
import jax
import jax.numpy as jnp
from jax import lax
from jax.experimental import pallas as pl
from jax.experimental.pallas import tpu as pltpu
from jax.experimental.pallas import tpu_sc as plsc

N = 10000
E = 320000
H_DIM = 128
S_DIM = 64
POS_DIM = 3
K_MASTER = 500
LAMBDA_ATTN = 0.05

_NC = 2
_NS = 16
_NW = _NC * _NS
_EPW = E // _NW
_CHUNK = 80
_L = 10160
_NCHUNK = _L // _CHUNK
_NPAD = 10240
_STRIPE = _NPAD // _NS
_SENT = _NPAD - 1
_NB = H_DIM // 16


def _rne_bf16(x):
    u = lax.bitcast_convert_type(x, jnp.int32)
    low = lax.shift_right_logical(u, 16) & 1
    u = (u + 32767 + low) & jnp.int32(-65536)
    return lax.bitcast_convert_type(u, jnp.float32)


def _pre_body(h_ref, w1_ref, hw_ref):
    hw_ref[...] = jnp.dot(h_ref[...], w1_ref[...],
                          preferred_element_type=jnp.float32)


def _precompute(h, w1):
    R = 1000
    return pl.pallas_call(
        _pre_body,
        grid=(N // R,),
        in_specs=[
            pl.BlockSpec((R, H_DIM), lambda i: (i, 0)),
            pl.BlockSpec((H_DIM, H_DIM), lambda i: (0, 0)),
        ],
        out_specs=pl.BlockSpec((R, H_DIM), lambda i: (i, 0)),
        out_shape=jax.ShapeDtypeStruct((N, H_DIM), jnp.float32),
    )(h, w1)


def _edge_body(hw_hbm, pos_hbm, wpr_hbm, src_hbm, dst_hbm, out_hbm,
               sidx, didx, hw_buf, ps_buf, pd_buf, wp_buf, zbuf, rowbuf,
               dsm, acc, sem, sem2, sem3):
    c = lax.axis_index("c")
    s = lax.axis_index("s")
    wid = s * _NC + c

    pltpu.sync_copy(wpr_hbm, wp_buf)

    zv = jnp.zeros((16,), jnp.float32)

    def zb(i, _):
        zbuf[pl.ds(i * 16, 16)] = zv
        return 0

    lax.fori_loop(0, zbuf.shape[0] // 16, zb, 0)
    row0 = pl.multiple_of(s * _STRIPE * H_DIM, 8)
    for j in range(_STRIPE * H_DIM // zbuf.shape[0]):
        pltpu.sync_copy(zbuf,
                        acc.at[pl.ds(pl.multiple_of(row0 + j * zbuf.shape[0],
                                                    8), zbuf.shape[0])])
    plsc.subcore_barrier()

    wv = [[wp_buf[p, pl.ds(r * 16, 16)] for p in range(POS_DIM)]
          for r in range(_NB)]

    def flush(cur, racc):
        @pl.when(cur >= 0)
        def _():
            for r in range(_NB):
                rowbuf[pl.ds(r * 16, 16)] = racc[r]
            pltpu.sync_copy(rowbuf,
                            acc.at[pl.ds(pl.multiple_of(cur * H_DIM, 8),
                                         H_DIM)])

    def chunk_body(i, carry):
        ebase = pl.multiple_of(wid * _L + i * _CHUNK, 8)
        pltpu.sync_copy(src_hbm.at[pl.ds(ebase, _CHUNK)], sidx)
        pltpu.sync_copy(dst_hbm.at[pl.ds(ebase, _CHUNK)], didx)
        da = pltpu.async_copy(hw_hbm.at[sidx], hw_buf, sem)
        db = pltpu.async_copy(pos_hbm.at[sidx], ps_buf, sem2)
        dc = pltpu.async_copy(pos_hbm.at[didx], pd_buf, sem3)
        da.wait()
        db.wait()
        dc.wait()

        for g in range(_CHUNK // 16):
            dv = didx[pl.ds(g * 16, 16)]
            for l in range(16):
                dsm[g * 16 + l] = dv[l]

        def ebody(e, ecarry):
            cur = ecarry[0]
            racc = list(ecarry[1:])
            d = dsm[e]
            rel = pd_buf[e, pl.ds(0, 16)] - ps_buf[e, pl.ds(0, 16)]
            relr = _rne_bf16(rel)
            rb = [relr[p] for p in range(POS_DIM)]
            msg = []
            for r in range(_NB):
                pw = (rb[0] * wv[r][0] + rb[1] * wv[r][1]) + rb[2] * wv[r][2]
                msg.append(jnp.maximum(hw_buf[e, pl.ds(r * 16, 16)] + pw, 0.0))
            is_new = d != cur

            @pl.when(is_new)
            def _():
                flush(cur, racc)

            racc = [jnp.where(is_new, msg[r], racc[r] + msg[r])
                    for r in range(_NB)]
            return (d, *racc)

        return lax.fori_loop(0, _CHUNK, ebody, carry)

    z8 = [jnp.zeros((16,), jnp.float32)] * _NB
    carry = lax.fori_loop(0, _NCHUNK, chunk_body, (jnp.int32(-1), *z8))
    flush(carry[0], list(carry[1:]))
    plsc.subcore_barrier()

    pltpu.sync_copy(acc.at[pl.ds(row0, _STRIPE * H_DIM)],
                    out_hbm.at[c, pl.ds(row0, _STRIPE * H_DIM)])


def _edge_agg(hw, pos128, wpr, src_w, dst_w):
    mesh = plsc.VectorSubcoreMesh(core_axis_name="c", subcore_axis_name="s")
    return pl.kernel(
        _edge_body,
        out_type=jax.ShapeDtypeStruct((_NC, _NPAD * H_DIM), jnp.float32),
        mesh=mesh,
        scratch_types=[
            pltpu.VMEM((_CHUNK,), jnp.int32),
            pltpu.VMEM((_CHUNK,), jnp.int32),
            pltpu.VMEM((_CHUNK, H_DIM), jnp.float32),
            pltpu.VMEM((_CHUNK, H_DIM), jnp.float32),
            pltpu.VMEM((_CHUNK, H_DIM), jnp.float32),
            pltpu.VMEM((POS_DIM, H_DIM), jnp.float32),
            pltpu.VMEM((2560,), jnp.float32),
            pltpu.VMEM((H_DIM,), jnp.float32),
            pltpu.SMEM((_CHUNK,), jnp.int32),
            pltpu.VMEM_SHARED((_NPAD * H_DIM,), jnp.float32),
            pltpu.SemaphoreType.DMA,
            pltpu.SemaphoreType.DMA,
            pltpu.SemaphoreType.DMA,
        ],
    )(hw, pos128, wpr, src_w, dst_w)


def _comb_body(agg0_ref, agg1_ref, h_ref, w2_ref, wm1_ref, bm1_ref,
               wm2_ref, bm2_ref, hl_ref, sc_ref):
    f32 = jnp.float32
    agg = agg0_ref[...] + agg1_ref[...]
    hu = jnp.dot(agg, w2_ref[...], preferred_element_type=f32)
    hl = h_ref[...] + hu
    hl_ref[...] = hl
    hs = hl[:, :S_DIM]
    hid = jnp.tanh(jnp.dot(hs, wm1_ref[...], preferred_element_type=f32)
                   + bm1_ref[...])
    z = jnp.dot(hid, wm2_ref[...], preferred_element_type=f32) + bm2_ref[...]
    sc_ref[...] = jax.nn.sigmoid(z)


def _combine(agg0, agg1, h, w2, wm1, bm1_row, wm2p, bm2_row):
    R = 1000
    return pl.pallas_call(
        _comb_body,
        grid=(N // R,),
        in_specs=[
            pl.BlockSpec((R, H_DIM), lambda i: (i, 0)),
            pl.BlockSpec((R, H_DIM), lambda i: (i, 0)),
            pl.BlockSpec((R, H_DIM), lambda i: (i, 0)),
            pl.BlockSpec((H_DIM, H_DIM), lambda i: (0, 0)),
            pl.BlockSpec((S_DIM, S_DIM), lambda i: (0, 0)),
            pl.BlockSpec((1, S_DIM), lambda i: (0, 0)),
            pl.BlockSpec((S_DIM, H_DIM), lambda i: (0, 0)),
            pl.BlockSpec((1, H_DIM), lambda i: (0, 0)),
        ],
        out_specs=[
            pl.BlockSpec((R, H_DIM), lambda i: (i, 0)),
            pl.BlockSpec((R, H_DIM), lambda i: (i, 0)),
        ],
        out_shape=[
            jax.ShapeDtypeStruct((N, H_DIM), jnp.float32),
            jax.ShapeDtypeStruct((N, H_DIM), jnp.float32),
        ],
    )(agg0, agg1, h, w2, wm1, bm1_row, wm2p, bm2_row)


def kernel(h, pos, edge_index, batch, W1, Wpos, W2, Wm1, bm1, Wm2, bm2, Wq, Wk):
    f32 = jnp.float32
    src = edge_index[0]
    dst = edge_index[1]

    hw = _precompute(h, W1)
    pos128 = jnp.zeros((N, H_DIM), f32).at[:, :POS_DIM].set(pos)
    wpr = _rne_bf16(Wpos)

    perm = jnp.argsort(dst, stable=True)
    src_s = src[perm]
    dst_s = dst[perm]
    node_starts = jnp.searchsorted(dst_s, jnp.arange(N, dtype=jnp.int32))
    tgt = jnp.arange(_NW, dtype=jnp.int32) * _EPW
    nidx = jnp.searchsorted(node_starts, tgt)
    starts = jnp.where(nidx < N, node_starts[jnp.minimum(nidx, N - 1)], E)
    ends = jnp.concatenate([starts[1:], jnp.asarray([E], starts.dtype)])
    src_p = jnp.concatenate([src_s, jnp.zeros((_L,), jnp.int32)])
    dst_p = jnp.concatenate([dst_s, jnp.full((_L,), _SENT, jnp.int32)])

    def slc(st, en):
        sw = lax.dynamic_slice(src_p, (st,), (_L,))
        dw = lax.dynamic_slice(dst_p, (st,), (_L,))
        valid = jnp.arange(_L) < (en - st)
        return jnp.where(valid, sw, 0), jnp.where(valid, dw, _SENT)

    src_w, dst_w = jax.vmap(slc)(starts, ends)

    agg2 = _edge_agg(hw, pos128, wpr, src_w.reshape(-1), dst_w.reshape(-1))
    agg2 = agg2.reshape(_NC, _NPAD, H_DIM)

    bm1_row = bm1.reshape(1, S_DIM)
    wm2p = jnp.zeros((S_DIM, H_DIM), f32).at[:, :1].set(Wm2)
    bm2_row = jnp.broadcast_to(bm2.reshape(1, 1), (1, H_DIM))
    h_local, sc_full = _combine(agg2[0, :N], agg2[1, :N], h, W2, Wm1, bm1_row,
                                wm2p, bm2_row)
    scores = sc_full[:, 0]

    topv, topi = lax.top_k(scores, K_MASTER)
    m = jnp.zeros((N,), f32).at[topi].set(topv)
    node2master = jnp.full((N,), K_MASTER, dtype=jnp.int32).at[topi].set(
        jnp.arange(K_MASTER, dtype=jnp.int32))
    sm = node2master[src]
    dm = node2master[dst]
    valid = ((sm < K_MASTER) & (dm < K_MASTER)).astype(f32)
    adj_counts = jnp.zeros((K_MASTER + 1, K_MASTER + 1), f32).at[sm, dm].add(
        valid)[:K_MASTER, :K_MASTER]
    adj_induced = (adj_counts > 0).astype(f32)
    h_master = h_local[topi]
    pos_master = pos[topi]

    hms = h_master[:, :S_DIM]
    q = hms @ Wq
    k_ = hms @ Wk
    attn = jax.nn.softmax(q @ k_.T / jnp.sqrt(jnp.asarray(S_DIM, f32)),
                          axis=-1)
    eye = jnp.eye(K_MASTER, dtype=bool)
    new_mask = (adj_induced == 0) & (~eye) & (attn > LAMBDA_ATTN)
    A_virtual = attn * new_mask.astype(f32)
    A_comb = ((adj_induced + (A_virtual > 0).astype(f32)) > 0).astype(f32)

    hw_m = h_master @ W1
    rel = pos_master[None, :, :] - pos_master[:, None, :]
    posw = jnp.einsum('jip,ph->jih', rel, Wpos)
    msg = jax.nn.relu(hw_m[:, None, :] + posw)
    agg_m = jnp.einsum('ji,jih->ih', A_comb, msg)
    h_master_update = agg_m @ W2
    h_hier = h_master + h_master_update

    h_exp = jnp.zeros_like(h_local).at[topi].set(h_hier)
    m_e = m[:, None]
    h_final = (1.0 - m_e) * h_local + m_e * h_exp
    return h_final, pos, A_virtual, m

# --- scband reference (transcript-rebuilt; emitter-appended) ---
"""Pipeline reference for scband-hmplayer-77017353552154 (READ-ONLY COPY).

The authoritative reference and input builder live on the scoring server;
editing this copy changes nothing except your own understanding.
"""

import jax, jax.numpy as jnp
import numpy as np

N = 10000
E = 320000
H_DIM = 128
S_DIM = 64
POS_DIM = 3
HID = 64
K_MASTER = 500
LAMBDA_ATTN = 0.05

def setup_inputs(seed: int = 0):
    key = jax.random.key(seed)
    ks = jax.random.split(key, 16)
    inp = {}
    inp["h"] = jax.random.normal(ks[0], (N, H_DIM), dtype=jnp.float32)
    inp["pos"] = jax.random.normal(ks[1], (N, POS_DIM), dtype=jnp.float32)
    inp["edge_index"] = jax.random.randint(ks[2], (2, E), 0, N, dtype=jnp.int32)
    inp["batch"] = jnp.zeros((N,), dtype=jnp.int32)
    s = 1.0 / np.sqrt(H_DIM)
    inp["W1"] = jax.random.normal(ks[3], (H_DIM, H_DIM), dtype=jnp.float32) * s
    inp["Wpos"] = jax.random.normal(ks[4], (POS_DIM, H_DIM), dtype=jnp.float32) * (1.0 / np.sqrt(POS_DIM))
    inp["W2"] = jax.random.normal(ks[5], (H_DIM, H_DIM), dtype=jnp.float32) * s
    ss = 1.0 / np.sqrt(S_DIM)
    inp["Wm1"] = jax.random.normal(ks[6], (S_DIM, HID), dtype=jnp.float32) * ss
    inp["bm1"] = jnp.zeros((HID,), dtype=jnp.float32)
    inp["Wm2"] = jax.random.normal(ks[7], (HID, 1), dtype=jnp.float32) * (1.0 / np.sqrt(HID))
    inp["bm2"] = jnp.zeros((1,), dtype=jnp.float32)
    inp["Wq"] = jax.random.normal(ks[8], (S_DIM, S_DIM), dtype=jnp.float32) * ss
    inp["Wk"] = jax.random.normal(ks[9], (S_DIM, S_DIM), dtype=jnp.float32) * ss
    return inp

def _backbone_sparse(h, pos, edge_index, W1, Wpos, W2):
    src = edge_index[0]
    dst = edge_index[1]
    rel = pos[dst] - pos[src]
    msg = jax.nn.relu(h[src] @ W1 + rel @ Wpos)
    agg = jax.ops.segment_sum(msg, dst, num_segments=h.shape[0])
    return agg @ W2

def _forward(h, pos, edge_index, W1, Wpos, W2, Wm1, bm1, Wm2, bm2, Wq, Wk):
    h_update = _backbone_sparse(h, pos, edge_index, W1, Wpos, W2)
    h_local = h + h_update
    pos_local = pos
    # MasterSelection: MLP scorer + ratio-based top-k (fixed K for static shapes)
    h_scalar = h_local[:, :S_DIM]
    hidn = jnp.tanh(h_scalar @ Wm1 + bm1)
    scores = jax.nn.sigmoid(hidn @ Wm2 + bm2)[:, 0]
    topv, topi = jax.lax.top_k(scores, K_MASTER)
    m = jnp.zeros((N,), h.dtype).at[topi].set(topv)
    # induced subgraph on master nodes (relabelled), built as dense adjacency
    node2master = jnp.full((N,), K_MASTER, dtype=jnp.int32).at[topi].set(jnp.arange(K_MASTER, dtype=jnp.int32))
    sm = node2master[edge_index[0]]
    dm = node2master[edge_index[1]]
    valid = ((sm < K_MASTER) & (dm < K_MASTER)).astype(h.dtype)
    adj_counts = jnp.zeros((K_MASTER + 1, K_MASTER + 1), h.dtype).at[sm, dm].add(valid)[:K_MASTER, :K_MASTER]
    adj_induced = (adj_counts > 0).astype(h.dtype)
    h_master = h_local[topi]
    pos_master = pos_local[topi]
    # VirtualGeneration: attention over master scalars, thresholded by lambda_attn,
    # only adding edges not already present and no self loops
    hms = h_master[:, :S_DIM]
    q = hms @ Wq
    k_ = hms @ Wk
    attn = jax.nn.softmax(q @ k_.T / jnp.sqrt(jnp.asarray(S_DIM, h.dtype)), axis=-1)
    eye = jnp.eye(K_MASTER, dtype=bool)
    new_mask = (adj_induced == 0) & (~eye) & (attn > LAMBDA_ATTN)
    A_virtual = attn * new_mask.astype(h.dtype)
    # combined master edge set (binary, as dense_to_sparse only keeps indices)
    A_comb = ((adj_induced + (A_virtual > 0).astype(h.dtype)) > 0).astype(h.dtype)
    # backbone layer on master graph, dense-adjacency form (equivalent math)
    hw = h_master @ W1
    rel = pos_master[None, :, :] - pos_master[:, None, :]  # rel[j, i] = pos_i - pos_j
    posw = jnp.einsum('jip,ph->jih', rel, Wpos)
    msg = jax.nn.relu(hw[:, None, :] + posw)
    agg = jnp.einsum('ji,jih->ih', A_comb, msg)
    h_master_update = agg @ W2
    h_hier = h_master + h_master_update
    h_exp = jnp.zeros_like(h_local).at[topi].set(h_hier)
    m_e = m[:, None]
    h_final = (1.0 - m_e) * h_local + m_e * h_exp
    return h_final, pos_local, A_virtual, m

def reference(h, pos, edge_index, batch, W1, Wpos, W2, Wm1, bm1, Wm2, bm2, Wq, Wk):
    return _forward(h, pos, edge_index, W1, Wpos, W2, Wm1, bm1, Wm2, bm2, Wq, Wk)

if __name__ == "__main__":
    import jax
    _d = setup_inputs()
    print(jax.jit(kernel)(*tuple(_d.values())))

</pallas_src>

<mosaic_0001>
#map = affine_map<(d0, d1) -> (0, 0)>
#map1 = affine_map<(d0, d1) -> (0)>
module attributes {stable_mosaic.version = 14 : i64} {
  func.func @_edge_body(%arg0: i32, %arg1: i32, %arg2: memref<10000x128xf32, #tpu.memory_space<hbm>>, %arg3: memref<10000x128xf32, #tpu.memory_space<hbm>>, %arg4: memref<3x128xf32, #tpu.memory_space<hbm>>, %arg5: memref<325120xi32, #tpu.memory_space<hbm>>, %arg6: memref<325120xi32, #tpu.memory_space<hbm>>, %arg7: memref<2x1310720xf32, #tpu.memory_space<hbm>>, %arg8: memref<80xi32, #tpu.memory_space<vmem>>, %arg9: memref<80xi32, #tpu.memory_space<vmem>>, %arg10: memref<80x128xf32, #tpu.memory_space<vmem>>, %arg11: memref<80x128xf32, #tpu.memory_space<vmem>>, %arg12: memref<80x128xf32, #tpu.memory_space<vmem>>, %arg13: memref<3x128xf32, #tpu.memory_space<vmem>>, %arg14: memref<2560xf32, #tpu.memory_space<vmem>>, %arg15: memref<128xf32, #tpu.memory_space<vmem>>, %arg16: memref<80xi32, #tpu.memory_space<smem>>, %arg17: memref<1310720xf32, #tpu.memory_space<vmem_shared>>, %arg18: memref<!tpu.dma_semaphore, #tpu.memory_space<semaphore_mem>>, %arg19: memref<!tpu.dma_semaphore, #tpu.memory_space<semaphore_mem>>, %arg20: memref<!tpu.dma_semaphore, #tpu.memory_space<semaphore_mem>>) attributes {dimension_semantics = [#tpu.dimension_semantics<core_parallel>, #tpu.dimension_semantics<subcore_parallel>], iteration_bounds = array<i64: 2, 16>, scalar_prefetch = 0 : i64, scratch_operands = 13 : i64, tpu.core_type = #tpu.core_type<sc_vector_subcore>, window_params = [{transform_indices = #map}, {transform_indices = #map}, {transform_indices = #map}, {transform_indices = #map1}, {transform_indices = #map1}, {transform_indices = #map}]} {
    %mul3A = arith.constant 2 : i32
    %mul3A_0 = arith.muli %arg1, %mul3A : i32
    %add3A = arith.addi %mul3A_0, %arg0 : i32
    "tpu.region"() ({
      %run_scoped3A = tpu.sem_alloc : memref<!tpu.dma_semaphore, #tpu.memory_space<semaphore_mem>>
      tpu.enqueue_dma source(%arg4 : memref<3x128xf32, #tpu.memory_space<hbm>>) target(%arg13 : memref<3x128xf32, #tpu.memory_space<vmem>>) target_semaphore(%run_scoped3A : memref<!tpu.dma_semaphore, #tpu.memory_space<semaphore_mem>>)
      tpu.wait_dma2 semaphore(%run_scoped3A : memref<!tpu.dma_semaphore, #tpu.memory_space<semaphore_mem>>) src(%arg4 : memref<3x128xf32, #tpu.memory_space<hbm>>) dst(%arg13 : memref<3x128xf32, #tpu.memory_space<vmem>>)
      tpu.yield
    }) : () -> ()
    %broadcast_in_dim3A = arith.constant 0.000000e+00 : f32
    %broadcast_in_dim3A_1 = vector.broadcast %broadcast_in_dim3A : f32 to vector<16xf32>
    %scan3A = arith.constant 0 : i32
    %scan3A_2 = arith.constant 0 : i32
    %scan3A_3 = arith.constant 160 : i32
    %scan3A_4 = arith.addi %scan3A_2, %scan3A_3 : i32
    %scan3A_5 = arith.constant 1 : i32
    %scan3A_6 = scf.for %scan3A_239 = %scan3A_2 to %scan3A_4 step %scan3A_5 iter_args(%scan3A_240 = %scan3A) -> (i32)  : i32 {
      %mul3A_241 = arith.constant 16 : i32
      %mul3A_242 = arith.muli %scan3A_239, %mul3A_241 : i32
      %swap3A = arith.index_cast %mul3A_242 : i32 to index
      %swap3A_243 = tpu.vector_load %arg14[%swap3A] {strides = array<i32>} : memref<2560xf32, #tpu.memory_space<vmem>>, vector<16xf32>,
      %swap3A_244 = vector.shape_cast %swap3A_243 : vector<16xf32> to vector<16xf32>
      %swap3A_245 = vector.shape_cast %broadcast_in_dim3A_1 : vector<16xf32> to vector<16xf32>
      tpu.vector_store %arg14[%swap3A], %swap3A_245 {strides = array<i32>} : memref<2560xf32, #tpu.memory_space<vmem>>, vector<16xf32>,
      %scan3A_246 = arith.constant 0 : i32
      scf.yield %scan3A_246 : i32
    }
    %scan3A_7 = arith.constant 160 : i32
    %mul3A_8 = arith.constant 640 : i32
    %mul3A_9 = arith.muli %arg1, %mul3A_8 : i32
    %mul3A_10 = arith.constant 128 : i32
    %mul3A_11 = arith.muli %mul3A_9, %mul3A_10 : i32
    %multiple_of3A = tpu.assume_multiple %mul3A_11, 8 : i32
    %add3A_12 = arith.constant 0 : i32
    %add3A_13 = arith.addi %multiple_of3A, %add3A_12 : i32
    %multiple_of3A_14 = tpu.assume_multiple %add3A_13, 8 : i32
    "tpu.region"() ({
      %run_scoped3A = tpu.sem_alloc : memref<!tpu.dma_semaphore, #tpu.memory_space<semaphore_mem>>
      %dma_start3A = tpu.memref_slice %arg17[%multiple_of3A_14] : memref<1310720xf32, #tpu.memory_space<vmem_shared>> -> memref<2560xf32, #tpu.memory_space<vmem_shared>>
      %dma_start3A_239 = tpu.memref_slice %arg17[%multiple_of3A_14] : memref<1310720xf32, #tpu.memory_space<vmem_shared>> -> memref<2560xf32, #tpu.memory_space<vmem_shared>>
      tpu.enqueue_dma source(%arg14 : memref<2560xf32, #tpu.memory_space<vmem>>) target(%dma_start3A_239 : memref<2560xf32, #tpu.memory_space<vmem_shared>>) target_semaphore(%run_scoped3A : memref<!tpu.dma_semaphore, #tpu.memory_space<semaphore_mem>>)
      %dma_wait3A = tpu.memref_slice %arg17[%multiple_of3A_14] : memref<1310720xf32, #tpu.memory_space<vmem_shared>> -> memref<2560xf32, #tpu.memory_space<vmem_shared>>
      %dma_wait3A_240 = tpu.memref_slice %arg17[%multiple_of3A_14] : memref<1310720xf32, #tpu.memory_space<vmem_shared>> -> memref<2560xf32, #tpu.memory_space<vmem_shared>>
      tpu.wait_dma2 semaphore(%run_scoped3A : memref<!tpu.dma_semaphore, #tpu.memory_space<semaphore_mem>>) src(%arg14 : memref<2560xf32, #tpu.memory_space<vmem>>) dst(%dma_wait3A_240 : memref<2560xf32, #tpu.memory_space<vmem_shared>>)
      tpu.yield
    }) : () -> ()
    %add3A_15 = arith.constant 2560 : i32
    %add3A_16 = arith.addi %multiple_of3A, %add3A_15 : i32
    %multiple_of3A_17 = tpu.assume_multiple %add3A_16, 8 : i32
    "tpu.region"() ({
      %run_scoped3A = tpu.sem_alloc : memref<!tpu.dma_semaphore, #tpu.memory_space<semaphore_mem>>
      %dma_start3A = tpu.memref_slice %arg17[%multiple_of3A_17] : memref<1310720xf32, #tpu.memory_space<vmem_shared>> -> memref<2560xf32, #tpu.memory_space<vmem_shared>>
      %dma_start3A_239 = tpu.memref_slice %arg17[%multiple_of3A_17] : memref<1310720xf32, #tpu.memory_space<vmem_shared>> -> memref<2560xf32, #tpu.memory_space<vmem_shared>>
      tpu.enqueue_dma source(%arg14 : memref<2560xf32, #tpu.memory_space<vmem>>) target(%dma_start3A_239 : memref<2560xf32, #tpu.memory_space<vmem_shared>>) target_semaphore(%run_scoped3A : memref<!tpu.dma_semaphore, #tpu.memory_space<semaphore_mem>>)
      %dma_wait3A = tpu.memref_slice %arg17[%multiple_of3A_17] : memref<1310720xf32, #tpu.memory_space<vmem_shared>> -> memref<2560xf32, #tpu.memory_space<vmem_shared>>
      %dma_wait3A_240 = tpu.memref_slice %arg17[%multiple_of3A_17] : memref<1310720xf32, #tpu.memory_space<vmem_shared>> -> memref<2560xf32, #tpu.memory_space<vmem_shared>>
      tpu.wait_dma2 semaphore(%run_scoped3A : memref<!tpu.dma_semaphore, #tpu.memory_space<semaphore_mem>>) src(%arg14 : memref<2560xf32, #tpu.memory_space<vmem>>) dst(%dma_wait3A_240 : memref<2560xf32, #tpu.memory_space<vmem_shared>>)
      tpu.yield
    }) : () -> ()
    %add3A_18 = arith.constant 5120 : i32
    %add3A_19 = arith.addi %multiple_of3A, %add3A_18 : i32
    %multiple_of3A_20 = tpu.assume_multiple %add3A_19, 8 : i32
    "tpu.region"() ({
      %run_scoped3A = tpu.sem_alloc : memref<!tpu.dma_semaphore, #tpu.memory_space<semaphore_mem>>
      %dma_start3A = tpu.memref_slice %arg17[%multiple_of3A_20] : memref<1310720xf32, #tpu.memory_space<vmem_shared>> -> memref<2560xf32, #tpu.memory_space<vmem_shared>>
      %dma_start3A_239 = tpu.memref_slice %arg17[%multiple_of3A_20] : memref<1310720xf32, #tpu.memory_space<vmem_shared>> -> memref<2560xf32, #tpu.memory_space<vmem_shared>>
      tpu.enqueue_dma source(%arg14 : memref<2560xf32, #tpu.memory_space<vmem>>) target(%dma_start3A_239 : memref<2560xf32, #tpu.memory_space<vmem_shared>>) target_semaphore(%run_scoped3A : memref<!tpu.dma_semaphore, #tpu.memory_space<semaphore_mem>>)
      %dma_wait3A = tpu.memref_slice %arg17[%multiple_of3A_20] : memref<1310720xf32, #tpu.memory_space<vmem_shared>> -> memref<2560xf32, #tpu.memory_space<vmem_shared>>
      %dma_wait3A_240 = tpu.memref_slice %arg17[%multiple_of3A_20] : memref<1310720xf32, #tpu.memory_space<vmem_shared>> -> memref<2560xf32, #tpu.memory_space<vmem_shared>>
      tpu.wait_dma2 semaphore(%run_scoped3A : memref<!tpu.dma_semaphore, #tpu.memory_space<semaphore_mem>>) src(%arg14 : memref<2560xf32, #tpu.memory_space<vmem>>) dst(%dma_wait3A_240 : memref<2560xf32, #tpu.memory_space<vmem_shared>>)
      tpu.yield
    }) : () -> ()
    %add3A_21 = arith.constant 7680 : i32
    %add3A_22 = arith.addi %multiple_of3A, %add3A_21 : i32
    %multiple_of3A_23 = tpu.assume_multiple %add3A_22, 8 : i32
    "tpu.region"() ({
      %run_scoped3A = tpu.sem_alloc : memref<!tpu.dma_semaphore, #tpu.memory_space<semaphore_mem>>
      %dma_start3A = tpu.memref_slice %arg17[%multiple_of3A_23] : memref<1310720xf32, #tpu.memory_space<vmem_shared>> -> memref<2560xf32, #tpu.memory_space<vmem_shared>>
      %dma_start3A_239 = tpu.memref_slice %arg17[%multiple_of3A_23] : memref<1310720xf32, #tpu.memory_space<vmem_shared>> -> memref<2560xf32, #tpu.memory_space<vmem_shared>>
      tpu.enqueue_dma source(%arg14 : memref<2560xf32, #tpu.memory_space<vmem>>) target(%dma_start3A_239 : memref<2560xf32, #tpu.memory_space<vmem_shared>>) target_semaphore(%run_scoped3A : memref<!tpu.dma_semaphore, #tpu.memory_space<semaphore_mem>>)
      %dma_wait3A = tpu.memref_slice %arg17[%multiple_of3A_23] : memref<1310720xf32, #tpu.memory_space<vmem_shared>> -> memref<2560xf32, #tpu.memory_space<vmem_shared>>
      %dma_wait3A_240 = tpu.memref_slice %arg17[%multiple_of3A_23] : memref<1310720xf32, #tpu.memory_space<vmem_shared>> -> memref<2560xf32, #tpu.memory_space<vmem_shared>>
      tpu.wait_dma2 semaphore(%run_scoped3A : memref<!tpu.dma_semaphore, #tpu.memory_space<semaphore_mem>>) src(%arg14 : memref<2560xf32, #tpu.memory_space<vmem>>) dst(%dma_wait3A_240 : memref<2560xf32, #tpu.memory_space<vmem_shared>>)
      tpu.yield
    }) : () -> ()
    %add3A_24 = arith.constant 10240 : i32
    %add3A_25 = arith.addi %multiple_of3A, %add3A_24 : i32
    %multiple_of3A_26 = tpu.assume_multiple %add3A_25, 8 : i32
    "tpu.region"() ({
      %run_scoped3A = tpu.sem_alloc : memref<!tpu.dma_semaphore, #tpu.memory_space<semaphore_mem>>
      %dma_start3A = tpu.memref_slice %arg17[%multiple_of3A_26] : memref<1310720xf32, #tpu.memory_space<vmem_shared>> -> memref<2560xf32, #tpu.memory_space<vmem_shared>>
      %dma_start3A_239 = tpu.memref_slice %arg17[%multiple_of3A_26] : memref<1310720xf32, #tpu.memory_space<vmem_shared>> -> memref<2560xf32, #tpu.memory_space<vmem_shared>>
      tpu.enqueue_dma source(%arg14 : memref<2560xf32, #tpu.memory_space<vmem>>) target(%dma_start3A_239 : memref<2560xf32, #tpu.memory_space<vmem_shared>>) target_semaphore(%run_scoped3A : memref<!tpu.dma_semaphore, #tpu.memory_space<semaphore_mem>>)
      %dma_wait3A = tpu.memref_slice %arg17[%multiple_of3A_26] : memref<1310720xf32, #tpu.memory_space<vmem_shared>> -> memref<2560xf32, #tpu.memory_space<vmem_shared>>
      %dma_wait3A_240 = tpu.memref_slice %arg17[%multiple_of3A_26] : memref<1310720xf32, #tpu.memory_space<vmem_shared>> -> memref<2560xf32, #tpu.memory_space<vmem_shared>>
      tpu.wait_dma2 semaphore(%run_scoped3A : memref<!tpu.dma_semaphore, #tpu.memory_space<semaphore_mem>>) src(%arg14 : memref<2560xf32, #tpu.memory_space<vmem>>) dst(%dma_wait3A_240 : memref<2560xf32, #tpu.memory_space<vmem_shared>>)
      tpu.yield
    }) : () -> ()
    %add3A_27 = arith.constant 12800 : i32
    %add3A_28 = arith.addi %multiple_of3A, %add3A_27 : i32
    %multiple_of3A_29 = tpu.assume_multiple %add3A_28, 8 : i32
    "tpu.region"() ({
      %run_scoped3A = tpu.sem_alloc : memref<!tpu.dma_semaphore, #tpu.memory_space<semaphore_mem>>
      %dma_start3A = tpu.memref_slice %arg17[%multiple_of3A_29] : memref<1310720xf32, #tpu.memory_space<vmem_shared>> -> memref<2560xf32, #tpu.memory_space<vmem_shared>>
      %dma_start3A_239 = tpu.memref_slice %arg17[%multiple_of3A_29] : memref<1310720xf32, #tpu.memory_space<vmem_shared>> -> memref<2560xf32, #tpu.memory_space<vmem_shared>>
      tpu.enqueue_dma source(%arg14 : memref<2560xf32, #tpu.memory_space<vmem>>) target(%dma_start3A_239 : memref<2560xf32, #tpu.memory_space<vmem_shared>>) target_semaphore(%run_scoped3A : memref<!tpu.dma_semaphore, #tpu.memory_space<semaphore_mem>>)
      %dma_wait3A = tpu.memref_slice %arg17[%multiple_of3A_29] : memref<1310720xf32, #tpu.memory_space<vmem_shared>> -> memref<2560xf32, #tpu.memory_space<vmem_shared>>
      %dma_wait3A_240 = tpu.memref_slice %arg17[%multiple_of3A_29] : memref<1310720xf32, #tpu.memory_space<vmem_shared>> -> memref<2560xf32, #tpu.memory_space<vmem_shared>>
      tpu.wait_dma2 semaphore(%run_scoped3A : memref<!tpu.dma_semaphore, #tpu.memory_space<semaphore_mem>>) src(%arg14 : memref<2560xf32, #tpu.memory_space<vmem>>) dst(%dma_wait3A_240 : memref<2560xf32, #tpu.memory_space<vmem_shared>>)
      tpu.yield
    }) : () -> ()
    %add3A_30 = arith.constant 15360 : i32
    %add3A_31 = arith.addi %multiple_of3A, %add3A_30 : i32
    %multiple_of3A_32 = tpu.assume_multiple %add3A_31, 8 : i32
    "tpu.region"() ({
      %run_scoped3A = tpu.sem_alloc : memref<!tpu.dma_semaphore, #tpu.memory_space<semaphore_mem>>
      %dma_start3A = tpu.memref_slice %arg17[%multiple_of3A_32] : memref<1310720xf32, #tpu.memory_space<vmem_shared>> -> memref<2560xf32, #tpu.memory_space<vmem_shared>>
      %dma_start3A_239 = tpu.memref_slice %arg17[%multiple_of3A_32] : memref<1310720xf32, #tpu.memory_space<vmem_shared>> -> memref<2560xf32, #tpu.memory_space<vmem_shared>>
      tpu.enqueue_dma source(%arg14 : memref<2560xf32, #tpu.memory_space<vmem>>) target(%dma_start3A_239 : memref<2560xf32, #tpu.memory_space<vmem_shared>>) target_semaphore(%run_scoped3A : memref<!tpu.dma_semaphore, #tpu.memory_space<semaphore_mem>>)
      %dma_wait3A = tpu.memref_slice %arg17[%multiple_of3A_32] : memref<1310720xf32, #tpu.memory_space<vmem_shared>> -> memref<2560xf32, #tpu.memory_space<vmem_shared>>
      %dma_wait3A_240 = tpu.memref_slice %arg17[%multiple_of3A_32] : memref<1310720xf32, #tpu.memory_space<vmem_shared>> -> memref<2560xf32, #tpu.memory_space<vmem_shared>>
      tpu.wait_dma2 semaphore(%run_scoped3A : memref<!tpu.dma_semaphore, #tpu.memory_space<semaphore_mem>>) src(%arg14 : memref<2560xf32, #tpu.memory_space<vmem>>) dst(%dma_wait3A_240 : memref<2560xf32, #tpu.memory_space<vmem_shared>>)
      tpu.yield
    }) : () -> ()
    %add3A_33 = arith.constant 17920 : i32
    %add3A_34 = arith.addi %multiple_of3A, %add3A_33 : i32
    %multiple_of3A_35 = tpu.assume_multiple %add3A_34, 8 : i32
    "tpu.region"() ({
      %run_scoped3A = tpu.sem_alloc : memref<!tpu.dma_semaphore, #tpu.memory_space<semaphore_mem>>
      %dma_start3A = tpu.memref_slice %arg17[%multiple_of3A_35] : memref<1310720xf32, #tpu.memory_space<vmem_shared>> -> memref<2560xf32, #tpu.memory_space<vmem_shared>>
      %dma_start3A_239 = tpu.memref_slice %arg17[%multiple_of3A_35] : memref<1310720xf32, #tpu.memory_space<vmem_shared>> -> memref<2560xf32, #tpu.memory_space<vmem_shared>>
      tpu.enqueue_dma source(%arg14 : memref<2560xf32, #tpu.memory_space<vmem>>) target(%dma_start3A_239 : memref<2560xf32, #tpu.memory_space<vmem_shared>>) target_semaphore(%run_scoped3A : memref<!tpu.dma_semaphore, #tpu.memory_space<semaphore_mem>>)
      %dma_wait3A = tpu.memref_slice %arg17[%multiple_of3A_35] : memref<1310720xf32, #tpu.memory_space<vmem_shared>> -> memref<2560xf32, #tpu.memory_space<vmem_shared>>
      %dma_wait3A_240 = tpu.memref_slice %arg17[%multiple_of3A_35] : memref<1310720xf32, #tpu.memory_space<vmem_shared>> -> memref<2560xf32, #tpu.memory_space<vmem_shared>>
      tpu.wait_dma2 semaphore(%run_scoped3A : memref<!tpu.dma_semaphore, #tpu.memory_space<semaphore_mem>>) src(%arg14 : memref<2560xf32, #tpu.memory_space<vmem>>) dst(%dma_wait3A_240 : memref<2560xf32, #tpu.memory_space<vmem_shared>>)
      tpu.yield
    }) : () -> ()
    %add3A_36 = arith.constant 20480 : i32
    %add3A_37 = arith.addi %multiple_of3A, %add3A_36 : i32
    %multiple_of3A_38 = tpu.assume_multiple %add3A_37, 8 : i32
    "tpu.region"() ({
      %run_scoped3A = tpu.sem_alloc : memref<!tpu.dma_semaphore, #tpu.memory_space<semaphore_mem>>
      %dma_start3A = tpu.memref_slice %arg17[%multiple_of3A_38] : memref<1310720xf32, #tpu.memory_space<vmem_shared>> -> memref<2560xf32, #tpu.memory_space<vmem_shared>>
      %dma_start3A_239 = tpu.memref_slice %arg17[%multiple_of3A_38] : memref<1310720xf32, #tpu.memory_space<vmem_shared>> -> memref<2560xf32, #tpu.memory_space<vmem_shared>>
      tpu.enqueue_dma source(%arg14 : memref<2560xf32, #tpu.memory_space<vmem>>) target(%dma_start3A_239 : memref<2560xf32, #tpu.memory_space<vmem_shared>>) target_semaphore(%run_scoped3A : memref<!tpu.dma_semaphore, #tpu.memory_space<semaphore_mem>>)
      %dma_wait3A = tpu.memref_slice %arg17[%multiple_of3A_38] : memref<1310720xf32, #tpu.memory_space<vmem_shared>> -> memref<2560xf32, #tpu.memory_space<vmem_shared>>
      %dma_wait3A_240 = tpu.memref_slice %arg17[%multiple_of3A_38] : memref<1310720xf32, #tpu.memory_space<vmem_shared>> -> memref<2560xf32, #tpu.memory_space<vmem_shared>>
      tpu.wait_dma2 semaphore(%run_scoped3A : memref<!tpu.dma_semaphore, #tpu.memory_space<semaphore_mem>>) src(%arg14 : memref<2560xf32, #tpu.memory_space<vmem>>) dst(%dma_wait3A_240 : memref<2560xf32, #tpu.memory_space<vmem_shared>>)
      tpu.yield
    }) : () -> ()
    %add3A_39 = arith.constant 23040 : i32
    %add3A_40 = arith.addi %multiple_of3A, %add3A_39 : i32
    %multiple_of3A_41 = tpu.assume_multiple %add3A_40, 8 : i32
    "tpu.region"() ({
      %run_scoped3A = tpu.sem_alloc : memref<!tpu.dma_semaphore, #tpu.memory_space<semaphore_mem>>
      %dma_start3A = tpu.memref_slice %arg17[%multiple_of3A_41] : memref<1310720xf32, #tpu.memory_space<vmem_shared>> -> memref<2560xf32, #tpu.memory_space<vmem_shared>>
      %dma_start3A_239 = tpu.memref_slice %arg17[%multiple_of3A_41] : memref<1310720xf32, #tpu.memory_space<vmem_shared>> -> memref<2560xf32, #tpu.memory_space<vmem_shared>>
      tpu.enqueue_dma source(%arg14 : memref<2560xf32, #tpu.memory_space<vmem>>) target(%dma_start3A_239 : memref<2560xf32, #tpu.memory_space<vmem_shared>>) target_semaphore(%run_scoped3A : memref<!tpu.dma_semaphore, #tpu.memory_space<semaphore_mem>>)
      %dma_wait3A = tpu.memref_slice %arg17[%multiple_of3A_41] : memref<1310720xf32, #tpu.memory_space<vmem_shared>> -> memref<2560xf32, #tpu.memory_space<vmem_shared>>
      %dma_wait3A_240 = tpu.memref_slice %arg17[%multiple_of3A_41] : memref<1310720xf32, #tpu.memory_space<vmem_shared>> -> memref<2560xf32, #tpu.memory_space<vmem_shared>>
      tpu.wait_dma2 semaphore(%run_scoped3A : memref<!tpu.dma_semaphore, #tpu.memory_space<semaphore_mem>>) src(%arg14 : memref<2560xf32, #tpu.memory_space<vmem>>) dst(%dma_wait3A_240 : memref<2560xf32, #tpu.memory_space<vmem_shared>>)
      tpu.yield
    }) : () -> ()
    %add3A_42 = arith.constant 25600 : i32
    %add3A_43 = arith.addi %multiple_of3A, %add3A_42 : i32
    %multiple_of3A_44 = tpu.assume_multiple %add3A_43, 8 : i32
    "tpu.region"() ({
      %run_scoped3A = tpu.sem_alloc : memref<!tpu.dma_semaphore, #tpu.memory_space<semaphore_mem>>
      %dma_start3A = tpu.memref_slice %arg17[%multiple_of3A_44] : memref<1310720xf32, #tpu.memory_space<vmem_shared>> -> memref<2560xf32, #tpu.memory_space<vmem_shared>>
      %dma_start3A_239 = tpu.memref_slice %arg17[%multiple_of3A_44] : memref<1310720xf32, #tpu.memory_space<vmem_shared>> -> memref<2560xf32, #tpu.memory_space<vmem_shared>>
      tpu.enqueue_dma source(%arg14 : memref<2560xf32, #tpu.memory_space<vmem>>) target(%dma_start3A_239 : memref<2560xf32, #tpu.memory_space<vmem_shared>>) target_semaphore(%run_scoped3A : memref<!tpu.dma_semaphore, #tpu.memory_space<semaphore_mem>>)
      %dma_wait3A = tpu.memref_slice %arg17[%multiple_of3A_44] : memref<1310720xf32, #tpu.memory_space<vmem_shared>> -> memref<2560xf32, #tpu.memory_space<vmem_shared>>
      %dma_wait3A_240 = tpu.memref_slice %arg17[%multiple_of3A_44] : memref<1310720xf32, #tpu.memory_space<vmem_shared>> -> memref<2560xf32, #tpu.memory_space<vmem_shared>>
      tpu.wait_dma2 semaphore(%run_scoped3A : memref<!tpu.dma_semaphore, #tpu.memory_space<semaphore_mem>>) src(%arg14 : memref<2560xf32, #tpu.memory_space<vmem>>) dst(%dma_wait3A_240 : memref<2560xf32, #tpu.memory_space<vmem_shared>>)
      tpu.yield
    }) : () -> ()
    %add3A_45 = arith.constant 28160 : i32
    %add3A_46 = arith.addi %multiple_of3A, %add3A_45 : i32
    %multiple_of3A_47 = tpu.assume_multiple %add3A_46, 8 : i32
    "tpu.region"() ({
      %run_scoped3A = tpu.sem_alloc : memref<!tpu.dma_semaphore, #tpu.memory_space<semaphore_mem>>
      %dma_start3A = tpu.memref_slice %arg17[%multiple_of3A_47] : memref<1310720xf32, #tpu.memory_space<vmem_shared>> -> memref<2560xf32, #tpu.memory_space<vmem_shared>>
      %dma_start3A_239 = tpu.memref_slice %arg17[%multiple_of3A_47] : memref<1310720xf32, #tpu.memory_space<vmem_shared>> -> memref<2560xf32, #tpu.memory_space<vmem_shared>>
      tpu.enqueue_dma source(%arg14 : memref<2560xf32, #tpu.memory_space<vmem>>) target(%dma_start3A_239 : memref<2560xf32, #tpu.memory_space<vmem_shared>>) target_semaphore(%run_scoped3A : memref<!tpu.dma_semaphore, #tpu.memory_space<semaphore_mem>>)
      %dma_wait3A = tpu.memref_slice %arg17[%multiple_of3A_47] : memref<1310720xf32, #tpu.memory_space<vmem_shared>> -> memref<2560xf32, #tpu.memory_space<vmem_shared>>
      %dma_wait3A_240 = tpu.memref_slice %arg17[%multiple_of3A_47] : memref<1310720xf32, #tpu.memory_space<vmem_shared>> -> memref<2560xf32, #tpu.memory_space<vmem_shared>>
      tpu.wait_dma2 semaphore(%run_scoped3A : memref<!tpu.dma_semaphore, #tpu.memory_space<semaphore_mem>>) src(%arg14 : memref<2560xf32, #tpu.memory_space<vmem>>) dst(%dma_wait3A_240 : memref<2560xf32, #tpu.memory_space<vmem_shared>>)
      tpu.yield
    }) : () -> ()
    %add3A_48 = arith.constant 30720 : i32
    %add3A_49 = arith.addi %multiple_of3A, %add3A_48 : i32
    %multiple_of3A_50 = tpu.assume_multiple %add3A_49, 8 : i32
    "tpu.region"() ({
      %run_scoped3A = tpu.sem_alloc : memref<!tpu.dma_semaphore, #tpu.memory_space<semaphore_mem>>
      %dma_start3A = tpu.memref_slice %arg17[%multiple_of3A_50] : memref<1310720xf32, #tpu.memory_space<vmem_shared>> -> memref<2560xf32, #tpu.memory_space<vmem_shared>>
      %dma_start3A_239 = tpu.memref_slice %arg17[%multiple_of3A_50] : memref<1310720xf32, #tpu.memory_space<vmem_shared>> -> memref<2560xf32, #tpu.memory_space<vmem_shared>>
      tpu.enqueue_dma source(%arg14 : memref<2560xf32, #tpu.memory_space<vmem>>) target(%dma_start3A_239 : memref<2560xf32, #tpu.memory_space<vmem_shared>>) target_semaphore(%run_scoped3A : memref<!tpu.dma_semaphore, #tpu.memory_space<semaphore_mem>>)
      %dma_wait3A = tpu.memref_slice %arg17[%multiple_of3A_50] : memref<1310720xf32, #tpu.memory_space<vmem_shared>> -> memref<2560xf32, #tpu.memory_space<vmem_shared>>
      %dma_wait3A_240 = tpu.memref_slice %arg17[%multiple_of3A_50] : memref<1310720xf32, #tpu.memory_space<vmem_shared>> -> memref<2560xf32, #tpu.memory_space<vmem_shared>>
      tpu.wait_dma2 semaphore(%run_scoped3A : memref<!tpu.dma_semaphore, #tpu.memory_space<semaphore_mem>>) src(%arg14 : memref<2560xf32, #tpu.memory_space<vmem>>) dst(%dma_wait3A_240 : memref<2560xf32, #tpu.memory_space<vmem_shared>>)
      tpu.yield
    }) : () -> ()
    %add3A_51 = arith.constant 33280 : i32
    %add3A_52 = arith.addi %multiple_of3A, %add3A_51 : i32
    %multiple_of3A_53 = tpu.assume_multiple %add3A_52, 8 : i32
    "tpu.region"() ({
      %run_scoped3A = tpu.sem_alloc : memref<!tpu.dma_semaphore, #tpu.memory_space<semaphore_mem>>
      %dma_start3A = tpu.memref_slice %arg17[%multiple_of3A_53] : memref<1310720xf32, #tpu.memory_space<vmem_shared>> -> memref<2560xf32, #tpu.memory_space<vmem_shared>>
      %dma_start3A_239 = tpu.memref_slice %arg17[%multiple_of3A_53] : memref<1310720xf32, #tpu.memory_space<vmem_shared>> -> memref<2560xf32, #tpu.memory_space<vmem_shared>>
      tpu.enqueue_dma source(%arg14 : memref<2560xf32, #tpu.memory_space<vmem>>) target(%dma_start3A_239 : memref<2560xf32, #tpu.memory_space<vmem_shared>>) target_semaphore(%run_scoped3A : memref<!tpu.dma_semaphore, #tpu.memory_space<semaphore_mem>>)
      %dma_wait3A = tpu.memref_slice %arg17[%multiple_of3A_53] : memref<1310720xf32, #tpu.memory_space<vmem_shared>> -> memref<2560xf32, #tpu.memory_space<vmem_shared>>
      %dma_wait3A_240 = tpu.memref_slice %arg17[%multiple_of3A_53] : memref<1310720xf32, #tpu.memory_space<vmem_shared>> -> memref<2560xf32, #tpu.memory_space<vmem_shared>>
      tpu.wait_dma2 semaphore(%run_scoped3A : memref<!tpu.dma_semaphore, #tpu.memory_space<semaphore_mem>>) src(%arg14 : memref<2560xf32, #tpu.memory_space<vmem>>) dst(%dma_wait3A_240 : memref<2560xf32, #tpu.memory_space<vmem_shared>>)
      tpu.yield
    }) : () -> ()
    %add3A_54 = arith.constant 35840 : i32
    %add3A_55 = arith.addi %multiple_of3A, %add3A_54 : i32
    %multiple_of3A_56 = tpu.assume_multiple %add3A_55, 8 : i32
    "tpu.region"() ({
      %run_scoped3A = tpu.sem_alloc : memref<!tpu.dma_semaphore, #tpu.memory_space<semaphore_mem>>
      %dma_start3A = tpu.memref_slice %arg17[%multiple_of3A_56] : memref<1310720xf32, #tpu.memory_space<vmem_shared>> -> memref<2560xf32, #tpu.memory_space<vmem_shared>>
      %dma_start3A_239 = tpu.memref_slice %arg17[%multiple_of3A_56] : memref<1310720xf32, #tpu.memory_space<vmem_shared>> -> memref<2560xf32, #tpu.memory_space<vmem_shared>>
      tpu.enqueue_dma source(%arg14 : memref<2560xf32, #tpu.memory_space<vmem>>) target(%dma_start3A_239 : memref<2560xf32, #tpu.memory_space<vmem_shared>>) target_semaphore(%run_scoped3A : memref<!tpu.dma_semaphore, #tpu.memory_space<semaphore_mem>>)
      %dma_wait3A = tpu.memref_slice %arg17[%multiple_of3A_56] : memref<1310720xf32, #tpu.memory_space<vmem_shared>> -> memref<2560xf32, #tpu.memory_space<vmem_shared>>
      %dma_wait3A_240 = tpu.memref_slice %arg17[%multiple_of3A_56] : memref<1310720xf32, #tpu.memory_space<vmem_shared>> -> memref<2560xf32, #tpu.memory_space<vmem_shared>>
      tpu.wait_dma2 semaphore(%run_scoped3A : memref<!tpu.dma_semaphore, #tpu.memory_space<semaphore_mem>>) src(%arg14 : memref<2560xf32, #tpu.memory_space<vmem>>) dst(%dma_wait3A_240 : memref<2560xf32, #tpu.memory_space<vmem_shared>>)
      tpu.yield
    }) : () -> ()
    %add3A_57 = arith.constant 38400 : i32
    %add3A_58 = arith.addi %multiple_of3A, %add3A_57 : i32
    %multiple_of3A_59 = tpu.assume_multiple %add3A_58, 8 : i32
    "tpu.region"() ({
      %run_scoped3A = tpu.sem_alloc : memref<!tpu.dma_semaphore, #tpu.memory_space<semaphore_mem>>
      %dma_start3A = tpu.memref_slice %arg17[%multiple_of3A_59] : memref<1310720xf32, #tpu.memory_space<vmem_shared>> -> memref<2560xf32, #tpu.memory_space<vmem_shared>>
      %dma_start3A_239 = tpu.memref_slice %arg17[%multiple_of3A_59] : memref<1310720xf32, #tpu.memory_space<vmem_shared>> -> memref<2560xf32, #tpu.memory_space<vmem_shared>>
      tpu.enqueue_dma source(%arg14 : memref<2560xf32, #tpu.memory_space<vmem>>) target(%dma_start3A_239 : memref<2560xf32, #tpu.memory_space<vmem_shared>>) target_semaphore(%run_scoped3A : memref<!tpu.dma_semaphore, #tpu.memory_space<semaphore_mem>>)
      %dma_wait3A = tpu.memref_slice %arg17[%multiple_of3A_59] : memref<1310720xf32, #tpu.memory_space<vmem_shared>> -> memref<2560xf32, #tpu.memory_space<vmem_shared>>
      %dma_wait3A_240 = tpu.memref_slice %arg17[%multiple_of3A_59] : memref<1310720xf32, #tpu.memory_space<vmem_shared>> -> memref<2560xf32, #tpu.memory_space<vmem_shared>>
      tpu.wait_dma2 semaphore(%run_scoped3A : memref<!tpu.dma_semaphore, #tpu.memory_space<semaphore_mem>>) src(%arg14 : memref<2560xf32, #tpu.memory_space<vmem>>) dst(%dma_wait3A_240 : memref<2560xf32, #tpu.memory_space<vmem_shared>>)
      tpu.yield
    }) : () -> ()
    %add3A_60 = arith.constant 40960 : i32
    %add3A_61 = arith.addi %multiple_of3A, %add3A_60 : i32
    %multiple_of3A_62 = tpu.assume_multiple %add3A_61, 8 : i32
    "tpu.region"() ({
      %run_scoped3A = tpu.sem_alloc : memref<!tpu.dma_semaphore, #tpu.memory_space<semaphore_mem>>
      %dma_start3A = tpu.memref_slice %arg17[%multiple_of3A_62] : memref<1310720xf32, #tpu.memory_space<vmem_shared>> -> memref<2560xf32, #tpu.memory_space<vmem_shared>>
      %dma_start3A_239 = tpu.memref_slice %arg17[%multiple_of3A_62] : memref<1310720xf32, #tpu.memory_space<vmem_shared>> -> memref<2560xf32, #tpu.memory_space<vmem_shared>>
      tpu.enqueue_dma source(%arg14 : memref<2560xf32, #tpu.memory_space<vmem>>) target(%dma_start3A_239 : memref<2560xf32, #tpu.memory_space<vmem_shared>>) target_semaphore(%run_scoped3A : memref<!tpu.dma_semaphore, #tpu.memory_space<semaphore_mem>>)
      %dma_wait3A = tpu.memref_slice %arg17[%multiple_of3A_62] : memref<1310720xf32, #tpu.memory_space<vmem_shared>> -> memref<2560xf32, #tpu.memory_space<vmem_shared>>
      %dma_wait3A_240 = tpu.memref_slice %arg17[%multiple_of3A_62] : memref<1310720xf32, #tpu.memory_space<vmem_shared>> -> memref<2560xf32, #tpu.memory_space<vmem_shared>>
      tpu.wait_dma2 semaphore(%run_scoped3A : memref<!tpu.dma_semaphore, #tpu.memory_space<semaphore_mem>>) src(%arg14 : memref<2560xf32, #tpu.memory_space<vmem>>) dst(%dma_wait3A_240 : memref<2560xf32, #tpu.memory_space<vmem_shared>>)
      tpu.yield
    }) : () -> ()
    %add3A_63 = arith.constant 43520 : i32
    %add3A_64 = arith.addi %multiple_of3A, %add3A_63 : i32
    %multiple_of3A_65 = tpu.assume_multiple %add3A_64, 8 : i32
    "tpu.region"() ({
      %run_scoped3A = tpu.sem_alloc : memref<!tpu.dma_semaphore, #tpu.memory_space<semaphore_mem>>
      %dma_start3A = tpu.memref_slice %arg17[%multiple_of3A_65] : memref<1310720xf32, #tpu.memory_space<vmem_shared>> -> memref<2560xf32, #tpu.memory_space<vmem_shared>>
      %dma_start3A_239 = tpu.memref_slice %arg17[%multiple_of3A_65] : memref<1310720xf32, #tpu.memory_space<vmem_shared>> -> memref<2560xf32, #tpu.memory_space<vmem_shared>>
      tpu.enqueue_dma source(%arg14 : memref<2560xf32, #tpu.memory_space<vmem>>) target(%dma_start3A_239 : memref<2560xf32, #tpu.memory_space<vmem_shared>>) target_semaphore(%run_scoped3A : memref<!tpu.dma_semaphore, #tpu.memory_space<semaphore_mem>>)
      %dma_wait3A = tpu.memref_slice %arg17[%multiple_of3A_65] : memref<1310720xf32, #tpu.memory_space<vmem_shared>> -> memref<2560xf32, #tpu.memory_space<vmem_shared>>
      %dma_wait3A_240 = tpu.memref_slice %arg17[%multiple_of3A_65] : memref<1310720xf32, #tpu.memory_space<vmem_shared>> -> memref<2560xf32, #tpu.memory_space<vmem_shared>>
      tpu.wait_dma2 semaphore(%run_scoped3A : memref<!tpu.dma_semaphore, #tpu.memory_space<semaphore_mem>>) src(%arg14 : memref<2560xf32, #tpu.memory_space<vmem>>) dst(%dma_wait3A_240 : memref<2560xf32, #tpu.memory_space<vmem_shared>>)
      tpu.yield
    }) : () -> ()
    %add3A_66 = arith.constant 46080 : i32
    %add3A_67 = arith.addi %multiple_of3A, %add3A_66 : i32
    %multiple_of3A_68 = tpu.assume_multiple %add3A_67, 8 : i32
    "tpu.region"() ({
      %run_scoped3A = tpu.sem_alloc : memref<!tpu.dma_semaphore, #tpu.memory_space<semaphore_mem>>
      %dma_start3A = tpu.memref_slice %arg17[%multiple_of3A_68] : memref<1310720xf32, #tpu.memory_space<vmem_shared>> -> memref<2560xf32, #tpu.memory_space<vmem_shared>>
      %dma_start3A_239 = tpu.memref_slice %arg17[%multiple_of3A_68] : memref<1310720xf32, #tpu.memory_space<vmem_shared>> -> memref<2560xf32, #tpu.memory_space<vmem_shared>>
      tpu.enqueue_dma source(%arg14 : memref<2560xf32, #tpu.memory_space<vmem>>) target(%dma_start3A_239 : memref<2560xf32, #tpu.memory_space<vmem_shared>>) target_semaphore(%run_scoped3A : memref<!tpu.dma_semaphore, #tpu.memory_space<semaphore_mem>>)
      %dma_wait3A = tpu.memref_slice %arg17[%multiple_of3A_68] : memref<1310720xf32, #tpu.memory_space<vmem_shared>> -> memref<2560xf32, #tpu.memory_space<vmem_shared>>
      %dma_wait3A_240 = tpu.memref_slice %arg17[%multiple_of3A_68] : memref<1310720xf32, #tpu.memory_space<vmem_shared>> -> memref<2560xf32, #tpu.memory_space<vmem_shared>>
      tpu.wait_dma2 semaphore(%run_scoped3A : memref<!tpu.dma_semaphore, #tpu.memory_space<semaphore_mem>>) src(%arg14 : memref<2560xf32, #tpu.memory_space<vmem>>) dst(%dma_wait3A_240 : memref<2560xf32, #tpu.memory_space<vmem_shared>>)
      tpu.yield
    }) : () -> ()
    %add3A_69 = arith.constant 48640 : i32
    %add3A_70 = arith.addi %multiple_of3A, %add3A_69 : i32
    %multiple_of3A_71 = tpu.assume_multiple %add3A_70, 8 : i32
    "tpu.region"() ({
      %run_scoped3A = tpu.sem_alloc : memref<!tpu.dma_semaphore, #tpu.memory_space<semaphore_mem>>
      %dma_start3A = tpu.memref_slice %arg17[%multiple_of3A_71] : memref<1310720xf32, #tpu.memory_space<vmem_shared>> -> memref<2560xf32, #tpu.memory_space<vmem_shared>>
      %dma_start3A_239 = tpu.memref_slice %arg17[%multiple_of3A_71] : memref<1310720xf32, #tpu.memory_space<vmem_shared>> -> memref<2560xf32, #tpu.memory_space<vmem_shared>>
      tpu.enqueue_dma source(%arg14 : memref<2560xf32, #tpu.memory_space<vmem>>) target(%dma_start3A_239 : memref<2560xf32, #tpu.memory_space<vmem_shared>>) target_semaphore(%run_scoped3A : memref<!tpu.dma_semaphore, #tpu.memory_space<semaphore_mem>>)
      %dma_wait3A = tpu.memref_slice %arg17[%multiple_of3A_71] : memref<1310720xf32, #tpu.memory_space<vmem_shared>> -> memref<2560xf32, #tpu.memory_space<vmem_shared>>
      %dma_wait3A_240 = tpu.memref_slice %arg17[%multiple_of3A_71] : memref<1310720xf32, #tpu.memory_space<vmem_shared>> -> memref<2560xf32, #tpu.memory_space<vmem_shared>>
      tpu.wait_dma2 semaphore(%run_scoped3A : memref<!tpu.dma_semaphore, #tpu.memory_space<semaphore_mem>>) src(%arg14 : memref<2560xf32, #tpu.memory_space<vmem>>) dst(%dma_wait3A_240 : memref<2560xf32, #tpu.memory_space<vmem_shared>>)
      tpu.yield
    }) : () -> ()
    %add3A_72 = arith.constant 51200 : i32
    %add3A_73 = arith.addi %multiple_of3A, %add3A_72 : i32
    %multiple_of3A_74 = tpu.assume_multiple %add3A_73, 8 : i32
    "tpu.region"() ({
      %run_scoped3A = tpu.sem_alloc : memref<!tpu.dma_semaphore, #tpu.memory_space<semaphore_mem>>
      %dma_start3A = tpu.memref_slice %arg17[%multiple_of3A_74] : memref<1310720xf32, #tpu.memory_space<vmem_shared>> -> memref<2560xf32, #tpu.memory_space<vmem_shared>>
      %dma_start3A_239 = tpu.memref_slice %arg17[%multiple_of3A_74] : memref<1310720xf32, #tpu.memory_space<vmem_shared>> -> memref<2560xf32, #tpu.memory_space<vmem_shared>>
      tpu.enqueue_dma source(%arg14 : memref<2560xf32, #tpu.memory_space<vmem>>) target(%dma_start3A_239 : memref<2560xf32, #tpu.memory_space<vmem_shared>>) target_semaphore(%run_scoped3A : memref<!tpu.dma_semaphore, #tpu.memory_space<semaphore_mem>>)
      %dma_wait3A = tpu.memref_slice %arg17[%multiple_of3A_74] : memref<1310720xf32, #tpu.memory_space<vmem_shared>> -> memref<2560xf32, #tpu.memory_space<vmem_shared>>
      %dma_wait3A_240 = tpu.memref_slice %arg17[%multiple_of3A_74] : memref<1310720xf32, #tpu.memory_space<vmem_shared>> -> memref<2560xf32, #tpu.memory_space<vmem_shared>>
      tpu.wait_dma2 semaphore(%run_scoped3A : memref<!tpu.dma_semaphore, #tpu.memory_space<semaphore_mem>>) src(%arg14 : memref<2560xf32, #tpu.memory_space<vmem>>) dst(%dma_wait3A_240 : memref<2560xf32, #tpu.memory_space<vmem_shared>>)
      tpu.yield
    }) : () -> ()
    %add3A_75 = arith.constant 53760 : i32
    %add3A_76 = arith.addi %multiple_of3A, %add3A_75 : i32
    %multiple_of3A_77 = tpu.assume_multiple %add3A_76, 8 : i32
    "tpu.region"() ({
      %run_scoped3A = tpu.sem_alloc : memref<!tpu.dma_semaphore, #tpu.memory_space<semaphore_mem>>
      %dma_start3A = tpu.memref_slice %arg17[%multiple_of3A_77] : memref<1310720xf32, #tpu.memory_space<vmem_shared>> -> memref<2560xf32, #tpu.memory_space<vmem_shared>>
      %dma_start3A_239 = tpu.memref_slice %arg17[%multiple_of3A_77] : memref<1310720xf32, #tpu.memory_space<vmem_shared>> -> memref<2560xf32, #tpu.memory_space<vmem_shared>>
      tpu.enqueue_dma source(%arg14 : memref<2560xf32, #tpu.memory_space<vmem>>) target(%dma_start3A_239 : memref<2560xf32, #tpu.memory_space<vmem_shared>>) target_semaphore(%run_scoped3A : memref<!tpu.dma_semaphore, #tpu.memory_space<semaphore_mem>>)
      %dma_wait3A = tpu.memref_slice %arg17[%multiple_of3A_77] : memref<1310720xf32, #tpu.memory_space<vmem_shared>> -> memref<2560xf32, #tpu.memory_space<vmem_shared>>
      %dma_wait3A_240 = tpu.memref_slice %arg17[%multiple_of3A_77] : memref<1310720xf32, #tpu.memory_space<vmem_shared>> -> memref<2560xf32, #tpu.memory_space<vmem_shared>>
      tpu.wait_dma2 semaphore(%run_scoped3A : memref<!tpu.dma_semaphore, #tpu.memory_space<semaphore_mem>>) src(%arg14 : memref<2560xf32, #tpu.memory_space<vmem>>) dst(%dma_wait3A_240 : memref<2560xf32, #tpu.memory_space<vmem_shared>>)
      tpu.yield
    }) : () -> ()
    %add3A_78 = arith.constant 56320 : i32
    %add3A_79 = arith.addi %multiple_of3A, %add3A_78 : i32
    %multiple_of3A_80 = tpu.assume_multiple %add3A_79, 8 : i32
    "tpu.region"() ({
      %run_scoped3A = tpu.sem_alloc : memref<!tpu.dma_semaphore, #tpu.memory_space<semaphore_mem>>
      %dma_start3A = tpu.memref_slice %arg17[%multiple_of3A_80] : memref<1310720xf32, #tpu.memory_space<vmem_shared>> -> memref<2560xf32, #tpu.memory_space<vmem_shared>>
      %dma_start3A_239 = tpu.memref_slice %arg17[%multiple_of3A_80] : memref<1310720xf32, #tpu.memory_space<vmem_shared>> -> memref<2560xf32, #tpu.memory_space<vmem_shared>>
      tpu.enqueue_dma source(%arg14 : memref<2560xf32, #tpu.memory_space<vmem>>) target(%dma_start3A_239 : memref<2560xf32, #tpu.memory_space<vmem_shared>>) target_semaphore(%run_scoped3A : memref<!tpu.dma_semaphore, #tpu.memory_space<semaphore_mem>>)
      %dma_wait3A = tpu.memref_slice %arg17[%multiple_of3A_80] : memref<1310720xf32, #tpu.memory_space<vmem_shared>> -> memref<2560xf32, #tpu.memory_space<vmem_shared>>
      %dma_wait3A_240 = tpu.memref_slice %arg17[%multiple_of3A_80] : memref<1310720xf32, #tpu.memory_space<vmem_shared>> -> memref<2560xf32, #tpu.memory_space<vmem_shared>>
      tpu.wait_dma2 semaphore(%run_scoped3A : memref<!tpu.dma_semaphore, #tpu.memory_space<semaphore_mem>>) src(%arg14 : memref<2560xf32, #tpu.memory_space<vmem>>) dst(%dma_wait3A_240 : memref<2560xf32, #tpu.memory_space<vmem_shared>>)
      tpu.yield
    }) : () -> ()
    %add3A_81 = arith.constant 58880 : i32
    %add3A_82 = arith.addi %multiple_of3A, %add3A_81 : i32
    %multiple_of3A_83 = tpu.assume_multiple %add3A_82, 8 : i32
    "tpu.region"() ({
      %run_scoped3A = tpu.sem_alloc : memref<!tpu.dma_semaphore, #tpu.memory_space<semaphore_mem>>
      %dma_start3A = tpu.memref_slice %arg17[%multiple_of3A_83] : memref<1310720xf32, #tpu.memory_space<vmem_shared>> -> memref<2560xf32, #tpu.memory_space<vmem_shared>>
      %dma_start3A_239 = tpu.memref_slice %arg17[%multiple_of3A_83] : memref<1310720xf32, #tpu.memory_space<vmem_shared>> -> memref<2560xf32, #tpu.memory_space<vmem_shared>>
      tpu.enqueue_dma source(%arg14 : memref<2560xf32, #tpu.memory_space<vmem>>) target(%dma_start3A_239 : memref<2560xf32, #tpu.memory_space<vmem_shared>>) target_semaphore(%run_scoped3A : memref<!tpu.dma_semaphore, #tpu.memory_space<semaphore_mem>>)
      %dma_wait3A = tpu.memref_slice %arg17[%multiple_of3A_83] : memref<1310720xf32, #tpu.memory_space<vmem_shared>> -> memref<2560xf32, #tpu.memory_space<vmem_shared>>
      %dma_wait3A_240 = tpu.memref_slice %arg17[%multiple_of3A_83] : memref<1310720xf32, #tpu.memory_space<vmem_shared>> -> memref<2560xf32, #tpu.memory_space<vmem_shared>>
      tpu.wait_dma2 semaphore(%run_scoped3A : memref<!tpu.dma_semaphore, #tpu.memory_space<semaphore_mem>>) src(%arg14 : memref<2560xf32, #tpu.memory_space<vmem>>) dst(%dma_wait3A_240 : memref<2560xf32, #tpu.memory_space<vmem_shared>>)
      tpu.yield
    }) : () -> ()
    %add3A_84 = arith.constant 61440 : i32
    %add3A_85 = arith.addi %multiple_of3A, %add3A_84 : i32
    %multiple_of3A_86 = tpu.assume_multiple %add3A_85, 8 : i32
    "tpu.region"() ({
      %run_scoped3A = tpu.sem_alloc : memref<!tpu.dma_semaphore, #tpu.memory_space<semaphore_mem>>
      %dma_start3A = tpu.memref_slice %arg17[%multiple_of3A_86] : memref<1310720xf32, #tpu.memory_space<vmem_shared>> -> memref<2560xf32, #tpu.memory_space<vmem_shared>>
      %dma_start3A_239 = tpu.memref_slice %arg17[%multiple_of3A_86] : memref<1310720xf32, #tpu.memory_space<vmem_shared>> -> memref<2560xf32, #tpu.memory_space<vmem_shared>>
      tpu.enqueue_dma source(%arg14 : memref<2560xf32, #tpu.memory_space<vmem>>) target(%dma_start3A_239 : memref<2560xf32, #tpu.memory_space<vmem_shared>>) target_semaphore(%run_scoped3A : memref<!tpu.dma_semaphore, #tpu.memory_space<semaphore_mem>>)
      %dma_wait3A = tpu.memref_slice %arg17[%multiple_of3A_86] : memref<1310720xf32, #tpu.memory_space<vmem_shared>> -> memref<2560xf32, #tpu.memory_space<vmem_shared>>
      %dma_wait3A_240 = tpu.memref_slice %arg17[%multiple_of3A_86] : memref<1310720xf32, #tpu.memory_space<vmem_shared>> -> memref<2560xf32, #tpu.memory_space<vmem_shared>>
      tpu.wait_dma2 semaphore(%run_scoped3A : memref<!tpu.dma_semaphore, #tpu.memory_space<semaphore_mem>>) src(%arg14 : memref<2560xf32, #tpu.memory_space<vmem>>) dst(%dma_wait3A_240 : memref<2560xf32, #tpu.memory_space<vmem_shared>>)
      tpu.yield
    }) : () -> ()
    %add3A_87 = arith.constant 64000 : i32
    %add3A_88 = arith.addi %multiple_of3A, %add3A_87 : i32
    %multiple_of3A_89 = tpu.assume_multiple %add3A_88, 8 : i32
    "tpu.region"() ({
      %run_scoped3A = tpu.sem_alloc : memref<!tpu.dma_semaphore, #tpu.memory_space<semaphore_mem>>
      %dma_start3A = tpu.memref_slice %arg17[%multiple_of3A_89] : memref<1310720xf32, #tpu.memory_space<vmem_shared>> -> memref<2560xf32, #tpu.memory_space<vmem_shared>>
      %dma_start3A_239 = tpu.memref_slice %arg17[%multiple_of3A_89] : memref<1310720xf32, #tpu.memory_space<vmem_shared>> -> memref<2560xf32, #tpu.memory_space<vmem_shared>>
      tpu.enqueue_dma source(%arg14 : memref<2560xf32, #tpu.memory_space<vmem>>) target(%dma_start3A_239 : memref<2560xf32, #tpu.memory_space<vmem_shared>>) target_semaphore(%run_scoped3A : memref<!tpu.dma_semaphore, #tpu.memory_space<semaphore_mem>>)
      %dma_wait3A = tpu.memref_slice %arg17[%multiple_of3A_89] : memref<1310720xf32, #tpu.memory_space<vmem_shared>> -> memref<2560xf32, #tpu.memory_space<vmem_shared>>
      %dma_wait3A_240 = tpu.memref_slice %arg17[%multiple_of3A_89] : memref<1310720xf32, #tpu.memory_space<vmem_shared>> -> memref<2560xf32, #tpu.memory_space<vmem_shared>>
      tpu.wait_dma2 semaphore(%run_scoped3A : memref<!tpu.dma_semaphore, #tpu.memory_space<semaphore_mem>>) src(%arg14 : memref<2560xf32, #tpu.memory_space<vmem>>) dst(%dma_wait3A_240 : memref<2560xf32, #tpu.memory_space<vmem_shared>>)
      tpu.yield
    }) : () -> ()
    %add3A_90 = arith.constant 66560 : i32
    %add3A_91 = arith.addi %multiple_of3A, %add3A_90 : i32
    %multiple_of3A_92 = tpu.assume_multiple %add3A_91, 8 : i32
    "tpu.region"() ({
      %run_scoped3A = tpu.sem_alloc : memref<!tpu.dma_semaphore, #tpu.memory_space<semaphore_mem>>
      %dma_start3A = tpu.memref_slice %arg17[%multiple_of3A_92] : memref<1310720xf32, #tpu.memory_space<vmem_shared>> -> memref<2560xf32, #tpu.memory_space<vmem_shared>>
      %dma_start3A_239 = tpu.memref_slice %arg17[%multiple_of3A_92] : memref<1310720xf32, #tpu.memory_space<vmem_shared>> -> memref<2560xf32, #tpu.memory_space<vmem_shared>>
      tpu.enqueue_dma source(%arg14 : memref<2560xf32, #tpu.memory_space<vmem>>) target(%dma_start3A_239 : memref<2560xf32, #tpu.memory_space<vmem_shared>>) target_semaphore(%run_scoped3A : memref<!tpu.dma_semaphore, #tpu.memory_space<semaphore_mem>>)
      %dma_wait3A = tpu.memref_slice %arg17[%multiple_of3A_92] : memref<1310720xf32, #tpu.memory_space<vmem_shared>> -> memref<2560xf32, #tpu.memory_space<vmem_shared>>
      %dma_wait3A_240 = tpu.memref_slice %arg17[%multiple_of3A_92] : memref<1310720xf32, #tpu.memory_space<vmem_shared>> -> memref<2560xf32, #tpu.memory_space<vmem_shared>>
      tpu.wait_dma2 semaphore(%run_scoped3A : memref<!tpu.dma_semaphore, #tpu.memory_space<semaphore_mem>>) src(%arg14 : memref<2560xf32, #tpu.memory_space<vmem>>) dst(%dma_wait3A_240 : memref<2560xf32, #tpu.memory_space<vmem_shared>>)
      tpu.yield
    }) : () -> ()
    %add3A_93 = arith.constant 69120 : i32
    %add3A_94 = arith.addi %multiple_of3A, %add3A_93 : i32
    %multiple_of3A_95 = tpu.assume_multiple %add3A_94, 8 : i32
    "tpu.region"() ({
      %run_scoped3A = tpu.sem_alloc : memref<!tpu.dma_semaphore, #tpu.memory_space<semaphore_mem>>
      %dma_start3A = tpu.memref_slice %arg17[%multiple_of3A_95] : memref<1310720xf32, #tpu.memory_space<vmem_shared>> -> memref<2560xf32, #tpu.memory_space<vmem_shared>>
      %dma_start3A_239 = tpu.memref_slice %arg17[%multiple_of3A_95] : memref<1310720xf32, #tpu.memory_space<vmem_shared>> -> memref<2560xf32, #tpu.memory_space<vmem_shared>>
      tpu.enqueue_dma source(%arg14 : memref<2560xf32, #tpu.memory_space<vmem>>) target(%dma_start3A_239 : memref<2560xf32, #tpu.memory_space<vmem_shared>>) target_semaphore(%run_scoped3A : memref<!tpu.dma_semaphore, #tpu.memory_space<semaphore_mem>>)
      %dma_wait3A = tpu.memref_slice %arg17[%multiple_of3A_95] : memref<1310720xf32, #tpu.memory_space<vmem_shared>> -> memref<2560xf32, #tpu.memory_space<vmem_shared>>
      %dma_wait3A_240 = tpu.memref_slice %arg17[%multiple_of3A_95] : memref<1310720xf32, #tpu.memory_space<vmem_shared>> -> memref<2560xf32, #tpu.memory_space<vmem_shared>>
      tpu.wait_dma2 semaphore(%run_scoped3A : memref<!tpu.dma_semaphore, #tpu.memory_space<semaphore_mem>>) src(%arg14 : memref<2560xf32, #tpu.memory_space<vmem>>) dst(%dma_wait3A_240 : memref<2560xf32, #tpu.memory_space<vmem_shared>>)
      tpu.yield
    }) : () -> ()
    %add3A_96 = arith.constant 71680 : i32
    %add3A_97 = arith.addi %multiple_of3A, %add3A_96 : i32
    %multiple_of3A_98 = tpu.assume_multiple %add3A_97, 8 : i32
    "tpu.region"() ({
      %run_scoped3A = tpu.sem_alloc : memref<!tpu.dma_semaphore, #tpu.memory_space<semaphore_mem>>
      %dma_start3A = tpu.memref_slice %arg17[%multiple_of3A_98] : memref<1310720xf32, #tpu.memory_space<vmem_shared>> -> memref<2560xf32, #tpu.memory_space<vmem_shared>>
      %dma_start3A_239 = tpu.memref_slice %arg17[%multiple_of3A_98] : memref<1310720xf32, #tpu.memory_space<vmem_shared>> -> memref<2560xf32, #tpu.memory_space<vmem_shared>>
      tpu.enqueue_dma source(%arg14 : memref<2560xf32, #tpu.memory_space<vmem>>) target(%dma_start3A_239 : memref<2560xf32, #tpu.memory_space<vmem_shared>>) target_semaphore(%run_scoped3A : memref<!tpu.dma_semaphore, #tpu.memory_space<semaphore_mem>>)
      %dma_wait3A = tpu.memref_slice %arg17[%multiple_of3A_98] : memref<1310720xf32, #tpu.memory_space<vmem_shared>> -> memref<2560xf32, #tpu.memory_space<vmem_shared>>
      %dma_wait3A_240 = tpu.memref_slice %arg17[%multiple_of3A_98] : memref<1310720xf32, #tpu.memory_space<vmem_shared>> -> memref<2560xf32, #tpu.memory_space<vmem_shared>>
      tpu.wait_dma2 semaphore(%run_scoped3A : memref<!tpu.dma_semaphore, #tpu.memory_space<semaphore_mem>>) src(%arg14 : memref<2560xf32, #tpu.memory_space<vmem>>) dst(%dma_wait3A_240 : memref<2560xf32, #tpu.memory_space<vmem_shared>>)
      tpu.yield
    }) : () -> ()
    %add3A_99 = arith.constant 74240 : i32
    %add3A_100 = arith.addi %multiple_of3A, %add3A_99 : i32
    %multiple_of3A_101 = tpu.assume_multiple %add3A_100, 8 : i32
    "tpu.region"() ({
      %run_scoped3A = tpu.sem_alloc : memref<!tpu.dma_semaphore, #tpu.memory_space<semaphore_mem>>
      %dma_start3A = tpu.memref_slice %arg17[%multiple_of3A_101] : memref<1310720xf32, #tpu.memory_space<vmem_shared>> -> memref<2560xf32, #tpu.memory_space<vmem_shared>>
      %dma_start3A_239 = tpu.memref_slice %arg17[%multiple_of3A_101] : memref<1310720xf32, #tpu.memory_space<vmem_shared>> -> memref<2560xf32, #tpu.memory_space<vmem_shared>>
      tpu.enqueue_dma source(%arg14 : memref<2560xf32, #tpu.memory_space<vmem>>) target(%dma_start3A_239 : memref<2560xf32, #tpu.memory_space<vmem_shared>>) target_semaphore(%run_scoped3A : memref<!tpu.dma_semaphore, #tpu.memory_space<semaphore_mem>>)
      %dma_wait3A = tpu.memref_slice %arg17[%multiple_of3A_101] : memref<1310720xf32, #tpu.memory_space<vmem_shared>> -> memref<2560xf32, #tpu.memory_space<vmem_shared>>
      %dma_wait3A_240 = tpu.memref_slice %arg17[%multiple_of3A_101] : memref<1310720xf32, #tpu.memory_space<vmem_shared>> -> memref<2560xf32, #tpu.memory_space<vmem_shared>>
      tpu.wait_dma2 semaphore(%run_scoped3A : memref<!tpu.dma_semaphore, #tpu.memory_space<semaphore_mem>>) src(%arg14 : memref<2560xf32, #tpu.memory_space<vmem>>) dst(%dma_wait3A_240 : memref<2560xf32, #tpu.memory_space<vmem_shared>>)
      tpu.yield
    }) : () -> ()
    %add3A_102 = arith.constant 76800 : i32
    %add3A_103 = arith.addi %multiple_of3A, %add3A_102 : i32
    %multiple_of3A_104 = tpu.assume_multiple %add3A_103, 8 : i32
    "tpu.region"() ({
      %run_scoped3A = tpu.sem_alloc : memref<!tpu.dma_semaphore, #tpu.memory_space<semaphore_mem>>
      %dma_start3A = tpu.memref_slice %arg17[%multiple_of3A_104] : memref<1310720xf32, #tpu.memory_space<vmem_shared>> -> memref<2560xf32, #tpu.memory_space<vmem_shared>>
      %dma_start3A_239 = tpu.memref_slice %arg17[%multiple_of3A_104] : memref<1310720xf32, #tpu.memory_space<vmem_shared>> -> memref<2560xf32, #tpu.memory_space<vmem_shared>>
      tpu.enqueue_dma source(%arg14 : memref<2560xf32, #tpu.memory_space<vmem>>) target(%dma_start3A_239 : memref<2560xf32, #tpu.memory_space<vmem_shared>>) target_semaphore(%run_scoped3A : memref<!tpu.dma_semaphore, #tpu.memory_space<semaphore_mem>>)
      %dma_wait3A = tpu.memref_slice %arg17[%multiple_of3A_104] : memref<1310720xf32, #tpu.memory_space<vmem_shared>> -> memref<2560xf32, #tpu.memory_space<vmem_shared>>
      %dma_wait3A_240 = tpu.memref_slice %arg17[%multiple_of3A_104] : memref<1310720xf32, #tpu.memory_space<vmem_shared>> -> memref<2560xf32, #tpu.memory_space<vmem_shared>>
      tpu.wait_dma2 semaphore(%run_scoped3A : memref<!tpu.dma_semaphore, #tpu.memory_space<semaphore_mem>>) src(%arg14 : memref<2560xf32, #tpu.memory_space<vmem>>) dst(%dma_wait3A_240 : memref<2560xf32, #tpu.memory_space<vmem_shared>>)
      tpu.yield
    }) : () -> ()
    %add3A_105 = arith.constant 79360 : i32
    %add3A_106 = arith.addi %multiple_of3A, %add3A_105 : i32
    %multiple_of3A_107 = tpu.assume_multiple %add3A_106, 8 : i32
    "tpu.region"() ({
      %run_scoped3A = tpu.sem_alloc : memref<!tpu.dma_semaphore, #tpu.memory_space<semaphore_mem>>
      %dma_start3A = tpu.memref_slice %arg17[%multiple_of3A_107] : memref<1310720xf32, #tpu.memory_space<vmem_shared>> -> memref<2560xf32, #tpu.memory_space<vmem_shared>>
      %dma_start3A_239 = tpu.memref_slice %arg17[%multiple_of3A_107] : memref<1310720xf32, #tpu.memory_space<vmem_shared>> -> memref<2560xf32, #tpu.memory_space<vmem_shared>>
      tpu.enqueue_dma source(%arg14 : memref<2560xf32, #tpu.memory_space<vmem>>) target(%dma_start3A_239 : memref<2560xf32, #tpu.memory_space<vmem_shared>>) target_semaphore(%run_scoped3A : memref<!tpu.dma_semaphore, #tpu.memory_space<semaphore_mem>>)
      %dma_wait3A = tpu.memref_slice %arg17[%multiple_of3A_107] : memref<1310720xf32, #tpu.memory_space<vmem_shared>> -> memref<2560xf32, #tpu.memory_space<vmem_shared>>
      %dma_wait3A_240 = tpu.memref_slice %arg17[%multiple_of3A_107] : memref<1310720xf32, #tpu.memory_space<vmem_shared>> -> memref<2560xf32, #tpu.memory_space<vmem_shared>>
      tpu.wait_dma2 semaphore(%run_scoped3A : memref<!tpu.dma_semaphore, #tpu.memory_space<semaphore_mem>>) src(%arg14 : memref<2560xf32, #tpu.memory_space<vmem>>) dst(%dma_wait3A_240 : memref<2560xf32, #tpu.memory_space<vmem_shared>>)
      tpu.yield
    }) : () -> ()
    %barrier3A = arith.constant 0 : index
    tpu.barrier barrier_id(%barrier3A)
    %get3A = arith.constant 0 : i32
    %get3A_108 = arith.index_cast %get3A : i32 to index
    %get3A_109 = arith.constant 0 : index
    %get3A_110 = tpu.vector_load %arg13[%get3A_108, %get3A_109] {strides = array<i32>} : memref<3x128xf32, #tpu.memory_space<vmem>>, vector<1x16xf32>,
    %get3A_111 = vector.shape_cast %get3A_110 : vector<1x16xf32> to vector<16xf32>
    %get3A_112 = arith.constant 1 : i32
    %get3A_113 = arith.index_cast %get3A_112 : i32 to index
    %get3A_114 = arith.constant 0 : index
    %get3A_115 = tpu.vector_load %arg13[%get3A_113, %get3A_114] {strides = array<i32>} : memref<3x128xf32, #tpu.memory_space<vmem>>, vector<1x16xf32>,
    %get3A_116 = vector.shape_cast %get3A_115 : vector<1x16xf32> to vector<16xf32>
    %get3A_117 = arith.constant 2 : i32
    %get3A_118 = arith.index_cast %get3A_117 : i32 to index
    %get3A_119 = arith.constant 0 : index
    %get3A_120 = tpu.vector_load %arg13[%get3A_118, %get3A_119] {strides = array<i32>} : memref<3x128xf32, #tpu.memory_space<vmem>>, vector<1x16xf32>,
    %get3A_121 = vector.shape_cast %get3A_120 : vector<1x16xf32> to vector<16xf32>
    %get3A_122 = arith.constant 0 : i32
    %get3A_123 = arith.index_cast %get3A_122 : i32 to index
    %get3A_124 = arith.constant 16 : index
    %get3A_125 = tpu.vector_load %arg13[%get3A_123, %get3A_124] {strides = array<i32>} : memref<3x128xf32, #tpu.memory_space<vmem>>, vector<1x16xf32>,
    %get3A_126 = vector.shape_cast %get3A_125 : vector<1x16xf32> to vector<16xf32>
    %get3A_127 = arith.constant 1 : i32
    %get3A_128 = arith.index_cast %get3A_127 : i32 to index
    %get3A_129 = arith.constant 16 : index
    %get3A_130 = tpu.vector_load %arg13[%get3A_128, %get3A_129] {strides = array<i32>} : memref<3x128xf32, #tpu.memory_space<vmem>>, vector<1x16xf32>,
    %get3A_131 = vector.shape_cast %get3A_130 : vector<1x16xf32> to vector<16xf32>
    %get3A_132 = arith.constant 2 : i32
    %get3A_133 = arith.index_cast %get3A_132 : i32 to index
    %get3A_134 = arith.constant 16 : index
    %get3A_135 = tpu.vector_load %arg13[%get3A_133, %get3A_134] {strides = array<i32>} : memref<3x128xf32, #tpu.memory_space<vmem>>, vector<1x16xf32>,
    %get3A_136 = vector.shape_cast %get3A_135 : vector<1x16xf32> to vector<16xf32>
    %get3A_137 = arith.constant 0 : i32
    %get3A_138 = arith.index_cast %get3A_137 : i32 to index
    %get3A_139 = arith.constant 32 : index
    %get3A_140 = tpu.vector_load %arg13[%get3A_138, %get3A_139] {strides = array<i32>} : memref<3x128xf32, #tpu.memory_space<vmem>>, vector<1x16xf32>,
    %get3A_141 = vector.shape_cast %get3A_140 : vector<1x16xf32> to vector<16xf32>
    %get3A_142 = arith.constant 1 : i32
    %get3A_143 = arith.index_cast %get3A_142 : i32 to index
    %get3A_144 = arith.constant 32 : index
    %get3A_145 = tpu.vector_load %arg13[%get3A_143, %get3A_144] {strides = array<i32>} : memref<3x128xf32, #tpu.memory_space<vmem>>, vector<1x16xf32>,
    %get3A_146 = vector.shape_cast %get3A_145 : vector<1x16xf32> to vector<16xf32>
    %get3A_147 = arith.constant 2 : i32
    %get3A_148 = arith.index_cast %get3A_147 : i32 to index
    %get3A_149 = arith.constant 32 : index
    %get3A_150 = tpu.vector_load %arg13[%get3A_148, %get3A_149] {strides = array<i32>} : memref<3x128xf32, #tpu.memory_space<vmem>>, vector<1x16xf32>,
    %get3A_151 = vector.shape_cast %get3A_150 : vector<1x16xf32> to vector<16xf32>
    %get3A_152 = arith.constant 0 : i32
    %get3A_153 = arith.index_cast %get3A_152 : i32 to index
    %get3A_154 = arith.constant 48 : index
    %get3A_155 = tpu.vector_load %arg13[%get3A_153, %get3A_154] {strides = array<i32>} : memref<3x128xf32, #tpu.memory_space<vmem>>, vector<1x16xf32>,
    %get3A_156 = vector.shape_cast %get3A_155 : vector<1x16xf32> to vector<16xf32>
    %get3A_157 = arith.constant 1 : i32
    %get3A_158 = arith.index_cast %get3A_157 : i32 to index
    %get3A_159 = arith.constant 48 : index
    %get3A_160 = tpu.vector_load %arg13[%get3A_158, %get3A_159] {strides = array<i32>} : memref<3x128xf32, #tpu.memory_space<vmem>>, vector<1x16xf32>,
    %get3A_161 = vector.shape_cast %get3A_160 : vector<1x16xf32> to vector<16xf32>
    %get3A_162 = arith.constant 2 : i32
    %get3A_163 = arith.index_cast %get3A_162 : i32 to index
    %get3A_164 = arith.constant 48 : index
    %get3A_165 = tpu.vector_load %arg13[%get3A_163, %get3A_164] {strides = array<i32>} : memref<3x128xf32, #tpu.memory_space<vmem>>, vector<1x16xf32>,
    %get3A_166 = vector.shape_cast %get3A_165 : vector<1x16xf32> to vector<16xf32>
    %get3A_167 = arith.constant 0 : i32
    %get3A_168 = arith.index_cast %get3A_167 : i32 to index
    %get3A_169 = arith.constant 64 : index
    %get3A_170 = tpu.vector_load %arg13[%get3A_168, %get3A_169] {strides = array<i32>} : memref<3x128xf32, #tpu.memory_space<vmem>>, vector<1x16xf32>,
    %get3A_171 = vector.shape_cast %get3A_170 : vector<1x16xf32> to vector<16xf32>
    %get3A_172 = arith.constant 1 : i32
    %get3A_173 = arith.index_cast %get3A_172 : i32 to index
    %get3A_174 = arith.constant 64 : index
    %get3A_175 = tpu.vector_load %arg13[%get3A_173, %get3A_174] {strides = array<i32>} : memref<3x128xf32, #tpu.memory_space<vmem>>, vector<1x16xf32>,
    %get3A_176 = vector.shape_cast %get3A_175 : vector<1x16xf32> to vector<16xf32>
    %get3A_177 = arith.constant 2 : i32
    %get3A_178 = arith.index_cast %get3A_177 : i32 to index
    %get3A_179 = arith.constant 64 : index
    %get3A_180 = tpu.vector_load %arg13[%get3A_178, %get3A_179] {strides = array<i32>} : memref<3x128xf32, #tpu.memory_space<vmem>>, vector<1x16xf32>,
    %get3A_181 = vector.shape_cast %get3A_180 : vector<1x16xf32> to vector<16xf32>
    %get3A_182 = arith.constant 0 : i32
    %get3A_183 = arith.index_cast %get3A_182 : i32 to index
    %get3A_184 = arith.constant 80 : index
    %get3A_185 = tpu.vector_load %arg13[%get3A_183, %get3A_184] {strides = array<i32>} : memref<3x128xf32, #tpu.memory_space<vmem>>, vector<1x16xf32>,
    %get3A_186 = vector.shape_cast %get3A_185 : vector<1x16xf32> to vector<16xf32>
    %get3A_187 = arith.constant 1 : i32
    %get3A_188 = arith.index_cast %get3A_187 : i32 to index
    %get3A_189 = arith.constant 80 : index
    %get3A_190 = tpu.vector_load %arg13[%get3A_188, %get3A_189] {strides = array<i32>} : memref<3x128xf32, #tpu.memory_space<vmem>>, vector<1x16xf32>,
    %get3A_191 = vector.shape_cast %get3A_190 : vector<1x16xf32> to vector<16xf32>
    %get3A_192 = arith.constant 2 : i32
    %get3A_193 = arith.index_cast %get3A_192 : i32 to index
    %get3A_194 = arith.constant 80 : index
    %get3A_195 = tpu.vector_load %arg13[%get3A_193, %get3A_194] {strides = array<i32>} : memref<3x128xf32, #tpu.memory_space<vmem>>, vector<1x16xf32>,
    %get3A_196 = vector.shape_cast %get3A_195 : vector<1x16xf32> to vector<16xf32>
    %get3A_197 = arith.constant 0 : i32
    %get3A_198 = arith.index_cast %get3A_197 : i32 to index
    %get3A_199 = arith.constant 96 : index
    %get3A_200 = tpu.vector_load %arg13[%get3A_198, %get3A_199] {strides = array<i32>} : memref<3x128xf32, #tpu.memory_space<vmem>>, vector<1x16xf32>,
    %get3A_201 = vector.shape_cast %get3A_200 : vector<1x16xf32> to vector<16xf32>
    %get3A_202 = arith.constant 1 : i32
    %get3A_203 = arith.index_cast %get3A_202 : i32 to index
    %get3A_204 = arith.constant 96 : index
    %get3A_205 = tpu.vector_load %arg13[%get3A_203, %get3A_204] {strides = array<i32>} : memref<3x128xf32, #tpu.memory_space<vmem>>, vector<1x16xf32>,
    %get3A_206 = vector.shape_cast %get3A_205 : vector<1x16xf32> to vector<16xf32>
    %get3A_207 = arith.constant 2 : i32
    %get3A_208 = arith.index_cast %get3A_207 : i32 to index
    %get3A_209 = arith.constant 96 : index
    %get3A_210 = tpu.vector_load %arg13[%get3A_208, %get3A_209] {strides = array<i32>} : memref<3x128xf32, #tpu.memory_space<vmem>>, vector<1x16xf32>,
    %get3A_211 = vector.shape_cast %get3A_210 : vector<1x16xf32> to vector<16xf32>
    %get3A_212 = arith.constant 0 : i32
    %get3A_213 = arith.index_cast %get3A_212 : i32 to index
    %get3A_214 = arith.constant 112 : index
    %get3A_215 = tpu.vector_load %arg13[%get3A_213, %get3A_214] {strides = array<i32>} : memref<3x128xf32, #tpu.memory_space<vmem>>, vector<1x16xf32>,
    %get3A_216 = vector.shape_cast %get3A_215 : vector<1x16xf32> to vector<16xf32>
    %get3A_217 = arith.constant 1 : i32
    %get3A_218 = arith.index_cast %get3A_217 : i32 to index
    %get3A_219 = arith.constant 112 : index
    %get3A_220 = tpu.vector_load %arg13[%get3A_218, %get3A_219] {strides = array<i32>} : memref<3x128xf32, #tpu.memory_space<vmem>>, vector<1x16xf32>,
    %get3A_221 = vector.shape_cast %get3A_220 : vector<1x16xf32> to vector<16xf32>
    %get3A_222 = arith.constant 2 : i32
    %get3A_223 = arith.index_cast %get3A_222 : i32 to index
    %get3A_224 = arith.constant 112 : index
    %get3A_225 = tpu.vector_load %arg13[%get3A_223, %get3A_224] {strides = array<i32>} : memref<3x128xf32, #tpu.memory_space<vmem>>, vector<1x16xf32>,
    %get3A_226 = vector.shape_cast %get3A_225 : vector<1x16xf32> to vector<16xf32>
    %broadcast_in_dim3A_227 = arith.constant 0.000000e+00 : f32
    %broadcast_in_dim3A_228 = vector.broadcast %broadcast_in_dim3A_227 : f32 to vector<16xf32>
    %scan3A_229 = arith.constant -1 : i32
    %scan3A_230 = arith.constant 0 : i32
    %scan3A_231 = arith.constant 127 : i32
    %scan3A_232 = arith.addi %scan3A_230, %scan3A_231 : i32
    %scan3A_233 = arith.constant 1 : i32
    %scan3A_234:9 = scf.for %scan3A_239 = %scan3A_230 to %scan3A_232 step %scan3A_233 iter_args(%scan3A_240 = %scan3A_229, %scan3A_241 = %broadcast_in_dim3A_228, %scan3A_242 = %broadcast_in_dim3A_228, %scan3A_243 = %broadcast_in_dim3A_228, %scan3A_244 = %broadcast_in_dim3A_228, %scan3A_245 = %broadcast_in_dim3A_228, %scan3A_246 = %broadcast_in_dim3A_228, %scan3A_247 = %broadcast_in_dim3A_228, %scan3A_248 = %broadcast_in_dim3A_228) -> (i32, vector<16xf32>, vector<16xf32>, vector<16xf32>, vector<16xf32>, vector<16xf32>, vector<16xf32>, vector<16xf32>, vector<16xf32>)  : i32 {
      %mul3A_249 = arith.constant 10160 : i32
      %mul3A_250 = arith.muli %add3A, %mul3A_249 : i32
      %mul3A_251 = arith.constant 80 : i32
      %mul3A_252 = arith.muli %scan3A_239, %mul3A_251 : i32
      %add3A_253 = arith.addi %mul3A_250, %mul3A_252 : i32
      %multiple_of3A_254 = tpu.assume_multiple %add3A_253, 8 : i32
      "tpu.region"() ({
        %run_scoped3A = tpu.sem_alloc : memref<!tpu.dma_semaphore, #tpu.memory_space<semaphore_mem>>
        %dma_start3A_689 = tpu.memref_slice %arg5[%multiple_of3A_254] : memref<325120xi32, #tpu.memory_space<hbm>> -> memref<80xi32, #tpu.memory_space<hbm>>
        %dma_start3A_690 = tpu.memref_slice %arg5[%multiple_of3A_254] : memref<325120xi32, #tpu.memory_space<hbm>> -> memref<80xi32, #tpu.memory_space<hbm>>
        tpu.enqueue_dma source(%dma_start3A_690 : memref<80xi32, #tpu.memory_space<hbm>>) target(%arg8 : memref<80xi32, #tpu.memory_space<vmem>>) target_semaphore(%run_scoped3A : memref<!tpu.dma_semaphore, #tpu.memory_space<semaphore_mem>>)
        %dma_wait3A_691 = tpu.memref_slice %arg5[%multiple_of3A_254] : memref<325120xi32, #tpu.memory_space<hbm>> -> memref<80xi32, #tpu.memory_space<hbm>>
        %dma_wait3A_692 = tpu.memref_slice %arg5[%multiple_of3A_254] : memref<325120xi32, #tpu.memory_space<hbm>> -> memref<80xi32, #tpu.memory_space<hbm>>
        tpu.wait_dma2 semaphore(%run_scoped3A : memref<!tpu.dma_semaphore, #tpu.memory_space<semaphore_mem>>) src(%dma_wait3A_692 : memref<80xi32, #tpu.memory_space<hbm>>) dst(%arg8 : memref<80xi32, #tpu.memory_space<vmem>>)
        tpu.yield
      }) : () -> ()
      "tpu.region"() ({
        %run_scoped3A = tpu.sem_alloc : memref<!tpu.dma_semaphore, #tpu.memory_space<semaphore_mem>>
        %dma_start3A_689 = tpu.memref_slice %arg6[%multiple_of3A_254] : memref<325120xi32, #tpu.memory_space<hbm>> -> memref<80xi32, #tpu.memory_space<hbm>>
        %dma_start3A_690 = tpu.memref_slice %arg6[%multiple_of3A_254] : memref<325120xi32, #tpu.memory_space<hbm>> -> memref<80xi32, #tpu.memory_space<hbm>>
        tpu.enqueue_dma source(%dma_start3A_690 : memref<80xi32, #tpu.memory_space<hbm>>) target(%arg9 : memref<80xi32, #tpu.memory_space<vmem>>) target_semaphore(%run_scoped3A : memref<!tpu.dma_semaphore, #tpu.memory_space<semaphore_mem>>)
        %dma_wait3A_691 = tpu.memref_slice %arg6[%multiple_of3A_254] : memref<325120xi32, #tpu.memory_space<hbm>> -> memref<80xi32, #tpu.memory_space<hbm>>
        %dma_wait3A_692 = tpu.memref_slice %arg6[%multiple_of3A_254] : memref<325120xi32, #tpu.memory_space<hbm>> -> memref<80xi32, #tpu.memory_space<hbm>>
        tpu.wait_dma2 semaphore(%run_scoped3A : memref<!tpu.dma_semaphore, #tpu.memory_space<semaphore_mem>>) src(%dma_wait3A_692 : memref<80xi32, #tpu.memory_space<hbm>>) dst(%arg9 : memref<80xi32, #tpu.memory_space<vmem>>)
        tpu.yield
      }) : () -> ()
      %dma_start3A = arith.constant 0 : i32
      %dma_start3A_255 = arith.constant 0 : i32
      %dma_start3A_256 = tpu.memref_slice %arg2[%dma_start3A, %dma_start3A_255] : memref<10000x128xf32, #tpu.memory_space<hbm>> -> memref<10000x128xf32, #tpu.memory_space<hbm>>
      tpu.enqueue_indirect_dma source(%dma_start3A_256 : memref<10000x128xf32, #tpu.memory_space<hbm>>) target(%arg10 : memref<80x128xf32, #tpu.memory_space<vmem>>) offsets(%arg8 : memref<80xi32, #tpu.memory_space<vmem>>) semaphore(%arg18 : memref<!tpu.dma_semaphore, #tpu.memory_space<semaphore_mem>>)
      %dma_start3A_257 = arith.constant 0 : i32
      %dma_start3A_258 = arith.constant 0 : i32
      %dma_start3A_259 = tpu.memref_slice %arg3[%dma_start3A_257, %dma_start3A_258] : memref<10000x128xf32, #tpu.memory_space<hbm>> -> memref<10000x128xf32, #tpu.memory_space<hbm>>
      tpu.enqueue_indirect_dma source(%dma_start3A_259 : memref<10000x128xf32, #tpu.memory_space<hbm>>) target(%arg11 : memref<80x128xf32, #tpu.memory_space<vmem>>) offsets(%arg8 : memref<80xi32, #tpu.memory_space<vmem>>) semaphore(%arg19 : memref<!tpu.dma_semaphore, #tpu.memory_space<semaphore_mem>>)
      %dma_start3A_260 = arith.constant 0 : i32
      %dma_start3A_261 = arith.constant 0 : i32
      %dma_start3A_262 = tpu.memref_slice %arg3[%dma_start3A_260, %dma_start3A_261] : memref<10000x128xf32, #tpu.memory_space<hbm>> -> memref<10000x128xf32, #tpu.memory_space<hbm>>
      tpu.enqueue_indirect_dma source(%dma_start3A_262 : memref<10000x128xf32, #tpu.memory_space<hbm>>) target(%arg12 : memref<80x128xf32, #tpu.memory_space<vmem>>) offsets(%arg9 : memref<80xi32, #tpu.memory_space<vmem>>) semaphore(%arg20 : memref<!tpu.dma_semaphore, #tpu.memory_space<semaphore_mem>>)
      %dma_wait3A = arith.constant 0 : i32
      %dma_wait3A_263 = arith.constant 0 : i32
      %dma_wait3A_264 = tpu.memref_slice %arg2[%dma_wait3A, %dma_wait3A_263] : memref<10000x128xf32, #tpu.memory_space<hbm>> -> memref<10000x128xf32, #tpu.memory_space<hbm>>
      tpu.wait_indirect_dma semaphore(%arg18 : memref<!tpu.dma_semaphore, #tpu.memory_space<semaphore_mem>>) src(%dma_wait3A_264 : memref<10000x128xf32, #tpu.memory_space<hbm>>) dst(%arg10 : memref<80x128xf32, #tpu.memory_space<vmem>>)
      %dma_wait3A_265 = arith.constant 0 : i32
      %dma_wait3A_266 = arith.constant 0 : i32
      %dma_wait3A_267 = tpu.memref_slice %arg3[%dma_wait3A_265, %dma_wait3A_266] : memref<10000x128xf32, #tpu.memory_space<hbm>> -> memref<10000x128xf32, #tpu.memory_space<hbm>>
      tpu.wait_indirect_dma semaphore(%arg19 : memref<!tpu.dma_semaphore, #tpu.memory_space<semaphore_mem>>) src(%dma_wait3A_267 : memref<10000x128xf32, #tpu.memory_space<hbm>>) dst(%arg11 : memref<80x128xf32, #tpu.memory_space<vmem>>)
      %dma_wait3A_268 = arith.constant 0 : i32
      %dma_wait3A_269 = arith.constant 0 : i32
      %dma_wait3A_270 = tpu.memref_slice %arg3[%dma_wait3A_268, %dma_wait3A_269] : memref<10000x128xf32, #tpu.memory_space<hbm>> -> memref<10000x128xf32, #tpu.memory_space<hbm>>
      tpu.wait_indirect_dma semaphore(%arg20 : memref<!tpu.dma_semaphore, #tpu.memory_space<semaphore_mem>>) src(%dma_wait3A_270 : memref<10000x128xf32, #tpu.memory_space<hbm>>) dst(%arg12 : memref<80x128xf32, #tpu.memory_space<vmem>>)
      %get3A_271 = arith.constant 0 : index
      %get3A_272 = tpu.vector_load %arg9[%get3A_271] {strides = array<i32>} : memref<80xi32, #tpu.memory_space<vmem>>, vector<16xi32>,
      %get3A_273 = vector.shape_cast %get3A_272 : vector<16xi32> to vector<16xi32>
      %slice3A = vector.extract_strided_slice %get3A_273 {offsets = [0], sizes = [1], strides = [1]} : vector<16xi32> to vector<1xi32>
      %squeeze3A = vector.extract %slice3A[0] : i32 from vector<1xi32>
      %swap3A = arith.constant 0 : i32
      %swap3A_274 = arith.index_cast %swap3A : i32 to index
      %swap3A_275 = memref.load %arg16[%swap3A_274] : memref<80xi32, #tpu.memory_space<smem>>
      memref.store %squeeze3A, %arg16[%swap3A_274] : memref<80xi32, #tpu.memory_space<smem>>
      %slice3A_276 = vector.extract_strided_slice %get3A_273 {offsets = [1], sizes = [1], strides = [1]} : vector<16xi32> to vector<1xi32>
      %squeeze3A_277 = vector.extract %slice3A_276[0] : i32 from vector<1xi32>
      %swap3A_278 = arith.constant 1 : i32
      %swap3A_279 = arith.index_cast %swap3A_278 : i32 to index
      %swap3A_280 = memref.load %arg16[%swap3A_279] : memref<80xi32, #tpu.memory_space<smem>>
      memref.store %squeeze3A_277, %arg16[%swap3A_279] : memref<80xi32, #tpu.memory_space<smem>>
      %slice3A_281 = vector.extract_strided_slice %get3A_273 {offsets = [2], sizes = [1], strides = [1]} : vector<16xi32> to vector<1xi32>
      %squeeze3A_282 = vector.extract %slice3A_281[0] : i32 from vector<1xi32>
      %swap3A_283 = arith.constant 2 : i32
      %swap3A_284 = arith.index_cast %swap3A_283 : i32 to index
      %swap3A_285 = memref.load %arg16[%swap3A_284] : memref<80xi32, #tpu.memory_space<smem>>
      memref.store %squeeze3A_282, %arg16[%swap3A_284] : memref<80xi32, #tpu.memory_space<smem>>
      %slice3A_286 = vector.extract_strided_slice %get3A_273 {offsets = [3], sizes = [1], strides = [1]} : vector<16xi32> to vector<1xi32>
      %squeeze3A_287 = vector.extract %slice3A_286[0] : i32 from vector<1xi32>
      %swap3A_288 = arith.constant 3 : i32
      %swap3A_289 = arith.index_cast %swap3A_288 : i32 to index
      %swap3A_290 = memref.load %arg16[%swap3A_289] : memref<80xi32, #tpu.memory_space<smem>>
      memref.store %squeeze3A_287, %arg16[%swap3A_289] : memref<80xi32, #tpu.memory_space<smem>>
      %slice3A_291 = vector.extract_strided_slice %get3A_273 {offsets = [4], sizes = [1], strides = [1]} : vector<16xi32> to vector<1xi32>
      %squeeze3A_292 = vector.extract %slice3A_291[0] : i32 from vector<1xi32>
      %swap3A_293 = arith.constant 4 : i32
      %swap3A_294 = arith.index_cast %swap3A_293 : i32 to index
      %swap3A_295 = memref.load %arg16[%swap3A_294] : memref<80xi32, #tpu.memory_space<smem>>
      memref.store %squeeze3A_292, %arg16[%swap3A_294] : memref<80xi32, #tpu.memory_space<smem>>
      %slice3A_296 = vector.extract_strided_slice %get3A_273 {offsets = [5], sizes = [1], strides = [1]} : vector<16xi32> to vector<1xi32>
      %squeeze3A_297 = vector.extract %slice3A_296[0] : i32 from vector<1xi32>
      %swap3A_298 = arith.constant 5 : i32
      %swap3A_299 = arith.index_cast %swap3A_298 : i32 to index
      %swap3A_300 = memref.load %arg16[%swap3A_299] : memref<80xi32, #tpu.memory_space<smem>>
      memref.store %squeeze3A_297, %arg16[%swap3A_299] : memref<80xi32, #tpu.memory_space<smem>>
      %slice3A_301 = vector.extract_strided_slice %get3A_273 {offsets = [6], sizes = [1], strides = [1]} : vector<16xi32> to vector<1xi32>
      %squeeze3A_302 = vector.extract %slice3A_301[0] : i32 from vector<1xi32>
      %swap3A_303 = arith.constant 6 : i32
      %swap3A_304 = arith.index_cast %swap3A_303 : i32 to index
      %swap3A_305 = memref.load %arg16[%swap3A_304] : memref<80xi32, #tpu.memory_space<smem>>
      memref.store %squeeze3A_302, %arg16[%swap3A_304] : memref<80xi32, #tpu.memory_space<smem>>
      %slice3A_306 = vector.extract_strided_slice %get3A_273 {offsets = [7], sizes = [1], strides = [1]} : vector<16xi32> to vector<1xi32>
      %squeeze3A_307 = vector.extract %slice3A_306[0] : i32 from vector<1xi32>
      %swap3A_308 = arith.constant 7 : i32
      %swap3A_309 = arith.index_cast %swap3A_308 : i32 to index
      %swap3A_310 = memref.load %arg16[%swap3A_309] : memref<80xi32, #tpu.memory_space<smem>>
      memref.store %squeeze3A_307, %arg16[%swap3A_309] : memref<80xi32, #tpu.memory_space<smem>>
      %slice3A_311 = vector.extract_strided_slice %get3A_273 {offsets = [8], sizes = [1], strides = [1]} : vector<16xi32> to vector<1xi32>
      %squeeze3A_312 = vector.extract %slice3A_311[0] : i32 from vector<1xi32>
      %swap3A_313 = arith.constant 8 : i32
      %swap3A_314 = arith.index_cast %swap3A_313 : i32 to index
      %swap3A_315 = memref.load %arg16[%swap3A_314] : memref<80xi32, #tpu.memory_space<smem>>
      memref.store %squeeze3A_312, %arg16[%swap3A_314] : memref<80xi32, #tpu.memory_space<smem>>
      %slice3A_316 = vector.extract_strided_slice %get3A_273 {offsets = [9], sizes = [1], strides = [1]} : vector<16xi32> to vector<1xi32>
      %squeeze3A_317 = vector.extract %slice3A_316[0] : i32 from vector<1xi32>
      %swap3A_318 = arith.constant 9 : i32
      %swap3A_319 = arith.index_cast %swap3A_318 : i32 to index
      %swap3A_320 = memref.load %arg16[%swap3A_319] : memref<80xi32, #tpu.memory_space<smem>>
      memref.store %squeeze3A_317, %arg16[%swap3A_319] : memref<80xi32, #tpu.memory_space<smem>>
      %slice3A_321 = vector.extract_strided_slice %get3A_273 {offsets = [10], sizes = [1], strides = [1]} : vector<16xi32> to vector<1xi32>
      %squeeze3A_322 = vector.extract %slice3A_321[0] : i32 from vector<1xi32>
      %swap3A_323 = arith.constant 10 : i32
      %swap3A_324 = arith.index_cast %swap3A_323 : i32 to index
      %swap3A_325 = memref.load %arg16[%swap3A_324] : memref<80xi32, #tpu.memory_space<smem>>
      memref.store %squeeze3A_322, %arg16[%swap3A_324] : memref<80xi32, #tpu.memory_space<smem>>
      %slice3A_326 = vector.extract_strided_slice %get3A_273 {offsets = [11], sizes = [1], strides = [1]} : vector<16xi32> to vector<1xi32>
      %squeeze3A_327 = vector.extract %slice3A_326[0] : i32 from vector<1xi32>
      %swap3A_328 = arith.constant 11 : i32
      %swap3A_329 = arith.index_cast %swap3A_328 : i32 to index
      %swap3A_330 = memref.load %arg16[%swap3A_329] : memref<80xi32, #tpu.memory_space<smem>>
      memref.store %squeeze3A_327, %arg16[%swap3A_329] : memref<80xi32, #tpu.memory_space<smem>>
      %slice3A_331 = vector.extract_strided_slice %get3A_273 {offsets = [12], sizes = [1], strides = [1]} : vector<16xi32> to vector<1xi32>
      %squeeze3A_332 = vector.extract %slice3A_331[0] : i32 from vector<1xi32>
      %swap3A_333 = arith.constant 12 : i32
      %swap3A_334 = arith.index_cast %swap3A_333 : i32 to index
      %swap3A_335 = memref.load %arg16[%swap3A_334] : memref<80xi32, #tpu.memory_space<smem>>
      memref.store %squeeze3A_332, %arg16[%swap3A_334] : memref<80xi32, #tpu.memory_space<smem>>
      %slice3A_336 = vector.extract_strided_slice %get3A_273 {offsets = [13], sizes = [1], strides = [1]} : vector<16xi32> to vector<1xi32>
      %squeeze3A_337 = vector.extract %slice3A_336[0] : i32 from vector<1xi32>
      %swap3A_338 = arith.constant 13 : i32
      %swap3A_339 = arith.index_cast %swap3A_338 : i32 to index
      %swap3A_340 = memref.load %arg16[%swap3A_339] : memref<80xi32, #tpu.memory_space<smem>>
      memref.store %squeeze3A_337, %arg16[%swap3A_339] : memref<80xi32, #tpu.memory_space<smem>>
      %slice3A_341 = vector.extract_strided_slice %get3A_273 {offsets = [14], sizes = [1], strides = [1]} : vector<16xi32> to vector<1xi32>
      %squeeze3A_342 = vector.extract %slice3A_341[0] : i32 from vector<1xi32>
      %swap3A_343 = arith.constant 14 : i32
      %swap3A_344 = arith.index_cast %swap3A_343 : i32 to index
      %swap3A_345 = memref.load %arg16[%swap3A_344] : memref<80xi32, #tpu.memory_space<smem>>
      memref.store %squeeze3A_342, %arg16[%swap3A_344] : memref<80xi32, #tpu.memory_space<smem>>
      %slice3A_346 = vector.extract_strided_slice %get3A_273 {offsets = [15], sizes = [1], strides = [1]} : vector<16xi32> to vector<1xi32>
      %squeeze3A_347 = vector.extract %slice3A_346[0] : i32 from vector<1xi32>
      %swap3A_348 = arith.constant 15 : i32
      %swap3A_349 = arith.index_cast %swap3A_348 : i32 to index
      %swap3A_350 = memref.load %arg16[%swap3A_349] : memref<80xi32, #tpu.memory_space<smem>>
      memref.store %squeeze3A_347, %arg16[%swap3A_349] : memref<80xi32, #tpu.memory_space<smem>>
      %get3A_351 = arith.constant 16 : index
      %get3A_352 = tpu.vector_load %arg9[%get3A_351] {strides = array<i32>} : memref<80xi32, #tpu.memory_space<vmem>>, vector<16xi32>,
      %get3A_353 = vector.shape_cast %get3A_352 : vector<16xi32> to vector<16xi32>
      %slice3A_354 = vector.extract_strided_slice %get3A_353 {offsets = [0], sizes = [1], strides = [1]} : vector<16xi32> to vector<1xi32>
      %squeeze3A_355 = vector.extract %slice3A_354[0] : i32 from vector<1xi32>
      %swap3A_356 = arith.constant 16 : i32
      %swap3A_357 = arith.index_cast %swap3A_356 : i32 to index
      %swap3A_358 = memref.load %arg16[%swap3A_357] : memref<80xi32, #tpu.memory_space<smem>>
      memref.store %squeeze3A_355, %arg16[%swap3A_357] : memref<80xi32, #tpu.memory_space<smem>>
      %slice3A_359 = vector.extract_strided_slice %get3A_353 {offsets = [1], sizes = [1], strides = [1]} : vector<16xi32> to vector<1xi32>
      %squeeze3A_360 = vector.extract %slice3A_359[0] : i32 from vector<1xi32>
      %swap3A_361 = arith.constant 17 : i32
      %swap3A_362 = arith.index_cast %swap3A_361 : i32 to index
      %swap3A_363 = memref.load %arg16[%swap3A_362] : memref<80xi32, #tpu.memory_space<smem>>
      memref.store %squeeze3A_360, %arg16[%swap3A_362] : memref<80xi32, #tpu.memory_space<smem>>
      %slice3A_364 = vector.extract_strided_slice %get3A_353 {offsets = [2], sizes = [1], strides = [1]} : vector<16xi32> to vector<1xi32>
      %squeeze3A_365 = vector.extract %slice3A_364[0] : i32 from vector<1xi32>
      %swap3A_366 = arith.constant 18 : i32
      %swap3A_367 = arith.index_cast %swap3A_366 : i32 to index
      %swap3A_368 = memref.load %arg16[%swap3A_367] : memref<80xi32, #tpu.memory_space<smem>>
      memref.store %squeeze3A_365, %arg16[%swap3A_367] : memref<80xi32, #tpu.memory_space<smem>>
      %slice3A_369 = vector.extract_strided_slice %get3A_353 {offsets = [3], sizes = [1], strides = [1]} : vector<16xi32> to vector<1xi32>
      %squeeze3A_370 = vector.extract %slice3A_369[0] : i32 from vector<1xi32>
      %swap3A_371 = arith.constant 19 : i32
      %swap3A_372 = arith.index_cast %swap3A_371 : i32 to index
      %swap3A_373 = memref.load %arg16[%swap3A_372] : memref<80xi32, #tpu.memory_space<smem>>
      memref.store %squeeze3A_370, %arg16[%swap3A_372] : memref<80xi32, #tpu.memory_space<smem>>
      %slice3A_374 = vector.extract_strided_slice %get3A_353 {offsets = [4], sizes = [1], strides = [1]} : vector<16xi32> to vector<1xi32>
      %squeeze3A_375 = vector.extract %slice3A_374[0] : i32 from vector<1xi32>
      %swap3A_376 = arith.constant 20 : i32
      %swap3A_377 = arith.index_cast %swap3A_376 : i32 to index
      %swap3A_378 = memref.load %arg16[%swap3A_377] : memref<80xi32, #tpu.memory_space<smem>>
      memref.store %squeeze3A_375, %arg16[%swap3A_377] : memref<80xi32, #tpu.memory_space<smem>>
      %slice3A_379 = vector.extract_strided_slice %get3A_353 {offsets = [5], sizes = [1], strides = [1]} : vector<16xi32> to vector<1xi32>
      %squeeze3A_380 = vector.extract %slice3A_379[0] : i32 from vector<1xi32>
      %swap3A_381 = arith.constant 21 : i32
      %swap3A_382 = arith.index_cast %swap3A_381 : i32 to index
      %swap3A_383 = memref.load %arg16[%swap3A_382] : memref<80xi32, #tpu.memory_space<smem>>
      memref.store %squeeze3A_380, %arg16[%swap3A_382] : memref<80xi32, #tpu.memory_space<smem>>
      %slice3A_384 = vector.extract_strided_slice %get3A_353 {offsets = [6], sizes = [1], strides = [1]} : vector<16xi32> to vector<1xi32>
      %squeeze3A_385 = vector.extract %slice3A_384[0] : i32 from vector<1xi32>
      %swap3A_386 = arith.constant 22 : i32
      %swap3A_387 = arith.index_cast %swap3A_386 : i32 to index
      %swap3A_388 = memref.load %arg16[%swap3A_387] : memref<80xi32, #tpu.memory_space<smem>>
      memref.store %squeeze3A_385, %arg16[%swap3A_387] : memref<80xi32, #tpu.memory_space<smem>>
      %slice3A_389 = vector.extract_strided_slice %get3A_353 {offsets = [7], sizes = [1], strides = [1]} : vector<16xi32> to vector<1xi32>
      %squeeze3A_390 = vector.extract %slice3A_389[0] : i32 from vector<1xi32>
      %swap3A_391 = arith.constant 23 : i32
      %swap3A_392 = arith.index_cast %swap3A_391 : i32 to index
      %swap3A_393 = memref.load %arg16[%swap3A_392] : memref<80xi32, #tpu.memory_space<smem>>
      memref.store %squeeze3A_390, %arg16[%swap3A_392] : memref<80xi32, #tpu.memory_space<smem>>
      %slice3A_394 = vector.extract_strided_slice %get3A_353 {offsets = [8], sizes = [1], strides = [1]} : vector<16xi32> to vector<1xi32>
      %squeeze3A_395 = vector.extract %slice3A_394[0] : i32 from vector<1xi32>
      %swap3A_396 = arith.constant 24 : i32
      %swap3A_397 = arith.index_cast %swap3A_396 : i32 to index
      %swap3A_398 = memref.load %arg16[%swap3A_397] : memref<80xi32, #tpu.memory_space<smem>>
      memref.store %squeeze3A_395, %arg16[%swap3A_397] : memref<80xi32, #tpu.memory_space<smem>>
      %slice3A_399 = vector.extract_strided_slice %get3A_353 {offsets = [9], sizes = [1], strides = [1]} : vector<16xi32> to vector<1xi32>
      %squeeze3A_400 = vector.extract %slice3A_399[0] : i32 from vector<1xi32>
      %swap3A_401 = arith.constant 25 : i32
      %swap3A_402 = arith.index_cast %swap3A_401 : i32 to index
      %swap3A_403 = memref.load %arg16[%swap3A_402] : memref<80xi32, #tpu.memory_space<smem>>
      memref.store %squeeze3A_400, %arg16[%swap3A_402] : memref<80xi32, #tpu.memory_space<smem>>
      %slice3A_404 = vector.extract_strided_slice %get3A_353 {offsets = [10], sizes = [1], strides = [1]} : vector<16xi32> to vector<1xi32>
      %squeeze3A_405 = vector.extract %slice3A_404[0] : i32 from vector<1xi32>
      %swap3A_406 = arith.constant 26 : i32
      %swap3A_407 = arith.index_cast %swap3A_406 : i32 to index
      %swap3A_408 = memref.load %arg16[%swap3A_407] : memref<80xi32, #tpu.memory_space<smem>>
      memref.store %squeeze3A_405, %arg16[%swap3A_407] : memref<80xi32, #tpu.memory_space<smem>>
      %slice3A_409 = vector.extract_strided_slice %get3A_353 {offsets = [11], sizes = [1], strides = [1]} : vector<16xi32> to vector<1xi32>
      %squeeze3A_410 = vector.extract %slice3A_409[0] : i32 from vector<1xi32>
      %swap3A_411 = arith.constant 27 : i32
      %swap3A_412 = arith.index_cast %swap3A_411 : i32 to index
      %swap3A_413 = memref.load %arg16[%swap3A_412] : memref<80xi32, #tpu.memory_space<smem>>
      memref.store %squeeze3A_410, %arg16[%swap3A_412] : memref<80xi32, #tpu.memory_space<smem>>
      %slice3A_414 = vector.extract_strided_slice %get3A_353 {offsets = [12], sizes = [1], strides = [1]} : vector<16xi32> to vector<1xi32>
      %squeeze3A_415 = vector.extract %slice3A_414[0] : i32 from vector<1xi32>
      %swap3A_416 = arith.constant 28 : i32
      %swap3A_417 = arith.index_cast %swap3A_416 : i32 to index
      %swap3A_418 = memref.load %arg16[%swap3A_417] : memref<80xi32, #tpu.memory_space<smem>>
      memref.store %squeeze3A_415, %arg16[%swap3A_417] : memref<80xi32, #tpu.memory_space<smem>>
      %slice3A_419 = vector.extract_strided_slice %get3A_353 {offsets = [13], sizes = [1], strides = [1]} : vector<16xi32> to vector<1xi32>
      %squeeze3A_420 = vector.extract %slice3A_419[0] : i32 from vector<1xi32>
      %swap3A_421 = arith.constant 29 : i32
      %swap3A_422 = arith.index_cast %swap3A_421 : i32 to index
      %swap3A_423 = memref.load %arg16[%swap3A_422] : memref<80xi32, #tpu.memory_space<smem>>
      memref.store %squeeze3A_420, %arg16[%swap3A_422] : memref<80xi32, #tpu.memory_space<smem>>
      %slice3A_424 = vector.extract_strided_slice %get3A_353 {offsets = [14], sizes = [1], strides = [1]} : vector<16xi32> to vector<1xi32>
      %squeeze3A_425 = vector.extract %slice3A_424[0] : i32 from vector<1xi32>
      %swap3A_426 = arith.constant 30 : i32
      %swap3A_427 = arith.index_cast %swap3A_426 : i32 to index
      %swap3A_428 = memref.load %arg16[%swap3A_427] : memref<80xi32, #tpu.memory_space<smem>>
      memref.store %squeeze3A_425, %arg16[%swap3A_427] : memref<80xi32, #tpu.memory_space<smem>>
      %slice3A_429 = vector.extract_strided_slice %get3A_353 {offsets = [15], sizes = [1], strides = [1]} : vector<16xi32> to vector<1xi32>
      %squeeze3A_430 = vector.extract %slice3A_429[0] : i32 from vector<1xi32>
      %swap3A_431 = arith.constant 31 : i32
      %swap3A_432 = arith.index_cast %swap3A_431 : i32 to index
      %swap3A_433 = memref.load %arg16[%swap3A_432] : memref<80xi32, #tpu.memory_space<smem>>
      memref.store %squeeze3A_430, %arg16[%swap3A_432] : memref<80xi32, #tpu.memory_space<smem>>
      %get3A_434 = arith.constant 32 : index
      %get3A_435 = tpu.vector_load %arg9[%get3A_434] {strides = array<i32>} : memref<80xi32, #tpu.memory_space<vmem>>, vector<16xi32>,
      %get3A_436 = vector.shape_cast %get3A_435 : vector<16xi32> to vector<16xi32>
      %slice3A_437 = vector.extract_strided_slice %get3A_436 {offsets = [0], sizes = [1], strides = [1]} : vector<16xi32> to vector<1xi32>
      %squeeze3A_438 = vector.extract %slice3A_437[0] : i32 from vector<1xi32>
      %swap3A_439 = arith.constant 32 : i32
      %swap3A_440 = arith.index_cast %swap3A_439 : i32 to index
      %swap3A_441 = memref.load %arg16[%swap3A_440] : memref<80xi32, #tpu.memory_space<smem>>
      memref.store %squeeze3A_438, %arg16[%swap3A_440] : memref<80xi32, #tpu.memory_space<smem>>
      %slice3A_442 = vector.extract_strided_slice %get3A_436 {offsets = [1], sizes = [1], strides = [1]} : vector<16xi32> to vector<1xi32>
      %squeeze3A_443 = vector.extract %slice3A_442[0] : i32 from vector<1xi32>
      %swap3A_444 = arith.constant 33 : i32
      %swap3A_445 = arith.index_cast %swap3A_444 : i32 to index
      %swap3A_446 = memref.load %arg16[%swap3A_445] : memref<80xi32, #tpu.memory_space<smem>>
      memref.store %squeeze3A_443, %arg16[%swap3A_445] : memref<80xi32, #tpu.memory_space<smem>>
      %slice3A_447 = vector.extract_strided_slice %get3A_436 {offsets = [2], sizes = [1], strides = [1]} : vector<16xi32> to vector<1xi32>
      %squeeze3A_448 = vector.extract %slice3A_447[0] : i32 from vector<1xi32>
      %swap3A_449 = arith.constant 34 : i32
      %swap3A_450 = arith.index_cast %swap3A_449 : i32 to index
      %swap3A_451 = memref.load %arg16[%swap3A_450] : memref<80xi32, #tpu.memory_space<smem>>
      memref.store %squeeze3A_448, %arg16[%swap3A_450] : memref<80xi32, #tpu.memory_space<smem>>
      %slice3A_452 = vector.extract_strided_slice %get3A_436 {offsets = [3], sizes = [1], strides = [1]} : vector<16xi32> to vector<1xi32>
      %squeeze3A_453 = vector.extract %slice3A_452[0] : i32 from vector<1xi32>
      %swap3A_454 = arith.constant 35 : i32
      %swap3A_455 = arith.index_cast %swap3A_454 : i32 to index
      %swap3A_456 = memref.load %arg16[%swap3A_455] : memref<80xi32, #tpu.memory_space<smem>>
      memref.store %squeeze3A_453, %arg16[%swap3A_455] : memref<80xi32, #tpu.memory_space<smem>>
      %slice3A_457 = vector.extract_strided_slice %get3A_436 {offsets = [4], sizes = [1], strides = [1]} : vector<16xi32> to vector<1xi32>
      %squeeze3A_458 = vector.extract %slice3A_457[0] : i32 from vector<1xi32>
      %swap3A_459 = arith.constant 36 : i32
      %swap3A_460 = arith.index_cast %swap3A_459 : i32 to index
      %swap3A_461 = memref.load %arg16[%swap3A_460] : memref<80xi32, #tpu.memory_space<smem>>
      memref.store %squeeze3A_458, %arg16[%swap3A_460] : memref<80xi32, #tpu.memory_space<smem>>
      %slice3A_462 = vector.extract_strided_slice %get3A_436 {offsets = [5], sizes = [1], strides = [1]} : vector<16xi32> to vector<1xi32>
      %squeeze3A_463 = vector.extract %slice3A_462[0] : i32 from vector<1xi32>
      %swap3A_464 = arith.constant 37 : i32
      %swap3A_465 = arith.index_cast %swap3A_464 : i32 to index
      %swap3A_466 = memref.load %arg16[%swap3A_465] : memref<80xi32, #tpu.memory_space<smem>>
      memref.store %squeeze3A_463, %arg16[%swap3A_465] : memref<80xi32, #tpu.memory_space<smem>>
      %slice3A_467 = vector.extract_strided_slice %get3A_436 {offsets = [6], sizes = [1], strides = [1]} : vector<16xi32> to vector<1xi32>
      %squeeze3A_468 = vector.extract %slice3A_467[0] : i32 from vector<1xi32>
      %swap3A_469 = arith.constant 38 : i32
      %swap3A_470 = arith.index_cast %swap3A_469 : i32 to index
      %swap3A_471 = memref.load %arg16[%swap3A_470] : memref<80xi32, #tpu.memory_space<smem>>
      memref.store %squeeze3A_468, %arg16[%swap3A_470] : memref<80xi32, #tpu.memory_space<smem>>
      %slice3A_472 = vector.extract_strided_slice %get3A_436 {offsets = [7], sizes = [1], strides = [1]} : vector<16xi32> to vector<1xi32>
      %squeeze3A_473 = vector.extract %slice3A_472[0] : i32 from vector<1xi32>
      %swap3A_474 = arith.constant 39 : i32
      %swap3A_475 = arith.index_cast %swap3A_474 : i32 to index
      %swap3A_476 = memref.load %arg16[%swap3A_475] : memref<80xi32, #tpu.memory_space<smem>>
      memref.store %squeeze3A_473, %arg16[%swap3A_475] : memref<80xi32, #tpu.memory_space<smem>>
      %slice3A_477 = vector.extract_strided_slice %get3A_436 {offsets = [8], sizes = [1], strides = [1]} : vector<16xi32> to vector<1xi32>
      %squeeze3A_478 = vector.extract %slice3A_477[0] : i32 from vector<1xi32>
      %swap3A_479 = arith.constant 40 : i32
      %swap3A_480 = arith.index_cast %swap3A_479 : i32 to index
      %swap3A_481 = memref.load %arg16[%swap3A_480] : memref<80xi32, #tpu.memory_space<smem>>
      memref.store %squeeze3A_478, %arg16[%swap3A_480] : memref<80xi32, #tpu.memory_space<smem>>
      %slice3A_482 = vector.extract_strided_slice %get3A_436 {offsets = [9], sizes = [1], strides = [1]} : vector<16xi32> to vector<1xi32>
      %squeeze3A_483 = vector.extract %slice3A_482[0] : i32 from vector<1xi32>
      %swap3A_484 = arith.constant 41 : i32
      %swap3A_485 = arith.index_cast %swap3A_484 : i32 to index
      %swap3A_486 = memref.load %arg16[%swap3A_485] : memref<80xi32, #tpu.memory_space<smem>>
      memref.store %squeeze3A_483, %arg16[%swap3A_485] : memref<80xi32, #tpu.memory_space<smem>>
      %slice3A_487 = vector.extract_strided_slice %get3A_436 {offsets = [10], sizes = [1], strides = [1]} : vector<16xi32> to vector<1xi32>
      %squeeze3A_488 = vector.extract %slice3A_487[0] : i32 from vector<1xi32>
      %swap3A_489 = arith.constant 42 : i32
      %swap3A_490 = arith.index_cast %swap3A_489 : i32 to index
      %swap3A_491 = memref.load %arg16[%swap3A_490] : memref<80xi32, #tpu.memory_space<smem>>
      memref.store %squeeze3A_488, %arg16[%swap3A_490] : memref<80xi32, #tpu.memory_space<smem>>
      %slice3A_492 = vector.extract_strided_slice %get3A_436 {offsets = [11], sizes = [1], strides = [1]} : vector<16xi32> to vector<1xi32>
      %squeeze3A_493 = vector.extract %slice3A_492[0] : i32 from vector<1xi32>
      %swap3A_494 = arith.constant 43 : i32
      %swap3A_495 = arith.index_cast %swap3A_494 : i32 to index
      %swap3A_496 = memref.load %arg16[%swap3A_495] : memref<80xi32, #tpu.memory_space<smem>>
      memref.store %squeeze3A_493, %arg16[%swap3A_495] : memref<80xi32, #tpu.memory_space<smem>>
      %slice3A_497 = vector.extract_strided_slice %get3A_436 {offsets = [12], sizes = [1], strides = [1]} : vector<16xi32> to vector<1xi32>
      %squeeze3A_498 = vector.extract %slice3A_497[0] : i32 from vector<1xi32>
      %swap3A_499 = arith.constant 44 : i32
      %swap3A_500 = arith.index_cast %swap3A_499 : i32 to index
      %swap3A_501 = memref.load %arg16[%swap3A_500] : memref<80xi32, #tpu.memory_space<smem>>
      memref.store %squeeze3A_498, %arg16[%swap3A_500] : memref<80xi32, #tpu.memory_space<smem>>
      %slice3A_502 = vector.extract_strided_slice %get3A_436 {offsets = [13], sizes = [1], strides = [1]} : vector<16xi32> to vector<1xi32>
      %squeeze3A_503 = vector.extract %slice3A_502[0] : i32 from vector<1xi32>
      %swap3A_504 = arith.constant 45 : i32
      %swap3A_505 = arith.index_cast %swap3A_504 : i32 to index
      %swap3A_506 = memref.load %arg16[%swap3A_505] : memref<80xi32, #tpu.memory_space<smem>>
      memref.store %squeeze3A_503, %arg16[%swap3A_505] : memref<80xi32, #tpu.memory_space<smem>>
      %slice3A_507 = vector.extract_strided_slice %get3A_436 {offsets = [14], sizes = [1], strides = [1]} : vector<16xi32> to vector<1xi32>
      %squeeze3A_508 = vector.extract %slice3A_507[0] : i32 from vector<1xi32>
      %swap3A_509 = arith.constant 46 : i32
      %swap3A_510 = arith.index_cast %swap3A_509 : i32 to index
      %swap3A_511 = memref.load %arg16[%swap3A_510] : memref<80xi32, #tpu.memory_space<smem>>
      memref.store %squeeze3A_508, %arg16[%swap3A_510] : memref<80xi32, #tpu.memory_space<smem>>
      %slice3A_512 = vector.extract_strided_slice %get3A_436 {offsets = [15], sizes = [1], strides = [1]} : vector<16xi32> to vector<1xi32>
      %squeeze3A_513 = vector.extract %slice3A_512[0] : i32 from vector<1xi32>
      %swap3A_514 = arith.constant 47 : i32
      %swap3A_515 = arith.index_cast %swap3A_514 : i32 to index
      %swap3A_516 = memref.load %arg16[%swap3A_515] : memref<80xi32, #tpu.memory_space<smem>>
      memref.store %squeeze3A_513, %arg16[%swap3A_515] : memref<80xi32, #tpu.memory_space<smem>>
      %get3A_517 = arith.constant 48 : index
      %get3A_518 = tpu.vector_load %arg9[%get3A_517] {strides = array<i32>} : memref<80xi32, #tpu.memory_space<vmem>>, vector<16xi32>,
      %get3A_519 = vector.shape_cast %get3A_518 : vector<16xi32> to vector<16xi32>
      %slice3A_520 = vector.extract_strided_slice %get3A_519 {offsets = [0], sizes = [1], strides = [1]} : vector<16xi32> to vector<1xi32>
      %squeeze3A_521 = vector.extract %slice3A_520[0] : i32 from vector<1xi32>
      %swap3A_522 = arith.constant 48 : i32
      %swap3A_523 = arith.index_cast %swap3A_522 : i32 to index
      %swap3A_524 = memref.load %arg16[%swap3A_523] : memref<80xi32, #tpu.memory_space<smem>>
      memref.store %squeeze3A_521, %arg16[%swap3A_523] : memref<80xi32, #tpu.memory_space<smem>>
      %slice3A_525 = vector.extract_strided_slice %get3A_519 {offsets = [1], sizes = [1], strides = [1]} : vector<16xi32> to vector<1xi32>
      %squeeze3A_526 = vector.extract %slice3A_525[0] : i32 from vector<1xi32>
      %swap3A_527 = arith.constant 49 : i32
      %swap3A_528 = arith.index_cast %swap3A_527 : i32 to index
      %swap3A_529 = memref.load %arg16[%swap3A_528] : memref<80xi32, #tpu.memory_space<smem>>
      memref.store %squeeze3A_526, %arg16[%swap3A_528] : memref<80xi32, #tpu.memory_space<smem>>
      %slice3A_530 = vector.extract_strided_slice %get3A_519 {offsets = [2], sizes = [1], strides = [1]} : vector<16xi32> to vector<1xi32>
      %squeeze3A_531 = vector.extract %slice3A_530[0] : i32 from vector<1xi32>
      %swap3A_532 = arith.constant 50 : i32
      %swap3A_533 = arith.index_cast %swap3A_532 : i32 to index
      %swap3A_534 = memref.load %arg16[%swap3A_533] : memref<80xi32, #tpu.memory_space<smem>>
      memref.store %squeeze3A_531, %arg16[%swap3A_533] : memref<80xi32, #tpu.memory_space<smem>>
      %slice3A_535 = vector.extract_strided_slice %get3A_519 {offsets = [3], sizes = [1], strides = [1]} : vector<16xi32> to vector<1xi32>
      %squeeze3A_536 = vector.extract %slice3A_535[0] : i32 from vector<1xi32>
      %swap3A_537 = arith.constant 51 : i32
      %swap3A_538 = arith.index_cast %swap3A_537 : i32 to index
      %swap3A_539 = memref.load %arg16[%swap3A_538] : memref<80xi32, #tpu.memory_space<smem>>
      memref.store %squeeze3A_536, %arg16[%swap3A_538] : memref<80xi32, #tpu.memory_space<smem>>
      %slice3A_540 = vector.extract_strided_slice %get3A_519 {offsets = [4], sizes = [1], strides = [1]} : vector<16xi32> to vector<1xi32>
      %squeeze3A_541 = vector.extract %slice3A_540[0] : i32 from vector<1xi32>
      %swap3A_542 = arith.constant 52 : i32
      %swap3A_543 = arith.index_cast %swap3A_542 : i32 to index
      %swap3A_544 = memref.load %arg16[%swap3A_543] : memref<80xi32, #tpu.memory_space<smem>>
      memref.store %squeeze3A_541, %arg16[%swap3A_543] : memref<80xi32, #tpu.memory_space<smem>>
      %slice3A_545 = vector.extract_strided_slice %get3A_519 {offsets = [5], sizes = [1], strides = [1]} : vector<16xi32> to vector<1xi32>
      %squeeze3A_546 = vector.extract %slice3A_545[0] : i32 from vector<1xi32>
      %swap3A_547 = arith.constant 53 : i32
      %swap3A_548 = arith.index_cast %swap3A_547 : i32 to index
      %swap3A_549 = memref.load %arg16[%swap3A_548] : memref<80xi32, #tpu.memory_space<smem>>
      memref.store %squeeze3A_546, %arg16[%swap3A_548] : memref<80xi32, #tpu.memory_space<smem>>
      %slice3A_550 = vector.extract_strided_slice %get3A_519 {offsets = [6], sizes = [1], strides = [1]} : vector<16xi32> to vector<1xi32>
      %squeeze3A_551 = vector.extract %slice3A_550[0] : i32 from vector<1xi32>
      %swap3A_552 = arith.constant 54 : i32
      %swap3A_553 = arith.index_cast %swap3A_552 : i32 to index
      %swap3A_554 = memref.load %arg16[%swap3A_553] : memref<80xi32, #tpu.memory_space<smem>>
      memref.store %squeeze3A_551, %arg16[%swap3A_553] : memref<80xi32, #tpu.memory_space<smem>>
      %slice3A_555 = vector.extract_strided_slice %get3A_519 {offsets = [7], sizes = [1], strides = [1]} : vector<16xi32> to vector<1xi32>
      %squeeze3A_556 = vector.extract %slice3A_555[0] : i32 from vector<1xi32>
      %swap3A_557 = arith.constant 55 : i32
      %swap3A_558 = arith.index_cast %swap3A_557 : i32 to index
      %swap3A_559 = memref.load %arg16[%swap3A_558] : memref<80xi32, #tpu.memory_space<smem>>
      memref.store %squeeze3A_556, %arg16[%swap3A_558] : memref<80xi32, #tpu.memory_space<smem>>
      %slice3A_560 = vector.extract_strided_slice %get3A_519 {offsets = [8], sizes = [1], strides = [1]} : vector<16xi32> to vector<1xi32>
      %squeeze3A_561 = vector.extract %slice3A_560[0] : i32 from vector<1xi32>
      %swap3A_562 = arith.constant 56 : i32
      %swap3A_563 = arith.index_cast %swap3A_562 : i32 to index
      %swap3A_564 = memref.load %arg16[%swap3A_563] : memref<80xi32, #tpu.memory_space<smem>>
      memref.store %squeeze3A_561, %arg16[%swap3A_563] : memref<80xi32, #tpu.memory_space<smem>>
      %slice3A_565 = vector.extract_strided_slice %get3A_519 {offsets = [9], sizes = [1], strides = [1]} : vector<16xi32> to vector<1xi32>
      %squeeze3A_566 = vector.extract %slice3A_565[0] : i32 from vector<1xi32>
      %swap3A_567 = arith.constant 57 : i32
      %swap3A_568 = arith.index_cast %swap3A_567 : i32 to index
      %swap3A_569 = memref.load %arg16[%swap3A_568] : memref<80xi32, #tpu.memory_space<smem>>
      memref.store %squeeze3A_566, %arg16[%swap3A_568] : memref<80xi32, #tpu.memory_space<smem>>
      %slice3A_570 = vector.extract_strided_slice %get3A_519 {offsets = [10], sizes = [1], strides = [1]} : vector<16xi32> to vector<1xi32>
      %squeeze3A_571 = vector.extract %slice3A_570[0] : i32 from vector<1xi32>
      %swap3A_572 = arith.constant 58 : i32
      %swap3A_573 = arith.index_cast %swap3A_572 : i32 to index
      %swap3A_574 = memref.load %arg16[%swap3A_573] : memref<80xi32, #tpu.memory_space<smem>>
      memref.store %squeeze3A_571, %arg16[%swap3A_573] : memref<80xi32, #tpu.memory_space<smem>>
      %slice3A_575 = vector.extract_strided_slice %get3A_519 {offsets = [11], sizes = [1], strides = [1]} : vector<16xi32> to vector<1xi32>
      %squeeze3A_576 = vector.extract %slice3A_575[0] : i32 from vector<1xi32>
      %swap3A_577 = arith.constant 59 : i32
      %swap3A_578 = arith.index_cast %swap3A_577 : i32 to index
      %swap3A_579 = memref.load %arg16[%swap3A_578] : memref<80xi32, #tpu.memory_space<smem>>
      memref.store %squeeze3A_576, %arg16[%swap3A_578] : memref<80xi32, #tpu.memory_space<smem>>
      %slice3A_580 = vector.extract_strided_slice %get3A_519 {offsets = [12], sizes = [1], strides = [1]} : vector<16xi32> to vector<1xi32>
      %squeeze3A_581 = vector.extract %slice3A_580[0] : i32 from vector<1xi32>
      %swap3A_582 = arith.constant 60 : i32
      %swap3A_583 = arith.index_cast %swap3A_582 : i32 to index
      %swap3A_584 = memref.load %arg16[%swap3A_583] : memref<80xi32, #tpu.memory_space<smem>>
      memref.store %squeeze3A_581, %arg16[%swap3A_583] : memref<80xi32, #tpu.memory_space<smem>>
      %slice3A_585 = vector.extract_strided_slice %get3A_519 {offsets = [13], sizes = [1], strides = [1]} : vector<16xi32> to vector<1xi32>
      %squeeze3A_586 = vector.extract %slice3A_585[0] : i32 from vector<1xi32>
      %swap3A_587 = arith.constant 61 : i32
      %swap3A_588 = arith.index_cast %swap3A_587 : i32 to index
      %swap3A_589 = memref.load %arg16[%swap3A_588] : memref<80xi32, #tpu.memory_space<smem>>
      memref.store %squeeze3A_586, %arg16[%swap3A_588] : memref<80xi32, #tpu.memory_space<smem>>
      %slice3A_590 = vector.extract_strided_slice %get3A_519 {offsets = [14], sizes = [1], strides = [1]} : vector<16xi32> to vector<1xi32>
      %squeeze3A_591 = vector.extract %slice3A_590[0] : i32 from vector<1xi32>
      %swap3A_592 = arith.constant 62 : i32
      %swap3A_593 = arith.index_cast %swap3A_592 : i32 to index
      %swap3A_594 = memref.load %arg16[%swap3A_593] : memref<80xi32, #tpu.memory_space<smem>>
      memref.store %squeeze3A_591, %arg16[%swap3A_593] : memref<80xi32, #tpu.memory_space<smem>>
      %slice3A_595 = vector.extract_strided_slice %get3A_519 {offsets = [15], sizes = [1], strides = [1]} : vector<16xi32> to vector<1xi32>
      %squeeze3A_596 = vector.extract %slice3A_595[0] : i32 from vector<1xi32>
      %swap3A_597 = arith.constant 63 : i32
      %swap3A_598 = arith.index_cast %swap3A_597 : i32 to index
      %swap3A_599 = memref.load %arg16[%swap3A_598] : memref<80xi32, #tpu.memory_space<smem>>
      memref.store %squeeze3A_596, %arg16[%swap3A_598] : memref<80xi32, #tpu.memory_space<smem>>
      %get3A_600 = arith.constant 64 : index
      %get3A_601 = tpu.vector_load %arg9[%get3A_600] {strides = array<i32>} : memref<80xi32, #tpu.memory_space<vmem>>, vector<16xi32>,
      %get3A_602 = vector.shape_cast %get3A_601 : vector<16xi32> to vector<16xi32>
      %slice3A_603 = vector.extract_strided_slice %get3A_602 {offsets = [0], sizes = [1], strides = [1]} : vector<16xi32> to vector<1xi32>
      %squeeze3A_604 = vector.extract %slice3A_603[0] : i32 from vector<1xi32>
      %swap3A_605 = arith.constant 64 : i32
      %swap3A_606 = arith.index_cast %swap3A_605 : i32 to index
      %swap3A_607 = memref.load %arg16[%swap3A_606] : memref<80xi32, #tpu.memory_space<smem>>
      memref.store %squeeze3A_604, %arg16[%swap3A_606] : memref<80xi32, #tpu.memory_space<smem>>
      %slice3A_608 = vector.extract_strided_slice %get3A_602 {offsets = [1], sizes = [1], strides = [1]} : vector<16xi32> to vector<1xi32>
      %squeeze3A_609 = vector.extract %slice3A_608[0] : i32 from vector<1xi32>
      %swap3A_610 = arith.constant 65 : i32
      %swap3A_611 = arith.index_cast %swap3A_610 : i32 to index
      %swap3A_612 = memref.load %arg16[%swap3A_611] : memref<80xi32, #tpu.memory_space<smem>>
      memref.store %squeeze3A_609, %arg16[%swap3A_611] : memref<80xi32, #tpu.memory_space<smem>>
      %slice3A_613 = vector.extract_strided_slice %get3A_602 {offsets = [2], sizes = [1], strides = [1]} : vector<16xi32> to vector<1xi32>
      %squeeze3A_614 = vector.extract %slice3A_613[0] : i32 from vector<1xi32>
      %swap3A_615 = arith.constant 66 : i32
      %swap3A_616 = arith.index_cast %swap3A_615 : i32 to index
      %swap3A_617 = memref.load %arg16[%swap3A_616] : memref<80xi32, #tpu.memory_space<smem>>
      memref.store %squeeze3A_614, %arg16[%swap3A_616] : memref<80xi32, #tpu.memory_space<smem>>
      %slice3A_618 = vector.extract_strided_slice %get3A_602 {offsets = [3], sizes = [1], strides = [1]} : vector<16xi32> to vector<1xi32>
      %squeeze3A_619 = vector.extract %slice3A_618[0] : i32 from vector<1xi32>
      %swap3A_620 = arith.constant 67 : i32
      %swap3A_621 = arith.index_cast %swap3A_620 : i32 to index
      %swap3A_622 = memref.load %arg16[%swap3A_621] : memref<80xi32, #tpu.memory_space<smem>>
      memref.store %squeeze3A_619, %arg16[%swap3A_621] : memref<80xi32, #tpu.memory_space<smem>>
      %slice3A_623 = vector.extract_strided_slice %get3A_602 {offsets = [4], sizes = [1], strides = [1]} : vector<16xi32> to vector<1xi32>
      %squeeze3A_624 = vector.extract %slice3A_623[0] : i32 from vector<1xi32>
      %swap3A_625 = arith.constant 68 : i32
      %swap3A_626 = arith.index_cast %swap3A_625 : i32 to index
      %swap3A_627 = memref.load %arg16[%swap3A_626] : memref<80xi32, #tpu.memory_space<smem>>
      memref.store %squeeze3A_624, %arg16[%swap3A_626] : memref<80xi32, #tpu.memory_space<smem>>
      %slice3A_628 = vector.extract_strided_slice %get3A_602 {offsets = [5], sizes = [1], strides = [1]} : vector<16xi32> to vector<1xi32>
      %squeeze3A_629 = vector.extract %slice3A_628[0] : i32 from vector<1xi32>
      %swap3A_630 = arith.constant 69 : i32
      %swap3A_631 = arith.index_cast %swap3A_630 : i32 to index
      %swap3A_632 = memref.load %arg16[%swap3A_631] : memref<80xi32, #tpu.memory_space<smem>>
      memref.store %squeeze3A_629, %arg16[%swap3A_631] : memref<80xi32, #tpu.memory_space<smem>>
      %slice3A_633 = vector.extract_strided_slice %get3A_602 {offsets = [6], sizes = [1], strides = [1]} : vector<16xi32> to vector<1xi32>
      %squeeze3A_634 = vector.extract %slice3A_633[0] : i32 from vector<1xi32>
      %swap3A_635 = arith.constant 70 : i32
      %swap3A_636 = arith.index_cast %swap3A_635 : i32 to index
      %swap3A_637 = memref.load %arg16[%swap3A_636] : memref<80xi32, #tpu.memory_space<smem>>
      memref.store %squeeze3A_634, %arg16[%swap3A_636] : memref<80xi32, #tpu.memory_space<smem>>
      %slice3A_638 = vector.extract_strided_slice %get3A_602 {offsets = [7], sizes = [1], strides = [1]} : vector<16xi32> to vector<1xi32>
      %squeeze3A_639 = vector.extract %slice3A_638[0] : i32 from vector<1xi32>
      %swap3A_640 = arith.constant 71 : i32
      %swap3A_641 = arith.index_cast %swap3A_640 : i32 to index
      %swap3A_642 = memref.load %arg16[%swap3A_641] : memref<80xi32, #tpu.memory_space<smem>>
      memref.store %squeeze3A_639, %arg16[%swap3A_641] : memref<80xi32, #tpu.memory_space<smem>>
      %slice3A_643 = vector.extract_strided_slice %get3A_602 {offsets = [8], sizes = [1], strides = [1]} : vector<16xi32> to vector<1xi32>
      %squeeze3A_644 = vector.extract %slice3A_643[0] : i32 from vector<1xi32>
      %swap3A_645 = arith.constant 72 : i32
      %swap3A_646 = arith.index_cast %swap3A_645 : i32 to index
      %swap3A_647 = memref.load %arg16[%swap3A_646] : memref<80xi32, #tpu.memory_space<smem>>
      memref.store %squeeze3A_644, %arg16[%swap3A_646] : memref<80xi32, #tpu.memory_space<smem>>
      %slice3A_648 = vector.extract_strided_slice %get3A_602 {offsets = [9], sizes = [1], strides = [1]} : vector<16xi32> to vector<1xi32>
      %squeeze3A_649 = vector.extract %slice3A_648[0] : i32 from vector<1xi32>
      %swap3A_650 = arith.constant 73 : i32
      %swap3A_651 = arith.index_cast %swap3A_650 : i32 to index
      %swap3A_652 = memref.load %arg16[%swap3A_651] : memref<80xi32, #tpu.memory_space<smem>>
      memref.store %squeeze3A_649, %arg16[%swap3A_651] : memref<80xi32, #tpu.memory_space<smem>>
      %slice3A_653 = vector.extract_strided_slice %get3A_602 {offsets = [10], sizes = [1], strides = [1]} : vector<16xi32> to vector<1xi32>
      %squeeze3A_654 = vector.extract %slice3A_653[0] : i32 from vector<1xi32>
      %swap3A_655 = arith.constant 74 : i32
      %swap3A_656 = arith.index_cast %swap3A_655 : i32 to index
      %swap3A_657 = memref.load %arg16[%swap3A_656] : memref<80xi32, #tpu.memory_space<smem>>
      memref.store %squeeze3A_654, %arg16[%swap3A_656] : memref<80xi32, #tpu.memory_space<smem>>
      %slice3A_658 = vector.extract_strided_slice %get3A_602 {offsets = [11], sizes = [1], strides = [1]} : vector<16xi32> to vector<1xi32>
      %squeeze3A_659 = vector.extract %slice3A_658[0] : i32 from vector<1xi32>
      %swap3A_660 = arith.constant 75 : i32
      %swap3A_661 = arith.index_cast %swap3A_660 : i32 to index
      %swap3A_662 = memref.load %arg16[%swap3A_661] : memref<80xi32, #tpu.memory_space<smem>>
      memref.store %squeeze3A_659, %arg16[%swap3A_661] : memref<80xi32, #tpu.memory_space<smem>>
      %slice3A_663 = vector.extract_strided_slice %get3A_602 {offsets = [12], sizes = [1], strides = [1]} : vector<16xi32> to vector<1xi32>
      %squeeze3A_664 = vector.extract %slice3A_663[0] : i32 from vector<1xi32>
      %swap3A_665 = arith.constant 76 : i32
      %swap3A_666 = arith.index_cast %swap3A_665 : i32 to index
      %swap3A_667 = memref.load %arg16[%swap3A_666] : memref<80xi32, #tpu.memory_space<smem>>
      memref.store %squeeze3A_664, %arg16[%swap3A_666] : memref<80xi32, #tpu.memory_space<smem>>
      %slice3A_668 = vector.extract_strided_slice %get3A_602 {offsets = [13], sizes = [1], strides = [1]} : vector<16xi32> to vector<1xi32>
      %squeeze3A_669 = vector.extract %slice3A_668[0] : i32 from vector<1xi32>
      %swap3A_670 = arith.constant 77 : i32
      %swap3A_671 = arith.index_cast %swap3A_670 : i32 to index
      %swap3A_672 = memref.load %arg16[%swap3A_671] : memref<80xi32, #tpu.memory_space<smem>>
      memref.store %squeeze3A_669, %arg16[%swap3A_671] : memref<80xi32, #tpu.memory_space<smem>>
      %slice3A_673 = vector.extract_strided_slice %get3A_602 {offsets = [14], sizes = [1], strides = [1]} : vector<16xi32> to vector<1xi32>
      %squeeze3A_674 = vector.extract %slice3A_673[0] : i32 from vector<1xi32>
      %swap3A_675 = arith.constant 78 : i32
      %swap3A_676 = arith.index_cast %swap3A_675 : i32 to index
      %swap3A_677 = memref.load %arg16[%swap3A_676] : memref<80xi32, #tpu.memory_space<smem>>
      memref.store %squeeze3A_674, %arg16[%swap3A_676] : memref<80xi32, #tpu.memory_space<smem>>
      %slice3A_678 = vector.extract_strided_slice %get3A_602 {offsets = [15], sizes = [1], strides = [1]} : vector<16xi32> to vector<1xi32>
      %squeeze3A_679 = vector.extract %slice3A_678[0] : i32 from vector<1xi32>
      %swap3A_680 = arith.constant 79 : i32
      %swap3A_681 = arith.index_cast %swap3A_680 : i32 to index
      %swap3A_682 = memref.load %arg16[%swap3A_681] : memref<80xi32, #tpu.memory_space<smem>>
      memref.store %squeeze3A_679, %arg16[%swap3A_681] : memref<80xi32, #tpu.memory_space<smem>>
      %scan3A_683 = arith.constant 0 : i32
      %scan3A_684 = arith.constant 80 : i32
      %scan3A_685 = arith.addi %scan3A_683, %scan3A_684 : i32
      %scan3A_686 = arith.constant 1 : i32
      %scan3A_687:9 = scf.for %scan3A_689 = %scan3A_683 to %scan3A_685 step %scan3A_686 iter_args(%scan3A_690 = %scan3A_240, %scan3A_691 = %scan3A_241, %scan3A_692 = %scan3A_242, %scan3A_693 = %scan3A_243, %scan3A_694 = %scan3A_244, %scan3A_695 = %scan3A_245, %scan3A_696 = %scan3A_246, %scan3A_697 = %scan3A_247, %scan3A_698 = %scan3A_248) -> (i32, vector<16xf32>, vector<16xf32>, vector<16xf32>, vector<16xf32>, vector<16xf32>, vector<16xf32>, vector<16xf32>, vector<16xf32>)  : i32 {
        %get3A_699 = arith.index_cast %scan3A_689 : i32 to index
        %get3A_700 = memref.load %arg16[%get3A_699] : memref<80xi32, #tpu.memory_space<smem>>
        %get3A_701 = arith.index_cast %scan3A_689 : i32 to index
        %get3A_702 = arith.constant 0 : index
        %get3A_703 = tpu.vector_load %arg12[%get3A_701, %get3A_702] {strides = array<i32>} : memref<80x128xf32, #tpu.memory_space<vmem>>, vector<1x16xf32>,
        %get3A_704 = vector.shape_cast %get3A_703 : vector<1x16xf32> to vector<16xf32>
        %get3A_705 = arith.index_cast %scan3A_689 : i32 to index
        %get3A_706 = arith.constant 0 : index
        %get3A_707 = tpu.vector_load %arg11[%get3A_705, %get3A_706] {strides = array<i32>} : memref<80x128xf32, #tpu.memory_space<vmem>>, vector<1x16xf32>,
        %get3A_708 = vector.shape_cast %get3A_707 : vector<1x16xf32> to vector<16xf32>
        %sub3A = arith.subf %get3A_704, %get3A_708 : vector<16xf32>
        %bitcast_convert_type3A = tpu.bitcast %sub3A : vector<16xf32> -> vector<16xi32>
        %shift_right_logical3A = arith.constant 16 : i32
        %shift_right_logical3A_709 = vector.broadcast %shift_right_logical3A : i32 to vector<16xi32>
        %shift_right_logical3A_710 = arith.shrui %bitcast_convert_type3A, %shift_right_logical3A_709 : vector<16xi32>
        %and3A = arith.constant 1 : i32
        %and3A_711 = vector.broadcast %and3A : i32 to vector<16xi32>
        %and3A_712 = arith.andi %shift_right_logical3A_710, %and3A_711 : vector<16xi32>
        %add3A_713 = arith.constant 32767 : i32
        %add3A_714 = vector.broadcast %add3A_713 : i32 to vector<16xi32>
        %add3A_715 = arith.addi %bitcast_convert_type3A, %add3A_714 : vector<16xi32>
        %add3A_716 = arith.addi %add3A_715, %and3A_712 : vector<16xi32>
        %and3A_717 = arith.constant -65536 : i32
        %and3A_718 = vector.broadcast %and3A_717 : i32 to vector<16xi32>
        %and3A_719 = arith.andi %add3A_716, %and3A_718 : vector<16xi32>
        %bitcast_convert_type3A_720 = tpu.bitcast %and3A_719 : vector<16xi32> -> vector<16xf32>
        %slice3A_721 = vector.extract_strided_slice %bitcast_convert_type3A_720 {offsets = [0], sizes = [1], strides = [1]} : vector<16xf32> to vector<1xf32>
        %squeeze3A_722 = vector.extract %slice3A_721[0] : f32 from vector<1xf32>
        %slice3A_723 = vector.extract_strided_slice %bitcast_convert_type3A_720 {offsets = [1], sizes = [1], strides = [1]} : vector<16xf32> to vector<1xf32>
        %squeeze3A_724 = vector.extract %slice3A_723[0] : f32 from vector<1xf32>
        %slice3A_725 = vector.extract_strided_slice %bitcast_convert_type3A_720 {offsets = [2], sizes = [1], strides = [1]} : vector<16xf32> to vector<1xf32>
        %squeeze3A_726 = vector.extract %slice3A_725[0] : f32 from vector<1xf32>
        %mul3A_727 = vector.broadcast %squeeze3A_722 : f32 to vector<16xf32>
        %mul3A_728 = arith.mulf %mul3A_727, %get3A_111 : vector<16xf32>
        %mul3A_729 = vector.broadcast %squeeze3A_724 : f32 to vector<16xf32>
        %mul3A_730 = arith.mulf %mul3A_729, %get3A_116 : vector<16xf32>
        %add3A_731 = arith.addf %mul3A_728, %mul3A_730 : vector<16xf32>
        %mul3A_732 = vector.broadcast %squeeze3A_726 : f32 to vector<16xf32>
        %mul3A_733 = arith.mulf %mul3A_732, %get3A_121 : vector<16xf32>
        %add3A_734 = arith.addf %add3A_731, %mul3A_733 : vector<16xf32>
        %get3A_735 = arith.index_cast %scan3A_689 : i32 to index
        %get3A_736 = arith.constant 0 : index
        %get3A_737 = tpu.vector_load %arg10[%get3A_735, %get3A_736] {strides = array<i32>} : memref<80x128xf32, #tpu.memory_space<vmem>>, vector<1x16xf32>,
        %get3A_738 = vector.shape_cast %get3A_737 : vector<1x16xf32> to vector<16xf32>
        %add3A_739 = arith.addf %get3A_738, %add3A_734 : vector<16xf32>
        %max3A = arith.constant 0.000000e+00 : f32
        %max3A_740 = vector.broadcast %max3A : f32 to vector<16xf32>
        %max3A_741 = arith.maximumf %add3A_739, %max3A_740 : vector<16xf32>
        %mul3A_742 = vector.broadcast %squeeze3A_722 : f32 to vector<16xf32>
        %mul3A_743 = arith.mulf %mul3A_742, %get3A_126 : vector<16xf32>
        %mul3A_744 = vector.broadcast %squeeze3A_724 : f32 to vector<16xf32>
        %mul3A_745 = arith.mulf %mul3A_744, %get3A_131 : vector<16xf32>
        %add3A_746 = arith.addf %mul3A_743, %mul3A_745 : vector<16xf32>
        %mul3A_747 = vector.broadcast %squeeze3A_726 : f32 to vector<16xf32>
        %mul3A_748 = arith.mulf %mul3A_747, %get3A_136 : vector<16xf32>
        %add3A_749 = arith.addf %add3A_746, %mul3A_748 : vector<16xf32>
        %get3A_750 = arith.index_cast %scan3A_689 : i32 to index
        %get3A_751 = arith.constant 16 : index
        %get3A_752 = tpu.vector_load %arg10[%get3A_750, %get3A_751] {strides = array<i32>} : memref<80x128xf32, #tpu.memory_space<vmem>>, vector<1x16xf32>,
        %get3A_753 = vector.shape_cast %get3A_752 : vector<1x16xf32> to vector<16xf32>
        %add3A_754 = arith.addf %get3A_753, %add3A_749 : vector<16xf32>
        %max3A_755 = arith.constant 0.000000e+00 : f32
        %max3A_756 = vector.broadcast %max3A_755 : f32 to vector<16xf32>
        %max3A_757 = arith.maximumf %add3A_754, %max3A_756 : vector<16xf32>
        %mul3A_758 = vector.broadcast %squeeze3A_722 : f32 to vector<16xf32>
        %mul3A_759 = arith.mulf %mul3A_758, %get3A_141 : vector<16xf32>
        %mul3A_760 = vector.broadcast %squeeze3A_724 : f32 to vector<16xf32>
        %mul3A_761 = arith.mulf %mul3A_760, %get3A_146 : vector<16xf32>
        %add3A_762 = arith.addf %mul3A_759, %mul3A_761 : vector<16xf32>
        %mul3A_763 = vector.broadcast %squeeze3A_726 : f32 to vector<16xf32>
        %mul3A_764 = arith.mulf %mul3A_763, %get3A_151 : vector<16xf32>
        %add3A_765 = arith.addf %add3A_762, %mul3A_764 : vector<16xf32>
        %get3A_766 = arith.index_cast %scan3A_689 : i32 to index
        %get3A_767 = arith.constant 32 : index
        %get3A_768 = tpu.vector_load %arg10[%get3A_766, %get3A_767] {strides = array<i32>} : memref<80x128xf32, #tpu.memory_space<vmem>>, vector<1x16xf32>,
        %get3A_769 = vector.shape_cast %get3A_768 : vector<1x16xf32> to vector<16xf32>
        %add3A_770 = arith.addf %get3A_769, %add3A_765 : vector<16xf32>
        %max3A_771 = arith.constant 0.000000e+00 : f32
        %max3A_772 = vector.broadcast %max3A_771 : f32 to vector<16xf32>
        %max3A_773 = arith.maximumf %add3A_770, %max3A_772 : vector<16xf32>
        %mul3A_774 = vector.broadcast %squeeze3A_722 : f32 to vector<16xf32>
        %mul3A_775 = arith.mulf %mul3A_774, %get3A_156 : vector<16xf32>
        %mul3A_776 = vector.broadcast %squeeze3A_724 : f32 to vector<16xf32>
        %mul3A_777 = arith.mulf %mul3A_776, %get3A_161 : vector<16xf32>
        %add3A_778 = arith.addf %mul3A_775, %mul3A_777 : vector<16xf32>
        %mul3A_779 = vector.broadcast %squeeze3A_726 : f32 to vector<16xf32>
        %mul3A_780 = arith.mulf %mul3A_779, %get3A_166 : vector<16xf32>
        %add3A_781 = arith.addf %add3A_778, %mul3A_780 : vector<16xf32>
        %get3A_782 = arith.index_cast %scan3A_689 : i32 to index
        %get3A_783 = arith.constant 48 : index
        %get3A_784 = tpu.vector_load %arg10[%get3A_782, %get3A_783] {strides = array<i32>} : memref<80x128xf32, #tpu.memory_space<vmem>>, vector<1x16xf32>,
        %get3A_785 = vector.shape_cast %get3A_784 : vector<1x16xf32> to vector<16xf32>
        %add3A_786 = arith.addf %get3A_785, %add3A_781 : vector<16xf32>
        %max3A_787 = arith.constant 0.000000e+00 : f32
        %max3A_788 = vector.broadcast %max3A_787 : f32 to vector<16xf32>
        %max3A_789 = arith.maximumf %add3A_786, %max3A_788 : vector<16xf32>
        %mul3A_790 = vector.broadcast %squeeze3A_722 : f32 to vector<16xf32>
        %mul3A_791 = arith.mulf %mul3A_790, %get3A_171 : vector<16xf32>
        %mul3A_792 = vector.broadcast %squeeze3A_724 : f32 to vector<16xf32>
        %mul3A_793 = arith.mulf %mul3A_792, %get3A_176 : vector<16xf32>
        %add3A_794 = arith.addf %mul3A_791, %mul3A_793 : vector<16xf32>
        %mul3A_795 = vector.broadcast %squeeze3A_726 : f32 to vector<16xf32>
        %mul3A_796 = arith.mulf %mul3A_795, %get3A_181 : vector<16xf32>
        %add3A_797 = arith.addf %add3A_794, %mul3A_796 : vector<16xf32>
        %get3A_798 = arith.index_cast %scan3A_689 : i32 to index
        %get3A_799 = arith.constant 64 : index
        %get3A_800 = tpu.vector_load %arg10[%get3A_798, %get3A_799] {strides = array<i32>} : memref<80x128xf32, #tpu.memory_space<vmem>>, vector<1x16xf32>,
        %get3A_801 = vector.shape_cast %get3A_800 : vector<1x16xf32> to vector<16xf32>
        %add3A_802 = arith.addf %get3A_801, %add3A_797 : vector<16xf32>
        %max3A_803 = arith.constant 0.000000e+00 : f32
        %max3A_804 = vector.broadcast %max3A_803 : f32 to vector<16xf32>
        %max3A_805 = arith.maximumf %add3A_802, %max3A_804 : vector<16xf32>
        %mul3A_806 = vector.broadcast %squeeze3A_722 : f32 to vector<16xf32>
        %mul3A_807 = arith.mulf %mul3A_806, %get3A_186 : vector<16xf32>
        %mul3A_808 = vector.broadcast %squeeze3A_724 : f32 to vector<16xf32>
        %mul3A_809 = arith.mulf %mul3A_808, %get3A_191 : vector<16xf32>
        %add3A_810 = arith.addf %mul3A_807, %mul3A_809 : vector<16xf32>
        %mul3A_811 = vector.broadcast %squeeze3A_726 : f32 to vector<16xf32>
        %mul3A_812 = arith.mulf %mul3A_811, %get3A_196 : vector<16xf32>
        %add3A_813 = arith.addf %add3A_810, %mul3A_812 : vector<16xf32>
        %get3A_814 = arith.index_cast %scan3A_689 : i32 to index
        %get3A_815 = arith.constant 80 : index
        %get3A_816 = tpu.vector_load %arg10[%get3A_814, %get3A_815] {strides = array<i32>} : memref<80x128xf32, #tpu.memory_space<vmem>>, vector<1x16xf32>,
        %get3A_817 = vector.shape_cast %get3A_816 : vector<1x16xf32> to vector<16xf32>
        %add3A_818 = arith.addf %get3A_817, %add3A_813 : vector<16xf32>
        %max3A_819 = arith.constant 0.000000e+00 : f32
        %max3A_820 = vector.broadcast %max3A_819 : f32 to vector<16xf32>
        %max3A_821 = arith.maximumf %add3A_818, %max3A_820 : vector<16xf32>
        %mul3A_822 = vector.broadcast %squeeze3A_722 : f32 to vector<16xf32>
        %mul3A_823 = arith.mulf %mul3A_822, %get3A_201 : vector<16xf32>
        %mul3A_824 = vector.broadcast %squeeze3A_724 : f32 to vector<16xf32>
        %mul3A_825 = arith.mulf %mul3A_824, %get3A_206 : vector<16xf32>
        %add3A_826 = arith.addf %mul3A_823, %mul3A_825 : vector<16xf32>
        %mul3A_827 = vector.broadcast %squeeze3A_726 : f32 to vector<16xf32>
        %mul3A_828 = arith.mulf %mul3A_827, %get3A_211 : vector<16xf32>
        %add3A_829 = arith.addf %add3A_826, %mul3A_828 : vector<16xf32>
        %get3A_830 = arith.index_cast %scan3A_689 : i32 to index
        %get3A_831 = arith.constant 96 : index
        %get3A_832 = tpu.vector_load %arg10[%get3A_830, %get3A_831] {strides = array<i32>} : memref<80x128xf32, #tpu.memory_space<vmem>>, vector<1x16xf32>,
        %get3A_833 = vector.shape_cast %get3A_832 : vector<1x16xf32> to vector<16xf32>
        %add3A_834 = arith.addf %get3A_833, %add3A_829 : vector<16xf32>
        %max3A_835 = arith.constant 0.000000e+00 : f32
        %max3A_836 = vector.broadcast %max3A_835 : f32 to vector<16xf32>
        %max3A_837 = arith.maximumf %add3A_834, %max3A_836 : vector<16xf32>
        %mul3A_838 = vector.broadcast %squeeze3A_722 : f32 to vector<16xf32>
        %mul3A_839 = arith.mulf %mul3A_838, %get3A_216 : vector<16xf32>
        %mul3A_840 = vector.broadcast %squeeze3A_724 : f32 to vector<16xf32>
        %mul3A_841 = arith.mulf %mul3A_840, %get3A_221 : vector<16xf32>
        %add3A_842 = arith.addf %mul3A_839, %mul3A_841 : vector<16xf32>
        %mul3A_843 = vector.broadcast %squeeze3A_726 : f32 to vector<16xf32>
        %mul3A_844 = arith.mulf %mul3A_843, %get3A_226 : vector<16xf32>
        %add3A_845 = arith.addf %add3A_842, %mul3A_844 : vector<16xf32>
        %get3A_846 = arith.index_cast %scan3A_689 : i32 to index
        %get3A_847 = arith.constant 112 : index
        %get3A_848 = tpu.vector_load %arg10[%get3A_846, %get3A_847] {strides = array<i32>} : memref<80x128xf32, #tpu.memory_space<vmem>>, vector<1x16xf32>,
        %get3A_849 = vector.shape_cast %get3A_848 : vector<1x16xf32> to vector<16xf32>
        %add3A_850 = arith.addf %get3A_849, %add3A_845 : vector<16xf32>
        %max3A_851 = arith.constant 0.000000e+00 : f32
        %max3A_852 = vector.broadcast %max3A_851 : f32 to vector<16xf32>
        %max3A_853 = arith.maximumf %add3A_850, %max3A_852 : vector<16xf32>
        %ne3A = arith.cmpi ne, %get3A_700, %scan3A_690 : i32
        %convert_element_type3A_854 = arith.extui %ne3A : i1 to i32
        %cond3A_855 = arith.constant 0 : i32
        %cond3A_856 = arith.cmpi ne, %convert_element_type3A_854, %cond3A_855 : i32
        scf.if %cond3A_856 {
          %ge3A_872 = arith.constant 0 : i32
          %ge3A_873 = arith.cmpi sge, %scan3A_690, %ge3A_872 : i32
          %convert_element_type3A_874 = arith.extui %ge3A_873 : i1 to i32
          %cond3A_875 = arith.constant 0 : i32
          %cond3A_876 = arith.cmpi ne, %convert_element_type3A_874, %cond3A_875 : i32
          scf.if %cond3A_876 {
            %swap3A_877 = arith.constant 0 : index
            %swap3A_878 = tpu.vector_load %arg15[%swap3A_877] {strides = array<i32>} : memref<128xf32, #tpu.memory_space<vmem>>, vector<16xf32>,
            %swap3A_879 = vector.shape_cast %swap3A_878 : vector<16xf32> to vector<16xf32>
            %swap3A_880 = vector.shape_cast %scan3A_691 : vector<16xf32> to vector<16xf32>
            tpu.vector_store %arg15[%swap3A_877], %swap3A_880 {strides = array<i32>} : memref<128xf32, #tpu.memory_space<vmem>>, vector<16xf32>,
            %swap3A_881 = arith.constant 16 : index
            %swap3A_882 = tpu.vector_load %arg15[%swap3A_881] {strides = array<i32>} : memref<128xf32, #tpu.memory_space<vmem>>, vector<16xf32>,
            %swap3A_883 = vector.shape_cast %swap3A_882 : vector<16xf32> to vector<16xf32>
            %swap3A_884 = vector.shape_cast %scan3A_692 : vector<16xf32> to vector<16xf32>
            tpu.vector_store %arg15[%swap3A_881], %swap3A_884 {strides = array<i32>} : memref<128xf32, #tpu.memory_space<vmem>>, vector<16xf32>,
            %swap3A_885 = arith.constant 32 : index
            %swap3A_886 = tpu.vector_load %arg15[%swap3A_885] {strides = array<i32>} : memref<128xf32, #tpu.memory_space<vmem>>, vector<16xf32>,
            %swap3A_887 = vector.shape_cast %swap3A_886 : vector<16xf32> to vector<16xf32>
            %swap3A_888 = vector.shape_cast %scan3A_693 : vector<16xf32> to vector<16xf32>
            tpu.vector_store %arg15[%swap3A_885], %swap3A_888 {strides = array<i32>} : memref<128xf32, #tpu.memory_space<vmem>>, vector<16xf32>,
            %swap3A_889 = arith.constant 48 : index
            %swap3A_890 = tpu.vector_load %arg15[%swap3A_889] {strides = array<i32>} : memref<128xf32, #tpu.memory_space<vmem>>, vector<16xf32>,
            %swap3A_891 = vector.shape_cast %swap3A_890 : vector<16xf32> to vector<16xf32>
            %swap3A_892 = vector.shape_cast %scan3A_694 : vector<16xf32> to vector<16xf32>
            tpu.vector_store %arg15[%swap3A_889], %swap3A_892 {strides = array<i32>} : memref<128xf32, #tpu.memory_space<vmem>>, vector<16xf32>,
            %swap3A_893 = arith.constant 64 : index
            %swap3A_894 = tpu.vector_load %arg15[%swap3A_893] {strides = array<i32>} : memref<128xf32, #tpu.memory_space<vmem>>, vector<16xf32>,
            %swap3A_895 = vector.shape_cast %swap3A_894 : vector<16xf32> to vector<16xf32>
            %swap3A_896 = vector.shape_cast %scan3A_695 : vector<16xf32> to vector<16xf32>
            tpu.vector_store %arg15[%swap3A_893], %swap3A_896 {strides = array<i32>} : memref<128xf32, #tpu.memory_space<vmem>>, vector<16xf32>,
            %swap3A_897 = arith.constant 80 : index
            %swap3A_898 = tpu.vector_load %arg15[%swap3A_897] {strides = array<i32>} : memref<128xf32, #tpu.memory_space<vmem>>, vector<16xf32>,
            %swap3A_899 = vector.shape_cast %swap3A_898 : vector<16xf32> to vector<16xf32>
            %swap3A_900 = vector.shape_cast %scan3A_696 : vector<16xf32> to vector<16xf32>
            tpu.vector_store %arg15[%swap3A_897], %swap3A_900 {strides = array<i32>} : memref<128xf32, #tpu.memory_space<vmem>>, vector<16xf32>,
            %swap3A_901 = arith.constant 96 : index
            %swap3A_902 = tpu.vector_load %arg15[%swap3A_901] {strides = array<i32>} : memref<128xf32, #tpu.memory_space<vmem>>, vector<16xf32>,
            %swap3A_903 = vector.shape_cast %swap3A_902 : vector<16xf32> to vector<16xf32>
            %swap3A_904 = vector.shape_cast %scan3A_697 : vector<16xf32> to vector<16xf32>
            tpu.vector_store %arg15[%swap3A_901], %swap3A_904 {strides = array<i32>} : memref<128xf32, #tpu.memory_space<vmem>>, vector<16xf32>,
            %swap3A_905 = arith.constant 112 : index
            %swap3A_906 = tpu.vector_load %arg15[%swap3A_905] {strides = array<i32>} : memref<128xf32, #tpu.memory_space<vmem>>, vector<16xf32>,
            %swap3A_907 = vector.shape_cast %swap3A_906 : vector<16xf32> to vector<16xf32>
            %swap3A_908 = vector.shape_cast %scan3A_698 : vector<16xf32> to vector<16xf32>
            tpu.vector_store %arg15[%swap3A_905], %swap3A_908 {strides = array<i32>} : memref<128xf32, #tpu.memory_space<vmem>>, vector<16xf32>,
            %mul3A_909 = arith.constant 128 : i32
            %mul3A_910 = arith.muli %scan3A_690, %mul3A_909 : i32
            %multiple_of3A_911 = tpu.assume_multiple %mul3A_910, 8 : i32
            "tpu.region"() ({
              %run_scoped3A = tpu.sem_alloc : memref<!tpu.dma_semaphore, #tpu.memory_space<semaphore_mem>>
              %dma_start3A_912 = tpu.memref_slice %arg17[%multiple_of3A_911] : memref<1310720xf32, #tpu.memory_space<vmem_shared>> -> memref<128xf32, #tpu.memory_space<vmem_shared>>
              %dma_start3A_913 = tpu.memref_slice %arg17[%multiple_of3A_911] : memref<1310720xf32, #tpu.memory_space<vmem_shared>> -> memref<128xf32, #tpu.memory_space<vmem_shared>>
              tpu.enqueue_dma source(%arg15 : memref<128xf32, #tpu.memory_space<vmem>>) target(%dma_start3A_913 : memref<128xf32, #tpu.memory_space<vmem_shared>>) target_semaphore(%run_scoped3A : memref<!tpu.dma_semaphore, #tpu.memory_space<semaphore_mem>>)
              %dma_wait3A_914 = tpu.memref_slice %arg17[%multiple_of3A_911] : memref<1310720xf32, #tpu.memory_space<vmem_shared>> -> memref<128xf32, #tpu.memory_space<vmem_shared>>
              %dma_wait3A_915 = tpu.memref_slice %arg17[%multiple_of3A_911] : memref<1310720xf32, #tpu.memory_space<vmem_shared>> -> memref<128xf32, #tpu.memory_space<vmem_shared>>
              tpu.wait_dma2 semaphore(%run_scoped3A : memref<!tpu.dma_semaphore, #tpu.memory_space<semaphore_mem>>) src(%arg15 : memref<128xf32, #tpu.memory_space<vmem>>) dst(%dma_wait3A_915 : memref<128xf32, #tpu.memory_space<vmem_shared>>)
              tpu.yield
            }) : () -> ()
          } else {
          }
        } else {
        }
        %add3A_857 = arith.addf %scan3A_691, %max3A_741 : vector<16xf32>
        %select_n3A = arith.select %ne3A, %max3A_741, %add3A_857 : vector<16xf32>
        %add3A_858 = arith.addf %scan3A_692, %max3A_757 : vector<16xf32>
        %select_n3A_859 = arith.select %ne3A, %max3A_757, %add3A_858 : vector<16xf32>
        %add3A_860 = arith.addf %scan3A_693, %max3A_773 : vector<16xf32>
        %select_n3A_861 = arith.select %ne3A, %max3A_773, %add3A_860 : vector<16xf32>
        %add3A_862 = arith.addf %scan3A_694, %max3A_789 : vector<16xf32>
        %select_n3A_863 = arith.select %ne3A, %max3A_789, %add3A_862 : vector<16xf32>
        %add3A_864 = arith.addf %scan3A_695, %max3A_805 : vector<16xf32>
        %select_n3A_865 = arith.select %ne3A, %max3A_805, %add3A_864 : vector<16xf32>
        %add3A_866 = arith.addf %scan3A_696, %max3A_821 : vector<16xf32>
        %select_n3A_867 = arith.select %ne3A, %max3A_821, %add3A_866 : vector<16xf32>
        %add3A_868 = arith.addf %scan3A_697, %max3A_837 : vector<16xf32>
        %select_n3A_869 = arith.select %ne3A, %max3A_837, %add3A_868 : vector<16xf32>
        %add3A_870 = arith.addf %scan3A_698, %max3A_853 : vector<16xf32>
        %select_n3A_871 = arith.select %ne3A, %max3A_853, %add3A_870 : vector<16xf32>
        scf.yield %get3A_700, %select_n3A, %select_n3A_859, %select_n3A_861, %select_n3A_863, %select_n3A_865, %select_n3A_867, %select_n3A_869, %select_n3A_871 : i32, vector<16xf32>, vector<16xf32>, vector<16xf32>, vector<16xf32>, vector<16xf32>, vector<16xf32>, vector<16xf32>, vector<16xf32>
      }
      %scan3A_688 = arith.constant 80 : i32
      scf.yield %scan3A_687#0, %scan3A_687#1, %scan3A_687#2, %scan3A_687#3, %scan3A_687#4, %scan3A_687#5, %scan3A_687#6, %scan3A_687#7, %scan3A_687#8 : i32, vector<16xf32>, vector<16xf32>, vector<16xf32>, vector<16xf32>, vector<16xf32>, vector<16xf32>, vector<16xf32>, vector<16xf32>
    }
    %scan3A_235 = arith.constant 127 : i32
    %ge3A = arith.constant 0 : i32
    %ge3A_236 = arith.cmpi sge, %scan3A_234#0, %ge3A : i32
    %convert_element_type3A = arith.extui %ge3A_236 : i1 to i32
    %cond3A = arith.constant 0 : i32
    %cond3A_237 = arith.cmpi ne, %convert_element_type3A, %cond3A : i32
    scf.if %cond3A_237 {
      %swap3A = arith.constant 0 : index
      %swap3A_239 = tpu.vector_load %arg15[%swap3A] {strides = array<i32>} : memref<128xf32, #tpu.memory_space<vmem>>, vector<16xf32>,
      %swap3A_240 = vector.shape_cast %swap3A_239 : vector<16xf32> to vector<16xf32>
      %swap3A_241 = vector.shape_cast %scan3A_234#1 : vector<16xf32> to vector<16xf32>
      tpu.vector_store %arg15[%swap3A], %swap3A_241 {strides = array<i32>} : memref<128xf32, #tpu.memory_space<vmem>>, vector<16xf32>,
      %swap3A_242 = arith.constant 16 : index
      %swap3A_243 = tpu.vector_load %arg15[%swap3A_242] {strides = array<i32>} : memref<128xf32, #tpu.memory_space<vmem>>, vector<16xf32>,
      %swap3A_244 = vector.shape_cast %swap3A_243 : vector<16xf32> to vector<16xf32>
      %swap3A_245 = vector.shape_cast %scan3A_234#2 : vector<16xf32> to vector<16xf32>
      tpu.vector_store %arg15[%swap3A_242], %swap3A_245 {strides = array<i32>} : memref<128xf32, #tpu.memory_space<vmem>>, vector<16xf32>,
      %swap3A_246 = arith.constant 32 : index
      %swap3A_247 = tpu.vector_load %arg15[%swap3A_246] {strides = array<i32>} : memref<128xf32, #tpu.memory_space<vmem>>, vector<16xf32>,
      %swap3A_248 = vector.shape_cast %swap3A_247 : vector<16xf32> to vector<16xf32>
      %swap3A_249 = vector.shape_cast %scan3A_234#3 : vector<16xf32> to vector<16xf32>
      tpu.vector_store %arg15[%swap3A_246], %swap3A_249 {strides = array<i32>} : memref<128xf32, #tpu.memory_space<vmem>>, vector<16xf32>,
      %swap3A_250 = arith.constant 48 : index
      %swap3A_251 = tpu.vector_load %arg15[%swap3A_250] {strides = array<i32>} : memref<128xf32, #tpu.memory_space<vmem>>, vector<16xf32>,
      %swap3A_252 = vector.shape_cast %swap3A_251 : vector<16xf32> to vector<16xf32>
      %swap3A_253 = vector.shape_cast %scan3A_234#4 : vector<16xf32> to vector<16xf32>
      tpu.vector_store %arg15[%swap3A_250], %swap3A_253 {strides = array<i32>} : memref<128xf32, #tpu.memory_space<vmem>>, vector<16xf32>,
      %swap3A_254 = arith.constant 64 : index
      %swap3A_255 = tpu.vector_load %arg15[%swap3A_254] {strides = array<i32>} : memref<128xf32, #tpu.memory_space<vmem>>, vector<16xf32>,
      %swap3A_256 = vector.shape_cast %swap3A_255 : vector<16xf32> to vector<16xf32>
      %swap3A_257 = vector.shape_cast %scan3A_234#5 : vector<16xf32> to vector<16xf32>
      tpu.vector_store %arg15[%swap3A_254], %swap3A_257 {strides = array<i32>} : memref<128xf32, #tpu.memory_space<vmem>>, vector<16xf32>,
      %swap3A_258 = arith.constant 80 : index
      %swap3A_259 = tpu.vector_load %arg15[%swap3A_258] {strides = array<i32>} : memref<128xf32, #tpu.memory_space<vmem>>, vector<16xf32>,
      %swap3A_260 = vector.shape_cast %swap3A_259 : vector<16xf32> to vector<16xf32>
      %swap3A_261 = vector.shape_cast %scan3A_234#6 : vector<16xf32> to vector<16xf32>
      tpu.vector_store %arg15[%swap3A_258], %swap3A_261 {strides = array<i32>} : memref<128xf32, #tpu.memory_space<vmem>>, vector<16xf32>,
      %swap3A_262 = arith.constant 96 : index
      %swap3A_263 = tpu.vector_load %arg15[%swap3A_262] {strides = array<i32>} : memref<128xf32, #tpu.memory_space<vmem>>, vector<16xf32>,
      %swap3A_264 = vector.shape_cast %swap3A_263 : vector<16xf32> to vector<16xf32>
      %swap3A_265 = vector.shape_cast %scan3A_234#7 : vector<16xf32> to vector<16xf32>
      tpu.vector_store %arg15[%swap3A_262], %swap3A_265 {strides = array<i32>} : memref<128xf32, #tpu.memory_space<vmem>>, vector<16xf32>,
      %swap3A_266 = arith.constant 112 : index
      %swap3A_267 = tpu.vector_load %arg15[%swap3A_266] {strides = array<i32>} : memref<128xf32, #tpu.memory_space<vmem>>, vector<16xf32>,
      %swap3A_268 = vector.shape_cast %swap3A_267 : vector<16xf32> to vector<16xf32>
      %swap3A_269 = vector.shape_cast %scan3A_234#8 : vector<16xf32> to vector<16xf32>
      tpu.vector_store %arg15[%swap3A_266], %swap3A_269 {strides = array<i32>} : memref<128xf32, #tpu.memory_space<vmem>>, vector<16xf32>,
      %mul3A_270 = arith.constant 128 : i32
      %mul3A_271 = arith.muli %scan3A_234#0, %mul3A_270 : i32
      %multiple_of3A_272 = tpu.assume_multiple %mul3A_271, 8 : i32
      "tpu.region"() ({
        %run_scoped3A = tpu.sem_alloc : memref<!tpu.dma_semaphore, #tpu.memory_space<semaphore_mem>>
        %dma_start3A = tpu.memref_slice %arg17[%multiple_of3A_272] : memref<1310720xf32, #tpu.memory_space<vmem_shared>> -> memref<128xf32, #tpu.memory_space<vmem_shared>>
        %dma_start3A_273 = tpu.memref_slice %arg17[%multiple_of3A_272] : memref<1310720xf32, #tpu.memory_space<vmem_shared>> -> memref<128xf32, #tpu.memory_space<vmem_shared>>
        tpu.enqueue_dma source(%arg15 : memref<128xf32, #tpu.memory_space<vmem>>) target(%dma_start3A_273 : memref<128xf32, #tpu.memory_space<vmem_shared>>) target_semaphore(%run_scoped3A : memref<!tpu.dma_semaphore, #tpu.memory_space<semaphore_mem>>)
        %dma_wait3A = tpu.memref_slice %arg17[%multiple_of3A_272] : memref<1310720xf32, #tpu.memory_space<vmem_shared>> -> memref<128xf32, #tpu.memory_space<vmem_shared>>
        %dma_wait3A_274 = tpu.memref_slice %arg17[%multiple_of3A_272] : memref<1310720xf32, #tpu.memory_space<vmem_shared>> -> memref<128xf32, #tpu.memory_space<vmem_shared>>
        tpu.wait_dma2 semaphore(%run_scoped3A : memref<!tpu.dma_semaphore, #tpu.memory_space<semaphore_mem>>) src(%arg15 : memref<128xf32, #tpu.memory_space<vmem>>) dst(%dma_wait3A_274 : memref<128xf32, #tpu.memory_space<vmem_shared>>)
        tpu.yield
      }) : () -> ()
    } else {
    }
    %barrier3A_238 = arith.constant 0 : index
    tpu.barrier barrier_id(%barrier3A_238)
    "tpu.region"() ({
      %run_scoped3A = tpu.sem_alloc : memref<!tpu.dma_semaphore, #tpu.memory_space<semaphore_mem>>
      %dma_start3A = tpu.memref_slice %arg7[%arg0, %multiple_of3A] : memref<2x1310720xf32, #tpu.memory_space<hbm>> -> memref<1x81920xf32, #tpu.memory_space<hbm>>
      %dma_start3A_239 = tpu.memref_squeeze %dma_start3A : memref<1x81920xf32, #tpu.memory_space<hbm>> -> memref<81920xf32, #tpu.memory_space<hbm>>
      %dma_start3A_240 = tpu.memref_slice %arg17[%multiple_of3A] : memref<1310720xf32, #tpu.memory_space<vmem_shared>> -> memref<81920xf32, #tpu.memory_space<vmem_shared>>
      tpu.enqueue_dma source(%dma_start3A_240 : memref<81920xf32, #tpu.memory_space<vmem_shared>>) target(%dma_start3A_239 : memref<81920xf32, #tpu.memory_space<hbm>>) target_semaphore(%run_scoped3A : memref<!tpu.dma_semaphore, #tpu.memory_space<semaphore_mem>>)
      %dma_wait3A = tpu.memref_slice %arg7[%arg0, %multiple_of3A] : memref<2x1310720xf32, #tpu.memory_space<hbm>> -> memref<1x81920xf32, #tpu.memory_space<hbm>>
      %dma_wait3A_241 = tpu.memref_squeeze %dma_wait3A : memref<1x81920xf32, #tpu.memory_space<hbm>> -> memref<81920xf32, #tpu.memory_space<hbm>>
      %dma_wait3A_242 = tpu.memref_slice %arg17[%multiple_of3A] : memref<1310720xf32, #tpu.memory_space<vmem_shared>> -> memref<81920xf32, #tpu.memory_space<vmem_shared>>
      tpu.wait_dma2 semaphore(%run_scoped3A : memref<!tpu.dma_semaphore, #tpu.memory_space<semaphore_mem>>) src(%dma_wait3A_242 : memref<81920xf32, #tpu.memory_space<vmem_shared>>) dst(%dma_wait3A_241 : memref<81920xf32, #tpu.memory_space<hbm>>)
      tpu.yield
    }) : () -> ()
    return
  }
}

module attributes {stable_mosaic.version = 14 : i64} {
  func.func @_pre_body(%arg0: i32, %arg1: memref<1000x128xf32, #tpu.memory_space<vmem>>, %arg2: memref<128x128xf32, #tpu.memory_space<vmem>>, %arg3: memref<1000x128xf32, #tpu.memory_space<vmem>>) attributes {dimension_semantics = [#tpu.dimension_semantics<arbitrary>], iteration_bounds = array<i64: 10>, scalar_prefetch = 0 : i64, scratch_operands = 0 : i64, tpu.core_type = #tpu.core_type<tc>, window_params = [{transform_indices = @transform_0, window_bounds = array<i64: 1000, 128>}, {pipeline_mode = #tpu.pipeline_mode<synchronous>, transform_indices = @transform_1, window_bounds = array<i64: 128, 128>}, {transform_indices = @transform_2, window_bounds = array<i64: 1000, 128>}]} {
    %get3A = arith.constant 0 : index
    %get3A_0 = arith.constant 0 : index
    %get3A_1 = vector.load %arg1[%get3A, %get3A_0] : memref<1000x128xf32, #tpu.memory_space<vmem>>, vector<1000x128xf32>
    %get3A_2 = arith.constant 0 : index
    %get3A_3 = arith.constant 0 : index
    %get3A_4 = vector.load %arg2[%get3A_2, %get3A_3] : memref<128x128xf32, #tpu.memory_space<vmem>>, vector<128x128xf32>
    %dot_general3A = arith.constant dense<0.000000e+00> : vector<1000x128xf32>
    %dot_general3A_5 = tpu.matmul %get3A_1, %get3A_4, %dot_general3A {dimension_numbers = #tpu.dot_dimension_numbers<[1], [0], [0], [1], [0, 0, 1, 1], [], []>, transpose_lhs_hint = false} : vector<1000x128xf32>, vector<128x128xf32>, vector<1000x128xf32> -> vector<1000x128xf32>
    %swap3A = arith.constant 0 : index
    %swap3A_6 = arith.constant 0 : index
    %swap3A_7 = vector.load %arg3[%swap3A, %swap3A_6] : memref<1000x128xf32, #tpu.memory_space<vmem>>, vector<1000x128xf32>
    tpu.vector_store %arg3[%swap3A, %swap3A_6], %dot_general3A_5 {strides = array<i32>} : memref<1000x128xf32, #tpu.memory_space<vmem>>, vector<1000x128xf32>,
    return
  }
  func.func @transform_0(%arg0: i32) -> (i32, i32) {
    %c0_i32 = arith.constant 0 : i32
    %c0_i32_0 = arith.constant 0 : i32
    return %arg0, %c0_i32 : i32, i32
  }
  func.func @transform_1(%arg0: i32) -> (i32, i32) {
    %c0_i32 = arith.constant 0 : i32
    %c0_i32_0 = arith.constant 0 : i32
    %c0_i32_1 = arith.constant 0 : i32
    return %c0_i32, %c0_i32_0 : i32, i32
  }
  func.func @transform_2(%arg0: i32) -> (i32, i32) {
    %c0_i32 = arith.constant 0 : i32
    %c0_i32_0 = arith.constant 0 : i32
    return %arg0, %c0_i32 : i32, i32
  }
}

module attributes {stable_mosaic.version = 14 : i64} {
  func.func @_comb_body(%arg0: i32, %arg1: memref<1000x128xf32, #tpu.memory_space<vmem>>, %arg2: memref<1000x128xf32, #tpu.memory_space<vmem>>, %arg3: memref<1000x128xf32, #tpu.memory_space<vmem>>, %arg4: memref<128x128xf32, #tpu.memory_space<vmem>>, %arg5: memref<64x64xf32, #tpu.memory_space<vmem>>, %arg6: memref<1x64xf32, #tpu.memory_space<vmem>>, %arg7: memref<64x128xf32, #tpu.memory_space<vmem>>, %arg8: memref<1x128xf32, #tpu.memory_space<vmem>>, %arg9: memref<1000x128xf32, #tpu.memory_space<vmem>>, %arg10: memref<1000x128xf32, #tpu.memory_space<vmem>>) attributes {dimension_semantics = [#tpu.dimension_semantics<arbitrary>], iteration_bounds = array<i64: 10>, scalar_prefetch = 0 : i64, scratch_operands = 0 : i64, tpu.core_type = #tpu.core_type<tc>, window_params = [{transform_indices = @transform_0, window_bounds = array<i64: 1000, 128>}, {transform_indices = @transform_1, window_bounds = array<i64: 1000, 128>}, {transform_indices = @transform_2, window_bounds = array<i64: 1000, 128>}, {pipeline_mode = #tpu.pipeline_mode<synchronous>, transform_indices = @transform_3, window_bounds = array<i64: 128, 128>}, {pipeline_mode = #tpu.pipeline_mode<synchronous>, transform_indices = @transform_4, window_bounds = array<i64: 64, 64>}, {pipeline_mode = #tpu.pipeline_mode<synchronous>, transform_indices = @transform_5, window_bounds = array<i64: 1, 64>}, {pipeline_mode = #tpu.pipeline_mode<synchronous>, transform_indices = @transform_6, window_bounds = array<i64: 64, 128>}, {pipeline_mode = #tpu.pipeline_mode<synchronous>, transform_indices = @transform_7, window_bounds = array<i64: 1, 128>}, {transform_indices = @transform_8, window_bounds = array<i64: 1000, 128>}, {transform_indices = @transform_9, window_bounds = array<i64: 1000, 128>}]} {
    %get3A = arith.constant 0 : index
    %get3A_0 = arith.constant 0 : index
    %get3A_1 = vector.load %arg1[%get3A, %get3A_0] : memref<1000x128xf32, #tpu.memory_space<vmem>>, vector<1000x128xf32>
    %get3A_2 = arith.constant 0 : index
    %get3A_3 = arith.constant 0 : index
    %get3A_4 = vector.load %arg2[%get3A_2, %get3A_3] : memref<1000x128xf32, #tpu.memory_space<vmem>>, vector<1000x128xf32>
    %add3A = arith.addf %get3A_1, %get3A_4 : vector<1000x128xf32>
    %get3A_5 = arith.constant 0 : index
    %get3A_6 = arith.constant 0 : index
    %get3A_7 = vector.load %arg4[%get3A_5, %get3A_6] : memref<128x128xf32, #tpu.memory_space<vmem>>, vector<128x128xf32>
    %dot_general3A = arith.constant dense<0.000000e+00> : vector<1000x128xf32>
    %dot_general3A_8 = tpu.matmul %add3A, %get3A_7, %dot_general3A {dimension_numbers = #tpu.dot_dimension_numbers<[1], [0], [0], [1], [0, 0, 1, 1], [], []>, transpose_lhs_hint = false} : vector<1000x128xf32>, vector<128x128xf32>, vector<1000x128xf32> -> vector<1000x128xf32>
    %get3A_9 = arith.constant 0 : index
    %get3A_10 = arith.constant 0 : index
    %get3A_11 = vector.load %arg3[%get3A_9, %get3A_10] : memref<1000x128xf32, #tpu.memory_space<vmem>>, vector<1000x128xf32>
    %add3A_12 = arith.addf %get3A_11, %dot_general3A_8 : vector<1000x128xf32>
    %swap3A = arith.constant 0 : index
    %swap3A_13 = arith.constant 0 : index
    %swap3A_14 = vector.load %arg9[%swap3A, %swap3A_13] : memref<1000x128xf32, #tpu.memory_space<vmem>>, vector<1000x128xf32>
    tpu.vector_store %arg9[%swap3A, %swap3A_13], %add3A_12 {strides = array<i32>} : memref<1000x128xf32, #tpu.memory_space<vmem>>, vector<1000x128xf32>,
    %slice3A = vector.extract_strided_slice %add3A_12 {offsets = [0, 0], sizes = [1000, 64], strides = [1, 1]} : vector<1000x128xf32> to vector<1000x64xf32>
    %get3A_15 = arith.constant 0 : index
    %get3A_16 = arith.constant 0 : index
    %get3A_17 = vector.load %arg5[%get3A_15, %get3A_16] : memref<64x64xf32, #tpu.memory_space<vmem>>, vector<64x64xf32>
    %dot_general3A_18 = arith.constant dense<0.000000e+00> : vector<1000x64xf32>
    %dot_general3A_19 = tpu.matmul %slice3A, %get3A_17, %dot_general3A_18 {dimension_numbers = #tpu.dot_dimension_numbers<[1], [0], [0], [1], [0, 0, 1, 1], [], []>, transpose_lhs_hint = false} : vector<1000x64xf32>, vector<64x64xf32>, vector<1000x64xf32> -> vector<1000x64xf32>
    %get3A_20 = arith.constant 0 : index
    %get3A_21 = arith.constant 0 : index
    %get3A_22 = vector.load %arg6[%get3A_20, %get3A_21] : memref<1x64xf32, #tpu.memory_space<vmem>>, vector<1x64xf32>
    %add3A_23 = vector.broadcast %get3A_22 : vector<1x64xf32> to vector<1000x64xf32>
    %add3A_24 = arith.addf %dot_general3A_19, %add3A_23 : vector<1000x64xf32>
    %tanh3A = math.tanh %add3A_24 : vector<1000x64xf32>
    %get3A_25 = arith.constant 0 : index
    %get3A_26 = arith.constant 0 : index
    %get3A_27 = vector.load %arg7[%get3A_25, %get3A_26] : memref<64x128xf32, #tpu.memory_space<vmem>>, vector<64x128xf32>
    %dot_general3A_28 = arith.constant dense<0.000000e+00> : vector<1000x128xf32>
    %dot_general3A_29 = tpu.matmul %tanh3A, %get3A_27, %dot_general3A_28 {dimension_numbers = #tpu.dot_dimension_numbers<[1], [0], [0], [1], [0, 0, 1, 1], [], []>, transpose_lhs_hint = false} : vector<1000x64xf32>, vector<64x128xf32>, vector<1000x128xf32> -> vector<1000x128xf32>
    %get3A_30 = arith.constant 0 : index
    %get3A_31 = arith.constant 0 : index
    %get3A_32 = vector.load %arg8[%get3A_30, %get3A_31] : memref<1x128xf32, #tpu.memory_space<vmem>>, vector<1x128xf32>
    %add3A_33 = vector.broadcast %get3A_32 : vector<1x128xf32> to vector<1000x128xf32>
    %add3A_34 = arith.addf %dot_general3A_29, %add3A_33 : vector<1000x128xf32>
    %logistic3A = arith.negf %add3A_34 : vector<1000x128xf32>
    %logistic3A_35 = math.exp %logistic3A : vector<1000x128xf32>
    %logistic3A_36 = arith.constant 1.000000e+00 : f32
    %logistic3A_37 = vector.broadcast %logistic3A_36 : f32 to vector<1000x128xf32>
    %logistic3A_38 = arith.addf %logistic3A_37, %logistic3A_35 : vector<1000x128xf32>
    %logistic3A_39 = arith.divf %logistic3A_37, %logistic3A_38 : vector<1000x128xf32>
    %swap3A_40 = arith.constant 0 : index
    %swap3A_41 = arith.constant 0 : index
    %swap3A_42 = vector.load %arg10[%swap3A_40, %swap3A_41] : memref<1000x128xf32, #tpu.memory_space<vmem>>, vector<1000x128xf32>
    tpu.vector_store %arg10[%swap3A_40, %swap3A_41], %logistic3A_39 {strides = array<i32>} : memref<1000x128xf32, #tpu.memory_space<vmem>>, vector<1000x128xf32>,
    return
  }
  func.func @transform_0(%arg0: i32) -> (i32, i32) {
    %c0_i32 = arith.constant 0 : i32
    %c0_i32_0 = arith.constant 0 : i32
    return %arg0, %c0_i32 : i32, i32
  }
  func.func @transform_1(%arg0: i32) -> (i32, i32) {
    %c0_i32 = arith.constant 0 : i32
    %c0_i32_0 = arith.constant 0 : i32
    return %arg0, %c0_i32 : i32, i32
  }
  func.func @transform_2(%arg0: i32) -> (i32, i32) {
    %c0_i32 = arith.constant 0 : i32
    %c0_i32_0 = arith.constant 0 : i32
    return %arg0, %c0_i32 : i32, i32
  }
  func.func @transform_3(%arg0: i32) -> (i32, i32) {
    %c0_i32 = arith.constant 0 : i32
    %c0_i32_0 = arith.constant 0 : i32
    %c0_i32_1 = arith.constant 0 : i32
    return %c0_i32, %c0_i32_0 : i32, i32
  }
  func.func @transform_4(%arg0: i32) -> (i32, i32) {
    %c0_i32 = arith.constant 0 : i32
    %c0_i32_0 = arith.constant 0 : i32
    %c0_i32_1 = arith.constant 0 : i32
    return %c0_i32, %c0_i32_0 : i32, i32
  }
  func.func @transform_5(%arg0: i32) -> (i32, i32) {
    %c0_i32 = arith.constant 0 : i32
    %c0_i32_0 = arith.constant 0 : i32
    %c0_i32_1 = arith.constant 0 : i32
    return %c0_i32, %c0_i32_0 : i32, i32
  }
  func.func @transform_6(%arg0: i32) -> (i32, i32) {
    %c0_i32 = arith.constant 0 : i32
    %c0_i32_0 = arith.constant 0 : i32
    %c0_i32_1 = arith.constant 0 : i32
    return %c0_i32, %c0_i32_0 : i32, i32
  }
  func.func @transform_7(%arg0: i32) -> (i32, i32) {
    %c0_i32 = arith.constant 0 : i32
    %c0_i32_0 = arith.constant 0 : i32
    %c0_i32_1 = arith.constant 0 : i32
    return %c0_i32, %c0_i32_0 : i32, i32
  }
  func.func @transform_8(%arg0: i32) -> (i32, i32) {
    %c0_i32 = arith.constant 0 : i32
    %c0_i32_0 = arith.constant 0 : i32
    return %arg0, %c0_i32 : i32, i32
  }
  func.func @transform_9(%arg0: i32) -> (i32, i32) {
    %c0_i32 = arith.constant 0 : i32
    %c0_i32_0 = arith.constant 0 : i32
    return %arg0, %c0_i32 : i32, i32
  }
}

</mosaic_0001>

<sc_bundles>
// kernel: gather_offload_async_start.1
scs
__scs_entry_jumppad:
0x0: {  	(pc) =	sbr.rel $0x88, $3  }
0x1: {  	(tag) =	ssettag $0x0;
	lr =	simm.s32 $0x1  }
0x2: {  	[smem:$0x3F95] =	sst lr;
	_ =	strace $0xD0000000  }
0x3: {  	_ = 	snop  }
0x4: {  	_ = 	snop  }
0x5: {  	_ = 	snop  }
0x6: {  	_ = 	snop  }
0x7: {  	_ = 	snop  }
__scs_overlays_trampoline_lowered:
0x8: {  	[smem:$0x3FA4] =	sst s0  }
0x9: {  	[smem:$0x3FA5] =	sst s1  }
0xa: {  	[smem:$0x3FA6] =	sst s2  }
0xb: {  	[smem:$0x3FA7] =	sst s3  }
0xc: {  	[smem:$0x3FA8] =	sst s4  }
0xd: {  	[smem:$0x3FA9] =	sst s5  }
0xe: {  	[smem:$0x3FAA] =	sst s6  }
0xf: {  	[smem:$0x3FAB] =	sst s7  }
0x10: {  	[smem:$0x3FAC] =	sst s8  }
0x11: {  	[smem:$0x3FAD] =	sst s9;
	s0 =	simm.s32 @!p0 $0x0  }
0x12: {  	s1 =	sld [smem:$0x3F93];
	s0 =	simm.s32 @p0 $0x1  }
0x13: {  	[smem:$0x3FAE] =	sst s0;
	s0 =	simm.s32 @!p1 $0x0  }
0x14: {  	s2 =	sld [smem:$0x3F92];
	s0 =	simm.s32 @p1 $0x1  }
0x15: {  	[smem:$0x3FAF] =	sst s0;
	s0 =	simm.s32 @!p2 $0x0  }
0x16: {  	s3 =	sld [smem:$0x3FDB];
	s0 =	simm.s32 @p2 $0x1  }
0x17: {  	s4 =	simm.s32 $0x1BF5;
	[smem:$0x3FB1] =	sst s0  }
0x18: {  	s0 =	sld [smem:$0x3F94];
	_ =	swait.ge [sflag:s4], $0x0  }
0x19: {  	s7 =	sld [smem:$0x3F95]  }
0x1a: {  	s8 =	sadd.s32 $0xFFFFE003, lr  }
0x1b: {  	s9 =	sadd.s32 $0xFFFFFEF7, lr;
	s5 =	simm.s32 $0xFFFFFFFF;
	p2 =	slt.u32 s8, $0xFFFFF086  }
0x1c: {  	p1 =	slt.u32 s9, $0xF7A;
	s5 =	simm.s32 @!p2 $0x0  }
0x1d: {  	s5 =	simm.s32 @p1 $0x1;
	p0 =	seq.s32 s7, s2  }
0x1e: {  	s7 =	smul.u32 @!p0 $0xF7A, s2;
	p2 =	seq.s32 @!p0 s5, $0x0  }
0x1f: {  	s9 =	smul.u32 $0xF7A, s1;
	s8 =	simm.s32 @!p0 $0x1BF5;
	p2 =	por !p2, p0  }
0x20: {  	[sflag:s8] =	ssyncset.s32 @!p0 $0xFFFFF086;
	s6 =	sadd.s32 @!p0 s3, s7;
	s7 =	simm.s32 @!p0 $0x108  }
0x21: {  	s3 =	sadd.s32 s3, s9;
	s6 =	sadd.s32 @!p0 $0x88, s6;
	s7 =	simm.s32 @p2 $0x1082  }
0x22: {  	[simem:s7], [sflag:s8] =	dma.local @!p0 [hbm:s6], $0xF7A  }
0x23: {  	s9 =	sor.u32 $0xD0000000, s2;
	s6 =	simm.s32 $0x108;
	_ =	swait.ge @!p0 [sflag:s8], $0x0  }
0x24: {  	s3 =	sadd.s32 $0x88, s3;
	s6 =	simm.s32 @!p1 $0x1082;
	[sflag:s4] =	ssyncset.s32 $0xFFFFF086  }
0x25: {  	[simem:s6], [sflag:s4] =	dma.local [hbm:s3], $0xF7A  }
0x26: {  	[smem:$0x3F95] =	sst s1;
	(tag) =	ssettag s2;
	_ =	strace s9  }
0x27: {  	s1 =	sld [smem:$0x3FA5]  }
0x28: {  	s2 =	sld [smem:$0x3FA6]  }
0x29: {  	s4 =	sld [smem:$0x3FA8]  }
0x2a: {  	p0 =	seq.s32 s5, $0x0;
	s5 =	sld [smem:$0x3FA9]  }
0x2b: {  	s6 =	sld [smem:$0x3FAA]  }
0x2c: {  	s7 =	sld [smem:$0x3FAB]  }
0x2d: {  	s3 =	simm.s32 $0x108;
	s8 =	sld [smem:$0x3FAC]  }
0x2e: {  	s3 =	simm.s32 @!p0 $0x1082;
	s9 =	sld [smem:$0x3FAD]  }
0x2f: {  	lr =	sadd.s32 s0, s3;
	s0 =	sld [smem:$0x3FA4]  }
0x30: {  	s3 =	sld [smem:$0x3FA7]  }
0x31: {  	[smem:$0x3FB0] =	sst s10  }
0x32: {  	s10 =	sld [smem:$0x3FAE];
	_ =	sdelay $0x3  }
0x33: {  	p0 =	seq.s32 s10, $0x1;
	s10 =	sld [smem:$0x3FB0];
	_ =	sdelay $0x3  }
0x34: {  	[smem:$0x3FB0] =	sst s10  }
0x35: {  	s10 =	sld [smem:$0x3FAF];
	_ =	sdelay $0x3  }
0x36: {  	p1 =	seq.s32 s10, $0x1;
	s10 =	sld [smem:$0x3FB0];
	_ =	sdelay $0x3  }
0x37: {  	[smem:$0x3FB0] =	sst s10  }
0x38: {  	s10 =	sld [smem:$0x3FB1]  }
0x39: {  	_ = 	snop;
	(pc) =	sbr.ind lr, $3  }
0x3a: {  	_ = 	snop  }
0x3b: {  	_ = 	snop  }
0x3c: {  	p2 =	seq.s32 s10, $0x1;
	s10 =	sld [smem:$0x3FB0]  }
0x3d: {  	_ =	shalt  }
0x3e: {  	_ =	shalt  }
0x3f: {  	_ =	shalt  }
0x40: {  	_ =	shalt  }
0x41: {  	_ =	shalt  }
0x42: {  	_ =	shalt  }
0x43: {  	_ =	shalt  }
0x44: {  	_ =	shalt  }
0x45: {  	_ =	shalt  }
0x46: {  	_ =	shalt  }
0x47: {  	_ =	shalt  }
0x48: {  	_ =	shalt  }
0x49: {  	_ =	shalt  }
0x4a: {  	_ =	shalt  }
0x4b: {  	_ =	shalt  }
0x4c: {  	_ =	shalt  }
0x4d: {  	_ =	shalt  }
0x4e: {  	_ =	shalt  }
0x4f: {  	_ =	shalt  }
0x50: {  	_ =	shalt  }
0x51: {  	_ =	shalt  }
0x52: {  	_ =	shalt  }
0x53: {  	_ =	shalt  }
0x54: {  	_ =	shalt  }
0x55: {  	_ =	shalt  }
0x56: {  	_ =	shalt  }
0x57: {  	_ =	shalt  }
0x58: {  	_ =	shalt  }
0x59: {  	_ =	shalt  }
0x5a: {  	_ =	shalt  }
0x5b: {  	_ =	shalt  }
0x5c: {  	_ =	shalt  }
0x5d: {  	_ =	shalt  }
0x5e: {  	_ =	shalt  }
0x5f: {  	_ =	shalt  }
0x60: {  	_ =	shalt  }
0x61: {  	_ =	shalt  }
0x62: {  	_ =	shalt  }
0x63: {  	_ =	shalt  }
0x64: {  	_ =	shalt  }
0x65: {  	_ =	shalt  }
0x66: {  	_ =	shalt  }
0x67: {  	_ =	shalt  }
0x68: {  	_ =	shalt  }
0x69: {  	_ =	shalt  }
0x6a: {  	_ =	shalt  }
0x6b: {  	_ =	shalt  }
0x6c: {  	_ =	shalt  }
0x6d: {  	_ =	shalt  }
0x6e: {  	_ =	shalt  }
0x6f: {  	_ =	shalt  }
0x70: {  	_ =	shalt  }
0x71: {  	_ =	shalt  }
0x72: {  	_ =	shalt  }
0x73: {  	_ =	shalt  }
0x74: {  	_ =	shalt  }
0x75: {  	_ =	shalt  }
0x76: {  	_ =	shalt  }
0x77: {  	_ =	shalt  }
0x78: {  	_ =	shalt  }
0x79: {  	_ =	shalt  }
0x7a: {  	_ =	shalt  }
0x7b: {  	_ =	shalt  }
0x7c: {  	_ =	shalt  }
0x7d: {  	_ =	shalt  }
0x7e: {  	_ =	shalt  }
0x7f: {  	_ =	shalt  }
0x80: {  	_ =	shalt  }
0x81: {  	_ =	shalt  }
0x82: {  	_ =	shalt  }
0x83: {  	_ =	shalt  }
0x84: {  	_ =	shalt  }
0x85: {  	_ =	shalt  }
0x86: {  	_ =	shalt  }
0x87: {  	_ =	shalt  }
.Lfunc_end0:
.L_simem_size_0:
called_computation.2_lowered:
.L_overlay_start_0:
0x88: {  	s2 =	sld [smem:$0x3FD9]  }
0x89: {  	s3 =	sld [smem:$0x3FFE];
	_ =	sdelay $0x1  }
0x8a: {  	s1 =	srdreg.scid  }
0x8b: {  	s0 =	sand.u32 $0x1, s1  }
0x8c: {  	s16 =	sshll.u32 s0, $0xA;
	s2 =	sadd.s32 s3, s2  }
0x8d: {  	s2 =	sadd.s32 s2, s16  }
0x8e: {  	[smem:$0x3FBC] =	sst s2  }
0x8f: {  	_ = 	snop  }
0x90: {  	(tm) =	ssettm $0x1  }
0x91: {  	s17 =	sld [smem:$0x3FFB];
	_ =	sdelay $0x3  }
0x92: {  	_ =	strace s17  }
0x93: {  	s2 =	sld [smem:$0x3FFC];
	_ =	sdelay $0x3  }
0x94: {  	_ =	strace s2  }
0x95: {  	s2 =	sld [smem:$0x3FFD];
	_ =	sdelay $0x3  }
0x96: {  	_ =	strace s2  }
0x97: {  	_ =	strace $0x8FFFFFFF  }
0x98: {  	s18 =	sld [smem:$0x3FDB];
	_ =	sdelay $0x1  }
0x99: {  	s19 =	simm.s32 $_scs_section_size  }
0x9a: {  	s4 =	simm.s32 $_size__tile_overlayer_lowered;
	s5 =	simm.s32 $_tile_overlayer_lowered  }
0x9b: {  	s22 =	simm.s32 $0x1BFF;
	s21 =	sshll.u32 s5, $0x1;
	s2 =	sadd.s32 s19, s18  }
0x9c: {  	s6 =	simm.s32 $0x0;
	s20 =	sshll.u32 s4, $0x1;
	s4 =	sadd.s32 s21, s2  }
0x9d: {  	[timem:s6], [sflag:s22] =	dma.local [hbm:s4], s20  }
0x9e: {  	_ =	swait.ge [sflag:s22], s20  }
0x9f: {  	s3 =	ssub.s32 $0x0, s20;
	[sflag:s22] =	ssyncset.done $0x0  }
0xa0: {  	[sflag:s22] =	ssyncadd.s32 s3;
	_ =	sdelay $0x1  }
0xa1: {  	s23 =	simm.s32 $0x1B8B  }
0xa2: {  	_ =	swait.ge [sflag:s23], $0x1  }
0xa3: {  	[sflag:s23] =	ssyncset.done $0x0  }
0xa4: {  	s25 =	simm.s32 $0x1B8E;
	s24 =	sld [smem:$0x3FFE];
	[sflag:s23] =	ssyncadd.s32 $0xFFFFFFFF  }
0xa5: {  	s26 =	simm.s32 $execute0_lowered;
	[smem:$0x3FD2] =	sst s25  }
0xa6: {  	s4 =	sshll.u32 s26, $0x1;
	_ =	strace $0x80000049;
	[dreg:$0x1] =	wrdreg $0xFFFFFFFF  }
0xa7: {  	s28 =	simm.s32 $_size_execute0_lowered;
	s2 =	sadd.s32 s2, s4;
	[dreg:$0x0] =	wrdreg $0x0  }
0xa8: {  	s4 =	sshll.u32 s28, $0x1;
	[dreg:$0x2] =	wrdreg s2  }
0xa9: {  	[dreg:$0x3] =	wrdreg s4  }
0xaa: {  	[dreg:$0x4] =	wrdreg $0xC0  }
0xab: {  	_ =	task [dreg:s6], $0x5FFFF  }
0xac: {  	[dreg:$0x1] =	wrdreg $0xFFFFFFFF  }
0xad: {  	[dreg:$0x0] =	wrdreg $0x60  }
0xae: {  	[dreg:$0x2] =	wrdreg s24  }
0xaf: {  	[dreg:$0x3] =	wrdreg $0x9  }
0xb0: {  	_ =	task.clear_ibuf [dreg:s6], $0x4FFFF;
	_ =	strace $0x90000049  }
0xb1: {  	s29 =	simm.s32 $0x9;
	_ =	strace $0x8000004B  }
0xb2: {  	_ =	swait.ge [sflag:s29], $0x1  }
0xb3: {  	[sflag:s29] =	ssyncadd.s32 $0xFFFFFFFF  }
0xb4: {  	_ =	strace $0x9000004B  }
0xb5: {  	_ =	sfence  }
0xb6: {  	s30 =	sld [smem:$0x0];
	_ =	sdelay $0x2  }
0xb7: {  	s31 =	sshll.u32 s1, $0xD;
	s1 =	sshrl.u32 s1, $0x2  }
0xb8: {  	s3 =	sand.u32 $0x4000, s31;
	s1 =	sadd.s32 s1, s30  }
0xb9: {  	s0 =	sor.u32 s3, s0;
	s1 =	sshll.u32 s1, $0x11  }
0xba: {  	s0 =	sor.u32 s1, s0  }
0xbb: {  	s0 =	sadd.s32 $0x8F2B, s0  }
0xbc: {  	[sflag:s0] =	ssyncadd.remote.s32 $0x1  }
0xbd: {  	_ =	sfence.sel $0xFFFF  }
0xbe: {  	[dreg:$0x0] =	wrdreg $0xFFFFFFFF;
	(pc) =	sbr.abs _section_cstart, $3  }
0xbf: {  	[dreg:$0x1] =	wrdreg $0xFFFFFFFF  }
0xc0: {  	_ =	task.clear_ibuf [dreg:s6], $0x2FFFF;
	_ =	strace $0x9FFFFFFF  }
0xc1: {  	(tm) =	ssettm $0x7FFFFFFF  }
tec
execute0_lowered:
.L_overlay_start_1:
0x0: {  	(tag) =	ssettag $0x1  }
0x1: {  	s8 =	rddreg [dreg:$0x0]  }
0x2: {  	s0 =	rddreg [dreg:$0x1];
	_ =	strace $0x8000004A;
	s1 =	stileid.u32  }
0x3: {  	s3 =	srdreg.scid;
	s4 =	simm.s32 $0x1;
	s7 =	simm.s32 $0x1  }
0x4: {  	s9 =	simm.s32 $0x1;
	s10 =	simm.s32 $0x3;
	s13 =	simm.s32 $0x0  }
0x5: {  	s12 =	simm.s32 $0x0;
	s5 =	sand.u32 $0x1, s3;
	s6 =	sshll.u32 s1, $0x1  }
0x6: {  	s2 =	sadd.s32 $0x1200, s8;
	s3 =	sadd.s32 $0x14E00, s8;
	s5 =	sor.u32 s6, s5  }
.Ltmp0:
0x7: {  	[sflag:s4] =	ssyncpa.u1 $0x0;
	p0 =	slt.u32 s5, $0x9;
	(pc) =	sbr.rel .LBB2_1-.Ltmp0, $4  }
0x8: {  	s6 =	simm.s32 $0x2;
	s7 =	simm.s32 @!p0 $0x0;
	p0 =	sne.s32 s5, $0x8  }
0x9: {  	[sflag:s6] =	ssyncpa.u1 $0x0;
	s5 =	smul.u32 $0x1F40, s5;
	s9 =	simm.s32 @!p0 $0x0  }
0xa: {  	s8 =	sadd.s32 $0xB000, s8;
	[sflag:s10] =	ssyncpa.u1 $0x0;
	s7 =	sadd.s32 s9, s7  }
0xb: {  	vm0 =	vmmov $0xffff;
	s10 =	simm.s32 $0x0;
	s11 =	smov.u32 s5;
	s9 =	sadd.s32 $0x1, s7  }
.LBB2_4:
0xc: {  	v2 =	vnsel vm1, $0x0, v2  }
0xd: {  	vm1 =	vgt.s32 v0, $0x0;
	v2 =	vmin.u32 v2, $0x4E1FF  }
0xe: {  	v0 =	vnsel vm1, $0x0, v0  }
0xf: {  	v0 =	vmin.u32 v0, $0x4E1FF  }
0x10: {  	[tilespmem:s18], [sflag:$0x1] =	stream.indirect_vreg.gather [hbm4b:s2+s10], $0x1, v1, vm0, $0x4038;
	[tilespmem:$0x7D00] =	vst v63  }
0x11: {  	(ifvalue) =	ssetifvalue $0x7FFFFFFF  }
0x12: {  	[tilespmem:s15], [sflag:$0x1] =	stream.indirect_vreg.gather [hbm4b:s2+s10], $0x1, v2, vm0, $0x4038;
	[tilespmem:$0x7D00] =	vst v63  }
0x13: {  	s29 =	sadd.s32 $0x10, s15;
	(ifvalue) =	ssetifvalue $0x7FFFFFFF  }
0x14: {  	[tilespmem:s29], [sflag:$0x1] =	stream.indirect_vreg.gather [hbm4b:s2+s10], $0x1, v0, vm0, $0x4038;
	[tilespmem:$0x7D00] =	vst v63  }
0x15: {  	_ =	swait.ge [sflag:s4], $0x1F40  }
0x16: {  	s30 =	sshrl.u32 s13, $0x3;
	[sflag:s4] =	ssyncset.done $0x0  }
0x17: {  	s31 =	sand.u32 $0x7, s13;
	s15 =	sadd.s32 s8, s30;
	[sflag:s4] =	ssyncadd.s32 $0xFFFFE0C0  }
0x18: {  	[hbm4b:s15+s31] =	stream.linear.scatter [tilespmem:s14], [sflag:$0x3], $0x1F40, $0x38;
	[tilespmem:$0x7D00] =	vst v63  }
.LBB2_5:
0x19: {  	s15 =	sadd.s32 $0x3E800, s11  }
0x1a: {  	p1 =	sgt.s32 s15, $0x4E1FF  }
0x1b: {  	s15 =	smov.u32 @p1 s5;
	p1 =	sne.s32 s12, s9  }
.Ltmp1:
0x1c: {  	p0 =	slt.u32 s12, $0x2;
	(pc) =	sbr.rel @!p1 .LBB2_6-.Ltmp1, $4  }
0x1d: {  	s14 =	simm.s32 @!p0 $0x3  }
0x1e: {  	_ =	swait.ge @!p0 [sflag:s14], $0x1F40  }
0x1f: {  	s16 =	sadd.s32 $0x1, s12;
	s13 =	smov.u32 s11;
	[sflag:s14] =	ssyncset.done @!p0 $0x0  }
0x20: {  	s12 =	smov.u32 s16;
	s11 =	smov.u32 s15;
	[sflag:s14] =	ssyncadd.s32 @!p0 $0xFFFFE0C0  }
.LBB2_1:
0x21: {  	p0 =	sge.u32 s12, s7  }
0x22: {  	s14 =	sxor.u32 @!p0 $0x1, s12  }
0x23: {  	s14 =	smul.u32 @!p0 $0x7D00, s14  }
0x24: {  	s31 =	sadd.s32 $0xFFFFFFFF, s12;
	s15 =	sshrl.u32 @!p0 s11, $0x3  }
0x25: {  	s16 =	sand.u32 @!p0 $0x7, s11;
	s15 =	sadd.s32 @!p0 s3, s15;
	s14 =	sshra.s32 @!p0 s14, $0x2  }
0x26: {  	[tilespmem:s14], [sflag:$0x2] =	stream.linear.gather @!p0 [hbm4b:s15+s16], $0x1F40, $0x38;
	[tilespmem:$0x7D00] =	vst v63  }
0x27: {  	p0 =	sge.u32 s31, s7  }
.Ltmp2:
0x28: {  	_ = 	snop;
	(pc) =	sbr.rel @p0 .LBB2_5-.Ltmp2, $1  }
0x29: {  	_ =	sdelay $0x3  }
0x2a: {  	s14 =	sand.u32 $0x1, s12  }
0x2b: {  	_ =	swait.ge [sflag:s6], $0x1F40;
	p0 =	seq.s32 s14, $0x1;
	s14 =	simm.s32 $0x1F40  }
0x2c: {  	[sflag:s6] =	ssyncset.done $0x0;
	s14 =	simm.s32 @!p0 $0x0  }
0x2d: {  	[sflag:s6] =	ssyncadd.s32 $0xFFFFE0C0;
	(ifvalue) =	ssetifvalue $0x7FFFFFFF;
	v0 =	vld.msk [tilespmem:s14+$0x0 ss:$0x1], $0xffff;
	_ =	sdelay $0x4  }
0x2e: {  	s15 =	sadd.s32 $0x10, s14;
	vm1 =	vgt.s32 v0, $0x0  }
0x2f: {  	v2 =	vld.msk [tilespmem:s15+$0x0 ss:$0x1], $0xffff;
	v1 =	vnsel vm1, $0x0, v0  }
0x30: {  	v1 =	vmin.u32 v1, $0x4E1FF;
	_ =	sdelay $0x2  }
0x31: {  	s17 =	simm.s32 $0x20;
	s14 =	sadd.s32 $0x3E80, s14;
	s16 =	sadd.s32 $0x10, s15  }
0x32: {  	s15 =	sadd.s32 $0x10, s14;
	s18 =	smov.u32 s14;
	v0 =	vld.msk [tilespmem:s16+$0x0 ss:$0x1], $0xffff;
	vm1 =	vgt.s32 v2, $0x0;
	(ifvalue) =	ssetifvalue $0x7FFFFFFF  }
.LBB2_3:
0x33: {  	[tilespmem:s18], [sflag:$0x1] =	stream.indirect_vreg.gather [hbm4b:s2+s10], $0x1, v1, vm0, $0x4038;
	[tilespmem:$0x7D00] =	vst v63  }
0x34: {  	s17 =	sadd.s32 $0x10, s17  }
0x35: {  	v2 =	vnsel vm1, $0x0, v2;
	p0 =	slt.u32 s17, $0x1F30  }
.Ltmp3:
0x36: {  	s18 =	smov.u32 s15;
	v1 =	vmin.u32 v2, $0x4E1FF;
	(pc) =	sbr.rel @p0 .LBB2_3-.Ltmp3, $3  }
0x37: {  	_ =	sdelay $0x1  }
0x38: {  	s16 =	sadd.s32 $0x10, s16  }
0x39: {  	vm1 =	vgt.s32 v0, $0x0;
	s15 =	sadd.s32 $0x10, s15;
	v2 =	vmov v0;
	(ifvalue) =	ssetifvalue $0x7FFFFFFF;
	v0 =	vld.msk [tilespmem:s16+$0x0 ss:$0x1], $0xffff  }
.Ltmp4:
0x3a: {  	_ = 	snop;
	(pc) =	sbr.rel .LBB2_4-.Ltmp4, $1  }
0x3b: {  	_ =	sdelay $0x3  }
.LBB2_6:
0x3c: {  	_ =	sfence.sel $0x180000  }
0x3d: {  	s2 =	simm.s32 $0x2;
	[bflag:$0x0] =	sbarrier.arrive $0xFFFF  }
0x3e: {  	s30 =	simm.s32 $0x3;
	[sflag:s2] =	ssyncpa.u1 $0x1  }
0x3f: {  	s31 =	simm.s32 $0x1;
	[sflag:s30] =	ssyncpa.u1 $0x1  }
0x40: {  	[sflag:s31] =	ssyncpa.u1 $0x1  }
0x41: {  	p0 =	sne.s32 s1, $0x0;
	_ =	strace $0x9000004A  }
0x42: {  	s0 =	sadd.s32 @!p0 $0x100000, s0;
	[bflag:$0x2] =	sbarrier.arrive $0xFFFF  }
0x43: {  	[sflag:s0] =	ssyncadd.tile.s32 @!p0 $0x1;
	_ =	shalt  }
.Lfunc_end2:
_tile_overlayer_lowered:
.L_overlay_start_2:
0x44: {  	(tag) =	ssettag $0x2  }
0x45: {  	s0 =	rddreg [dreg:$0x0];
	s2 =	stileid.u32  }
0x46: {  	s1 =	rddreg [dreg:$0x1];
	p0 =	sne.s32 s2, $0x0  }
0x47: {  	s3 =	rddreg [dreg:$0x2];
	[bflag:$0x3] =	sbarrier.arrive $0xFFFF;
	s2 =	simm.s32 @!p0 $0x1C01  }
0x48: {  	[timem:s3], [sflag:s2] =	dma.local @!p0 [hbm:s0], s1  }
0x49: {  	s0 =	simm.s32 @!p0 $0x1  }
0x4a: {  	_ =	swait.ge @!p0 [sflag:s0], s1  }
0x4b: {  	s1 =	ssub.s32 @!p0 $0x0, s1;
	[sflag:s0] =	ssyncset.done @!p0 $0x0  }
0x4c: {  	[sflag:s0] =	ssyncadd.s32 @!p0 s1  }
0x4d: {  	[bflag:$0x3] =	sbarrier.arrive $0xFFFF  }
0x4e: {  	_ =	shalt  }

// kernel: gather_offload_async_start.2
scs
__scs_entry_jumppad:
0x0: {  	(pc) =	sbr.rel $0x88, $3  }
0x1: {  	(tag) =	ssettag $0x0;
	lr =	simm.s32 $0x1  }
0x2: {  	[smem:$0x3F95] =	sst lr;
	_ =	strace $0xD0000000  }
0x3: {  	_ = 	snop  }
0x4: {  	_ = 	snop  }
0x5: {  	_ = 	snop  }
0x6: {  	_ = 	snop  }
0x7: {  	_ = 	snop  }
__scs_overlays_trampoline_lowered:
0x8: {  	[smem:$0x3FA4] =	sst s0  }
0x9: {  	[smem:$0x3FA5] =	sst s1  }
0xa: {  	[smem:$0x3FA6] =	sst s2  }
0xb: {  	[smem:$0x3FA7] =	sst s3  }
0xc: {  	[smem:$0x3FA8] =	sst s4  }
0xd: {  	[smem:$0x3FA9] =	sst s5  }
0xe: {  	[smem:$0x3FAA] =	sst s6  }
0xf: {  	[smem:$0x3FAB] =	sst s7  }
0x10: {  	[smem:$0x3FAC] =	sst s8  }
0x11: {  	[smem:$0x3FAD] =	sst s9;
	s0 =	simm.s32 @!p0 $0x0  }
0x12: {  	s1 =	sld [smem:$0x3F93];
	s0 =	simm.s32 @p0 $0x1  }
0x13: {  	[smem:$0x3FAE] =	sst s0;
	s0 =	simm.s32 @!p1 $0x0  }
0x14: {  	s2 =	sld [smem:$0x3F92];
	s0 =	simm.s32 @p1 $0x1  }
0x15: {  	[smem:$0x3FAF] =	sst s0;
	s0 =	simm.s32 @!p2 $0x0  }
0x16: {  	s3 =	sld [smem:$0x3FDB];
	s0 =	simm.s32 @p2 $0x1  }
0x17: {  	s4 =	simm.s32 $0x1BF5;
	[smem:$0x3FB1] =	sst s0  }
0x18: {  	s0 =	sld [smem:$0x3F94];
	_ =	swait.ge [sflag:s4], $0x0  }
0x19: {  	s7 =	sld [smem:$0x3F95]  }
0x1a: {  	s8 =	sadd.s32 $0xFFFFE003, lr  }
0x1b: {  	s9 =	sadd.s32 $0xFFFFFEF7, lr;
	s5 =	simm.s32 $0xFFFFFFFF;
	p2 =	slt.u32 s8, $0xFFFFF086  }
0x1c: {  	p1 =	slt.u32 s9, $0xF7A;
	s5 =	simm.s32 @!p2 $0x0  }
0x1d: {  	s5 =	simm.s32 @p1 $0x1;
	p0 =	seq.s32 s7, s2  }
0x1e: {  	s7 =	smul.u32 @!p0 $0xF7A, s2;
	p2 =	seq.s32 @!p0 s5, $0x0  }
0x1f: {  	s9 =	smul.u32 $0xF7A, s1;
	s8 =	simm.s32 @!p0 $0x1BF5;
	p2 =	por !p2, p0  }
0x20: {  	[sflag:s8] =	ssyncset.s32 @!p0 $0xFFFFF086;
	s6 =	sadd.s32 @!p0 s3, s7;
	s7 =	simm.s32 @!p0 $0x108  }
0x21: {  	s3 =	sadd.s32 s3, s9;
	s6 =	sadd.s32 @!p0 $0x88, s6;
	s7 =	simm.s32 @p2 $0x1082  }
0x22: {  	[simem:s7], [sflag:s8] =	dma.local @!p0 [hbm:s6], $0xF7A  }
0x23: {  	s9 =	sor.u32 $0xD0000000, s2;
	s6 =	simm.s32 $0x108;
	_ =	swait.ge @!p0 [sflag:s8], $0x0  }
0x24: {  	s3 =	sadd.s32 $0x88, s3;
	s6 =	simm.s32 @!p1 $0x1082;
	[sflag:s4] =	ssyncset.s32 $0xFFFFF086  }
0x25: {  	[simem:s6], [sflag:s4] =	dma.local [hbm:s3], $0xF7A  }
0x26: {  	[smem:$0x3F95] =	sst s1;
	(tag) =	ssettag s2;
	_ =	strace s9  }
0x27: {  	s1 =	sld [smem:$0x3FA5]  }
0x28: {  	s2 =	sld [smem:$0x3FA6]  }
0x29: {  	s4 =	sld [smem:$0x3FA8]  }
0x2a: {  	p0 =	seq.s32 s5, $0x0;
	s5 =	sld [smem:$0x3FA9]  }
0x2b: {  	s6 =	sld [smem:$0x3FAA]  }
0x2c: {  	s7 =	sld [smem:$0x3FAB]  }
0x2d: {  	s3 =	simm.s32 $0x108;
	s8 =	sld [smem:$0x3FAC]  }
0x2e: {  	s3 =	simm.s32 @!p0 $0x1082;
	s9 =	sld [smem:$0x3FAD]  }
0x2f: {  	lr =	sadd.s32 s0, s3;
	s0 =	sld [smem:$0x3FA4]  }
0x30: {  	s3 =	sld [smem:$0x3FA7]  }
0x31: {  	[smem:$0x3FB0] =	sst s10  }
0x32: {  	s10 =	sld [smem:$0x3FAE];
	_ =	sdelay $0x3  }
0x33: {  	p0 =	seq.s32 s10, $0x1;
	s10 =	sld [smem:$0x3FB0];
	_ =	sdelay $0x3  }
0x34: {  	[smem:$0x3FB0] =	sst s10  }
0x35: {  	s10 =	sld [smem:$0x3FAF];
	_ =	sdelay $0x3  }
0x36: {  	p1 =	seq.s32 s10, $0x1;
	s10 =	sld [smem:$0x3FB0];
	_ =	sdelay $0x3  }
0x37: {  	[smem:$0x3FB0] =	sst s10  }
0x38: {  	s10 =	sld [smem:$0x3FB1]  }
0x39: {  	_ = 	snop;
	(pc) =	sbr.ind lr, $3  }
0x3a: {  	_ = 	snop  }
0x3b: {  	_ = 	snop  }
0x3c: {  	p2 =	seq.s32 s10, $0x1;
	s10 =	sld [smem:$0x3FB0]  }
0x3d: {  	_ =	shalt  }
0x3e: {  	_ =	shalt  }
0x3f: {  	_ =	shalt  }
0x40: {  	_ =	shalt  }
0x41: {  	_ =	shalt  }
0x42: {  	_ =	shalt  }
0x43: {  	_ =	shalt  }
0x44: {  	_ =	shalt  }
0x45: {  	_ =	shalt  }
0x46: {  	_ =	shalt  }
0x47: {  	_ =	shalt  }
0x48: {  	_ =	shalt  }
0x49: {  	_ =	shalt  }
0x4a: {  	_ =	shalt  }
0x4b: {  	_ =	shalt  }
0x4c: {  	_ =	shalt  }
0x4d: {  	_ =	shalt  }
0x4e: {  	_ =	shalt  }
0x4f: {  	_ =	shalt  }
0x50: {  	_ =	shalt  }
0x51: {  	_ =	shalt  }
0x52: {  	_ =	shalt  }
0x53: {  	_ =	shalt  }
0x54: {  	_ =	shalt  }
0x55: {  	_ =	shalt  }
0x56: {  	_ =	shalt  }
0x57: {  	_ =	shalt  }
0x58: {  	_ =	shalt  }
0x59: {  	_ =	shalt  }
0x5a: {  	_ =	shalt  }
0x5b: {  	_ =	shalt  }
0x5c: {  	_ =	shalt  }
0x5d: {  	_ =	shalt  }
0x5e: {  	_ =	shalt  }
0x5f: {  	_ =	shalt  }
0x60: {  	_ =	shalt  }
0x61: {  	_ =	shalt  }
0x62: {  	_ =	shalt  }
0x63: {  	_ =	shalt  }
0x64: {  	_ =	shalt  }
0x65: {  	_ =	shalt  }
0x66: {  	_ =	shalt  }
0x67: {  	_ =	shalt  }
0x68: {  	_ =	shalt  }
0x69: {  	_ =	shalt  }
0x6a: {  	_ =	shalt  }
0x6b: {  	_ =	shalt  }
0x6c: {  	_ =	shalt  }
0x6d: {  	_ =	shalt  }
0x6e: {  	_ =	shalt  }
0x6f: {  	_ =	shalt  }
0x70: {  	_ =	shalt  }
0x71: {  	_ =	shalt  }
0x72: {  	_ =	shalt  }
0x73: {  	_ =	shalt  }
0x74: {  	_ =	shalt  }
0x75: {  	_ =	shalt  }
0x76: {  	_ =	shalt  }
0x77: {  	_ =	shalt  }
0x78: {  	_ =	shalt  }
0x79: {  	_ =	shalt  }
0x7a: {  	_ =	shalt  }
0x7b: {  	_ =	shalt  }
0x7c: {  	_ =	shalt  }
0x7d: {  	_ =	shalt  }
0x7e: {  	_ =	shalt  }
0x7f: {  	_ =	shalt  }
0x80: {  	_ =	shalt  }
0x81: {  	_ =	shalt  }
0x82: {  	_ =	shalt  }
0x83: {  	_ =	shalt  }
0x84: {  	_ =	shalt  }
0x85: {  	_ =	shalt  }
0x86: {  	_ =	shalt  }
0x87: {  	_ =	shalt  }
.Lfunc_end0:
.L_simem_size_0:
called_computation.3_lowered:
.L_overlay_start_0:
0x88: {  	s2 =	sld [smem:$0x3FD9]  }
0x89: {  	s3 =	sld [smem:$0x3FFE];
	_ =	sdelay $0x1  }
0x8a: {  	s1 =	srdreg.scid  }
0x8b: {  	s0 =	sand.u32 $0x1, s1  }
0x8c: {  	s16 =	sshll.u32 s0, $0xA;
	s2 =	sadd.s32 s3, s2  }
0x8d: {  	s2 =	sadd.s32 s2, s16  }
0x8e: {  	[smem:$0x3FBC] =	sst s2  }
0x8f: {  	_ = 	snop  }
0x90: {  	(tm) =	ssettm $0x1  }
0x91: {  	s17 =	sld [smem:$0x3FFB];
	_ =	sdelay $0x3  }
0x92: {  	_ =	strace s17  }
0x93: {  	s2 =	sld [smem:$0x3FFC];
	_ =	sdelay $0x3  }
0x94: {  	_ =	strace s2  }
0x95: {  	s2 =	sld [smem:$0x3FFD];
	_ =	sdelay $0x3  }
0x96: {  	_ =	strace s2  }
0x97: {  	_ =	strace $0x8FFFFFFF  }
0x98: {  	s18 =	sld [smem:$0x3FDB];
	_ =	sdelay $0x1  }
0x99: {  	s19 =	simm.s32 $_scs_section_size  }
0x9a: {  	s4 =	simm.s32 $_size__tile_overlayer_lowered;
	s5 =	simm.s32 $_tile_overlayer_lowered  }
0x9b: {  	s22 =	simm.s32 $0x1BFF;
	s21 =	sshll.u32 s5, $0x1;
	s2 =	sadd.s32 s19, s18  }
0x9c: {  	s6 =	simm.s32 $0x0;
	s20 =	sshll.u32 s4, $0x1;
	s4 =	sadd.s32 s21, s2  }
0x9d: {  	[timem:s6], [sflag:s22] =	dma.local [hbm:s4], s20  }
0x9e: {  	_ =	swait.ge [sflag:s22], s20  }
0x9f: {  	s3 =	ssub.s32 $0x0, s20;
	[sflag:s22] =	ssyncset.done $0x0  }
0xa0: {  	[sflag:s22] =	ssyncadd.s32 s3;
	_ =	sdelay $0x1  }
0xa1: {  	s23 =	simm.s32 $0x1B8B  }
0xa2: {  	_ =	swait.ge [sflag:s23], $0x1  }
0xa3: {  	[sflag:s23] =	ssyncset.done $0x0  }
0xa4: {  	s25 =	simm.s32 $0x1B8E;
	s24 =	sld [smem:$0x3FFE];
	[sflag:s23] =	ssyncadd.s32 $0xFFFFFFFF  }
0xa5: {  	s26 =	simm.s32 $execute0_lowered;
	[smem:$0x3FD2] =	sst s25  }
0xa6: {  	s4 =	sshll.u32 s26, $0x1;
	_ =	strace $0x80000046;
	[dreg:$0x1] =	wrdreg $0xFFFFFFFF  }
0xa7: {  	s28 =	simm.s32 $_size_execute0_lowered;
	s2 =	sadd.s32 s2, s4;
	[dreg:$0x0] =	wrdreg $0x0  }
0xa8: {  	s4 =	sshll.u32 s28, $0x1;
	[dreg:$0x2] =	wrdreg s2  }
0xa9: {  	[dreg:$0x3] =	wrdreg s4  }
0xaa: {  	[dreg:$0x4] =	wrdreg $0xC0  }
0xab: {  	_ =	task [dreg:s6], $0x5FFFF  }
0xac: {  	[dreg:$0x1] =	wrdreg $0xFFFFFFFF  }
0xad: {  	[dreg:$0x0] =	wrdreg $0x60  }
0xae: {  	[dreg:$0x2] =	wrdreg s24  }
0xaf: {  	[dreg:$0x3] =	wrdreg $0x9  }
0xb0: {  	_ =	task.clear_ibuf [dreg:s6], $0x4FFFF;
	_ =	strace $0x90000046  }
0xb1: {  	s29 =	simm.s32 $0x9;
	_ =	strace $0x80000048  }
0xb2: {  	_ =	swait.ge [sflag:s29], $0x1  }
0xb3: {  	[sflag:s29] =	ssyncadd.s32 $0xFFFFFFFF  }
0xb4: {  	_ =	strace $0x90000048  }
0xb5: {  	_ =	sfence  }
0xb6: {  	s30 =	sld [smem:$0x0];
	_ =	sdelay $0x2  }
0xb7: {  	s31 =	sshll.u32 s1, $0xD;
	s1 =	sshrl.u32 s1, $0x2  }
0xb8: {  	s3 =	sand.u32 $0x4000, s31;
	s1 =	sadd.s32 s1, s30  }
0xb9: {  	s0 =	sor.u32 s3, s0;
	s1 =	sshll.u32 s1, $0x11  }
0xba: {  	s0 =	sor.u32 s1, s0  }
0xbb: {  	s0 =	sadd.s32 $0x8F2B, s0  }
0xbc: {  	[sflag:s0] =	ssyncadd.remote.s32 $0x1  }
0xbd: {  	_ =	sfence.sel $0xFFFF  }
0xbe: {  	[dreg:$0x0] =	wrdreg $0xFFFFFFFF;
	(pc) =	sbr.abs _section_cstart, $3  }
0xbf: {  	[dreg:$0x1] =	wrdreg $0xFFFFFFFF  }
0xc0: {  	_ =	task.clear_ibuf [dreg:s6], $0x2FFFF;
	_ =	strace $0x9FFFFFFF  }
0xc1: {  	(tm) =	ssettm $0x7FFFFFFF  }
tec
execute0_lowered:
.L_overlay_start_1:
0x0: {  	(tag) =	ssettag $0x1  }
0x1: {  	s8 =	rddreg [dreg:$0x0]  }
0x2: {  	s0 =	rddreg [dreg:$0x1];
	_ =	strace $0x80000047;
	s1 =	stileid.u32  }
0x3: {  	s3 =	srdreg.scid;
	s4 =	simm.s32 $0x1;
	s7 =	simm.s32 $0x1  }
0x4: {  	s9 =	simm.s32 $0x1;
	s10 =	simm.s32 $0x3;
	s13 =	simm.s32 $0x0  }
0x5: {  	s12 =	simm.s32 $0x0;
	s5 =	sand.u32 $0x1, s3;
	s6 =	sshll.u32 s1, $0x1  }
0x6: {  	s2 =	sadd.s32 $0xB000, s8;
	s3 =	sadd.s32 $0x14E00, s8;
	s5 =	sor.u32 s6, s5  }
.Ltmp0:
0x7: {  	[sflag:s4] =	ssyncpa.u1 $0x0;
	p0 =	slt.u32 s5, $0x9;
	(pc) =	sbr.rel .LBB2_1-.Ltmp0, $4  }
0x8: {  	s6 =	simm.s32 $0x2;
	s7 =	simm.s32 @!p0 $0x0;
	p0 =	sne.s32 s5, $0x8  }
0x9: {  	[sflag:s6] =	ssyncpa.u1 $0x0;
	s5 =	smul.u32 $0x1F40, s5;
	s9 =	simm.s32 @!p0 $0x0  }
0xa: {  	s8 =	sadd.s32 $0x6D000, s8;
	[sflag:s10] =	ssyncpa.u1 $0x0;
	s7 =	sadd.s32 s9, s7  }
0xb: {  	vm0 =	vmmov $0xffff;
	s10 =	simm.s32 $0x0;
	s11 =	smov.u32 s5;
	s9 =	sadd.s32 $0x1, s7  }
.LBB2_4:
0xc: {  	v2 =	vnsel vm1, $0x0, v2  }
0xd: {  	vm1 =	vgt.s32 v0, $0x0;
	v2 =	vmin.u32 v2, $0x4E1FF  }
0xe: {  	v0 =	vnsel vm1, $0x0, v0  }
0xf: {  	v0 =	vmin.u32 v0, $0x4E1FF  }
0x10: {  	[tilespmem:s18], [sflag:$0x1] =	stream.indirect_vreg.gather [hbm4b:s2+s10], $0x1, v1, vm0, $0x4038;
	[tilespmem:$0x7D00] =	vst v63  }
0x11: {  	(ifvalue) =	ssetifvalue $0x7FFFFFFF  }
0x12: {  	[tilespmem:s15], [sflag:$0x1] =	stream.indirect_vreg.gather [hbm4b:s2+s10], $0x1, v2, vm0, $0x4038;
	[tilespmem:$0x7D00] =	vst v63  }
0x13: {  	s29 =	sadd.s32 $0x10, s15;
	(ifvalue) =	ssetifvalue $0x7FFFFFFF  }
0x14: {  	[tilespmem:s29], [sflag:$0x1] =	stream.indirect_vreg.gather [hbm4b:s2+s10], $0x1, v0, vm0, $0x4038;
	[tilespmem:$0x7D00] =	vst v63  }
0x15: {  	_ =	swait.ge [sflag:s4], $0x1F40  }
0x16: {  	s30 =	sshrl.u32 s13, $0x3;
	[sflag:s4] =	ssyncset.done $0x0  }
0x17: {  	s31 =	sand.u32 $0x7, s13;
	s15 =	sadd.s32 s8, s30;
	[sflag:s4] =	ssyncadd.s32 $0xFFFFE0C0  }
0x18: {  	[hbm4b:s15+s31] =	stream.linear.scatter [tilespmem:s14], [sflag:$0x3], $0x1F40, $0x38;
	[tilespmem:$0x7D00] =	vst v63  }
.LBB2_5:
0x19: {  	s15 =	sadd.s32 $0x3E800, s11  }
0x1a: {  	p1 =	sgt.s32 s15, $0x4E1FF  }
0x1b: {  	s15 =	smov.u32 @p1 s5;
	p1 =	sne.s32 s12, s9  }
.Ltmp1:
0x1c: {  	p0 =	slt.u32 s12, $0x2;
	(pc) =	sbr.rel @!p1 .LBB2_6-.Ltmp1, $4  }
0x1d: {  	s14 =	simm.s32 @!p0 $0x3  }
0x1e: {  	_ =	swait.ge @!p0 [sflag:s14], $0x1F40  }
0x1f: {  	s16 =	sadd.s32 $0x1, s12;
	s13 =	smov.u32 s11;
	[sflag:s14] =	ssyncset.done @!p0 $0x0  }
0x20: {  	s12 =	smov.u32 s16;
	s11 =	smov.u32 s15;
	[sflag:s14] =	ssyncadd.s32 @!p0 $0xFFFFE0C0  }
.LBB2_1:
0x21: {  	p0 =	sge.u32 s12, s7  }
0x22: {  	s14 =	sxor.u32 @!p0 $0x1, s12  }
0x23: {  	s14 =	smul.u32 @!p0 $0x7D00, s14  }
0x24: {  	s31 =	sadd.s32 $0xFFFFFFFF, s12;
	s15 =	sshrl.u32 @!p0 s11, $0x3  }
0x25: {  	s16 =	sand.u32 @!p0 $0x7, s11;
	s15 =	sadd.s32 @!p0 s3, s15;
	s14 =	sshra.s32 @!p0 s14, $0x2  }
0x26: {  	[tilespmem:s14], [sflag:$0x2] =	stream.linear.gather @!p0 [hbm4b:s15+s16], $0x1F40, $0x38;
	[tilespmem:$0x7D00] =	vst v63  }
0x27: {  	p0 =	sge.u32 s31, s7  }
.Ltmp2:
0x28: {  	_ = 	snop;
	(pc) =	sbr.rel @p0 .LBB2_5-.Ltmp2, $1  }
0x29: {  	_ =	sdelay $0x3  }
0x2a: {  	s14 =	sand.u32 $0x1, s12  }
0x2b: {  	_ =	swait.ge [sflag:s6], $0x1F40;
	p0 =	seq.s32 s14, $0x1;
	s14 =	simm.s32 $0x1F40  }
0x2c: {  	[sflag:s6] =	ssyncset.done $0x0;
	s14 =	simm.s32 @!p0 $0x0  }
0x2d: {  	[sflag:s6] =	ssyncadd.s32 $0xFFFFE0C0;
	(ifvalue) =	ssetifvalue $0x7FFFFFFF;
	v0 =	vld.msk [tilespmem:s14+$0x0 ss:$0x1], $0xffff;
	_ =	sdelay $0x4  }
0x2e: {  	s15 =	sadd.s32 $0x10, s14;
	vm1 =	vgt.s32 v0, $0x0  }
0x2f: {  	v2 =	vld.msk [tilespmem:s15+$0x0 ss:$0x1], $0xffff;
	v1 =	vnsel vm1, $0x0, v0  }
0x30: {  	v1 =	vmin.u32 v1, $0x4E1FF;
	_ =	sdelay $0x2  }
0x31: {  	s17 =	simm.s32 $0x20;
	s14 =	sadd.s32 $0x3E80, s14;
	s16 =	sadd.s32 $0x10, s15  }
0x32: {  	s15 =	sadd.s32 $0x10, s14;
	s18 =	smov.u32 s14;
	v0 =	vld.msk [tilespmem:s16+$0x0 ss:$0x1], $0xffff;
	vm1 =	vgt.s32 v2, $0x0;
	(ifvalue) =	ssetifvalue $0x7FFFFFFF  }
.LBB2_3:
0x33: {  	[tilespmem:s18], [sflag:$0x1] =	stream.indirect_vreg.gather [hbm4b:s2+s10], $0x1, v1, vm0, $0x4038;
	[tilespmem:$0x7D00] =	vst v63  }
0x34: {  	s17 =	sadd.s32 $0x10, s17  }
0x35: {  	v2 =	vnsel vm1, $0x0, v2;
	p0 =	slt.u32 s17, $0x1F30  }
.Ltmp3:
0x36: {  	s18 =	smov.u32 s15;
	v1 =	vmin.u32 v2, $0x4E1FF;
	(pc) =	sbr.rel @p0 .LBB2_3-.Ltmp3, $3  }
0x37: {  	_ =	sdelay $0x1  }
0x38: {  	s16 =	sadd.s32 $0x10, s16  }
0x39: {  	vm1 =	vgt.s32 v0, $0x0;
	s15 =	sadd.s32 $0x10, s15;
	v2 =	vmov v0;
	(ifvalue) =	ssetifvalue $0x7FFFFFFF;
	v0 =	vld.msk [tilespmem:s16+$0x0 ss:$0x1], $0xffff  }
.Ltmp4:
0x3a: {  	_ = 	snop;
	(pc) =	sbr.rel .LBB2_4-.Ltmp4, $1  }
0x3b: {  	_ =	sdelay $0x3  }
.LBB2_6:
0x3c: {  	_ =	sfence.sel $0x180000  }
0x3d: {  	s2 =	simm.s32 $0x2;
	[bflag:$0x0] =	sbarrier.arrive $0xFFFF  }
0x3e: {  	s30 =	simm.s32 $0x3;
	[sflag:s2] =	ssyncpa.u1 $0x1  }
0x3f: {  	s31 =	simm.s32 $0x1;
	[sflag:s30] =	ssyncpa.u1 $0x1  }
0x40: {  	[sflag:s31] =	ssyncpa.u1 $0x1  }
0x41: {  	p0 =	sne.s32 s1, $0x0;
	_ =	strace $0x90000047  }
0x42: {  	s0 =	sadd.s32 @!p0 $0x100000, s0;
	[bflag:$0x2] =	sbarrier.arrive $0xFFFF  }
0x43: {  	[sflag:s0] =	ssyncadd.tile.s32 @!p0 $0x1;
	_ =	shalt  }
.Lfunc_end2:
_tile_overlayer_lowered:
.L_overlay_start_2:
0x44: {  	(tag) =	ssettag $0x2  }
0x45: {  	s0 =	rddreg [dreg:$0x0];
	s2 =	stileid.u32  }
0x46: {  	s1 =	rddreg [dreg:$0x1];
	p0 =	sne.s32 s2, $0x0  }
0x47: {  	s3 =	rddreg [dreg:$0x2];
	[bflag:$0x3] =	sbarrier.arrive $0xFFFF;
	s2 =	simm.s32 @!p0 $0x1C01  }
0x48: {  	[timem:s3], [sflag:s2] =	dma.local @!p0 [hbm:s0], s1  }
0x49: {  	s0 =	simm.s32 @!p0 $0x1  }
0x4a: {  	_ =	swait.ge @!p0 [sflag:s0], s1  }
0x4b: {  	s1 =	ssub.s32 @!p0 $0x0, s1;
	[sflag:s0] =	ssyncset.done @!p0 $0x0  }
0x4c: {  	[sflag:s0] =	ssyncadd.s32 @!p0 s1  }
0x4d: {  	[bflag:$0x3] =	sbarrier.arrive $0xFFFF  }
0x4e: {  	_ =	shalt  }

// kernel: gather_offload_async_start
scs
__scs_entry_jumppad:
0x0: {  	(pc) =	sbr.rel $0x88, $3  }
0x1: {  	(tag) =	ssettag $0x0;
	lr =	simm.s32 $0x1  }
0x2: {  	[smem:$0x3F95] =	sst lr;
	_ =	strace $0xD0000000  }
0x3: {  	_ = 	snop  }
0x4: {  	_ = 	snop  }
0x5: {  	_ = 	snop  }
0x6: {  	_ = 	snop  }
0x7: {  	_ = 	snop  }
__scs_overlays_trampoline_lowered:
0x8: {  	[smem:$0x3FA4] =	sst s0  }
0x9: {  	[smem:$0x3FA5] =	sst s1  }
0xa: {  	[smem:$0x3FA6] =	sst s2  }
0xb: {  	[smem:$0x3FA7] =	sst s3  }
0xc: {  	[smem:$0x3FA8] =	sst s4  }
0xd: {  	[smem:$0x3FA9] =	sst s5  }
0xe: {  	[smem:$0x3FAA] =	sst s6  }
0xf: {  	[smem:$0x3FAB] =	sst s7  }
0x10: {  	[smem:$0x3FAC] =	sst s8  }
0x11: {  	[smem:$0x3FAD] =	sst s9;
	s0 =	simm.s32 @!p0 $0x0  }
0x12: {  	s1 =	sld [smem:$0x3F93];
	s0 =	simm.s32 @p0 $0x1  }
0x13: {  	[smem:$0x3FAE] =	sst s0;
	s0 =	simm.s32 @!p1 $0x0  }
0x14: {  	s2 =	sld [smem:$0x3F92];
	s0 =	simm.s32 @p1 $0x1  }
0x15: {  	[smem:$0x3FAF] =	sst s0;
	s0 =	simm.s32 @!p2 $0x0  }
0x16: {  	s3 =	sld [smem:$0x3FDB];
	s0 =	simm.s32 @p2 $0x1  }
0x17: {  	s4 =	simm.s32 $0x1BF5;
	[smem:$0x3FB1] =	sst s0  }
0x18: {  	s0 =	sld [smem:$0x3F94];
	_ =	swait.ge [sflag:s4], $0x0  }
0x19: {  	s7 =	sld [smem:$0x3F95]  }
0x1a: {  	s8 =	sadd.s32 $0xFFFFE003, lr  }
0x1b: {  	s9 =	sadd.s32 $0xFFFFFEF7, lr;
	s5 =	simm.s32 $0xFFFFFFFF;
	p2 =	slt.u32 s8, $0xFFFFF086  }
0x1c: {  	p1 =	slt.u32 s9, $0xF7A;
	s5 =	simm.s32 @!p2 $0x0  }
0x1d: {  	s5 =	simm.s32 @p1 $0x1;
	p0 =	seq.s32 s7, s2  }
0x1e: {  	s7 =	smul.u32 @!p0 $0xF7A, s2;
	p2 =	seq.s32 @!p0 s5, $0x0  }
0x1f: {  	s9 =	smul.u32 $0xF7A, s1;
	s8 =	simm.s32 @!p0 $0x1BF5;
	p2 =	por !p2, p0  }
0x20: {  	[sflag:s8] =	ssyncset.s32 @!p0 $0xFFFFF086;
	s6 =	sadd.s32 @!p0 s3, s7;
	s7 =	simm.s32 @!p0 $0x108  }
0x21: {  	s3 =	sadd.s32 s3, s9;
	s6 =	sadd.s32 @!p0 $0x88, s6;
	s7 =	simm.s32 @p2 $0x1082  }
0x22: {  	[simem:s7], [sflag:s8] =	dma.local @!p0 [hbm:s6], $0xF7A  }
0x23: {  	s9 =	sor.u32 $0xD0000000, s2;
	s6 =	simm.s32 $0x108;
	_ =	swait.ge @!p0 [sflag:s8], $0x0  }
0x24: {  	s3 =	sadd.s32 $0x88, s3;
	s6 =	simm.s32 @!p1 $0x1082;
	[sflag:s4] =	ssyncset.s32 $0xFFFFF086  }
0x25: {  	[simem:s6], [sflag:s4] =	dma.local [hbm:s3], $0xF7A  }
0x26: {  	[smem:$0x3F95] =	sst s1;
	(tag) =	ssettag s2;
	_ =	strace s9  }
0x27: {  	s1 =	sld [smem:$0x3FA5]  }
0x28: {  	s2 =	sld [smem:$0x3FA6]  }
0x29: {  	s4 =	sld [smem:$0x3FA8]  }
0x2a: {  	p0 =	seq.s32 s5, $0x0;
	s5 =	sld [smem:$0x3FA9]  }
0x2b: {  	s6 =	sld [smem:$0x3FAA]  }
0x2c: {  	s7 =	sld [smem:$0x3FAB]  }
0x2d: {  	s3 =	simm.s32 $0x108;
	s8 =	sld [smem:$0x3FAC]  }
0x2e: {  	s3 =	simm.s32 @!p0 $0x1082;
	s9 =	sld [smem:$0x3FAD]  }
0x2f: {  	lr =	sadd.s32 s0, s3;
	s0 =	sld [smem:$0x3FA4]  }
0x30: {  	s3 =	sld [smem:$0x3FA7]  }
0x31: {  	[smem:$0x3FB0] =	sst s10  }
0x32: {  	s10 =	sld [smem:$0x3FAE];
	_ =	sdelay $0x3  }
0x33: {  	p0 =	seq.s32 s10, $0x1;
	s10 =	sld [smem:$0x3FB0];
	_ =	sdelay $0x3  }
0x34: {  	[smem:$0x3FB0] =	sst s10  }
0x35: {  	s10 =	sld [smem:$0x3FAF];
	_ =	sdelay $0x3  }
0x36: {  	p1 =	seq.s32 s10, $0x1;
	s10 =	sld [smem:$0x3FB0];
	_ =	sdelay $0x3  }
0x37: {  	[smem:$0x3FB0] =	sst s10  }
0x38: {  	s10 =	sld [smem:$0x3FB1]  }
0x39: {  	_ = 	snop;
	(pc) =	sbr.ind lr, $3  }
0x3a: {  	_ = 	snop  }
0x3b: {  	_ = 	snop  }
0x3c: {  	p2 =	seq.s32 s10, $0x1;
	s10 =	sld [smem:$0x3FB0]  }
0x3d: {  	_ =	shalt  }
0x3e: {  	_ =	shalt  }
0x3f: {  	_ =	shalt  }
0x40: {  	_ =	shalt  }
0x41: {  	_ =	shalt  }
0x42: {  	_ =	shalt  }
0x43: {  	_ =	shalt  }
0x44: {  	_ =	shalt  }
0x45: {  	_ =	shalt  }
0x46: {  	_ =	shalt  }
0x47: {  	_ =	shalt  }
0x48: {  	_ =	shalt  }
0x49: {  	_ =	shalt  }
0x4a: {  	_ =	shalt  }
0x4b: {  	_ =	shalt  }
0x4c: {  	_ =	shalt  }
0x4d: {  	_ =	shalt  }
0x4e: {  	_ =	shalt  }
0x4f: {  	_ =	shalt  }
0x50: {  	_ =	shalt  }
0x51: {  	_ =	shalt  }
0x52: {  	_ =	shalt  }
0x53: {  	_ =	shalt  }
0x54: {  	_ =	shalt  }
0x55: {  	_ =	shalt  }
0x56: {  	_ =	shalt  }
0x57: {  	_ =	shalt  }
0x58: {  	_ =	shalt  }
0x59: {  	_ =	shalt  }
0x5a: {  	_ =	shalt  }
0x5b: {  	_ =	shalt  }
0x5c: {  	_ =	shalt  }
0x5d: {  	_ =	shalt  }
0x5e: {  	_ =	shalt  }
0x5f: {  	_ =	shalt  }
0x60: {  	_ =	shalt  }
0x61: {  	_ =	shalt  }
0x62: {  	_ =	shalt  }
0x63: {  	_ =	shalt  }
0x64: {  	_ =	shalt  }
0x65: {  	_ =	shalt  }
0x66: {  	_ =	shalt  }
0x67: {  	_ =	shalt  }
0x68: {  	_ =	shalt  }
0x69: {  	_ =	shalt  }
0x6a: {  	_ =	shalt  }
0x6b: {  	_ =	shalt  }
0x6c: {  	_ =	shalt  }
0x6d: {  	_ =	shalt  }
0x6e: {  	_ =	shalt  }
0x6f: {  	_ =	shalt  }
0x70: {  	_ =	shalt  }
0x71: {  	_ =	shalt  }
0x72: {  	_ =	shalt  }
0x73: {  	_ =	shalt  }
0x74: {  	_ =	shalt  }
0x75: {  	_ =	shalt  }
0x76: {  	_ =	shalt  }
0x77: {  	_ =	shalt  }
0x78: {  	_ =	shalt  }
0x79: {  	_ =	shalt  }
0x7a: {  	_ =	shalt  }
0x7b: {  	_ =	shalt  }
0x7c: {  	_ =	shalt  }
0x7d: {  	_ =	shalt  }
0x7e: {  	_ =	shalt  }
0x7f: {  	_ =	shalt  }
0x80: {  	_ =	shalt  }
0x81: {  	_ =	shalt  }
0x82: {  	_ =	shalt  }
0x83: {  	_ =	shalt  }
0x84: {  	_ =	shalt  }
0x85: {  	_ =	shalt  }
0x86: {  	_ =	shalt  }
0x87: {  	_ =	shalt  }
.Lfunc_end0:
.L_simem_size_0:
called_computation.1_lowered:
.L_overlay_start_0:
0x88: {  	s0 =	sld [smem:$0x3FD9]  }
0x89: {  	s1 =	sld [smem:$0x3FFE];
	_ =	sdelay $0x3  }
0x8a: {  	s0 =	sadd.s32 s1, s0  }
0x8b: {  	[smem:$0x3FBC] =	sst s0  }
0x8c: {  	_ = 	snop  }
0x8d: {  	s0 =	sld [smem:$0x3FD0];
	_ =	sdelay $0x2  }
0x8e: {  	s13 =	simm.s32 $0xA;
	s2 =	simm.s32 $0x10  }
0x8f: {  	[smem:s2], [sflag:s13] =	dma.local [hbm:s0], $0x1  }
0x90: {  	_ =	swait.eq [sflag:s13], $0x1  }
0x91: {  	[sflag:s13] =	ssyncset.done $0x0  }
0x92: {  	s14 =	sld [smem:$0x11];
	[sflag:s13] =	ssyncadd.s32 $0xFFFFFFFF  }
0x93: {  	s15 =	sld [smem:$0x13];
	(tm) =	ssettm $0x1  }
0x94: {  	s16 =	sld [smem:$0x3FFB];
	_ =	sdelay $0x3  }
0x95: {  	_ =	strace s16  }
0x96: {  	s2 =	sld [smem:$0x3FFC];
	_ =	sdelay $0x3  }
0x97: {  	_ =	strace s2  }
0x98: {  	s2 =	sld [smem:$0x3FFD];
	_ =	sdelay $0x3  }
0x99: {  	_ =	strace s2  }
0x9a: {  	_ =	strace $0x8FFFFFFF  }
0x9b: {  	s17 =	sld [smem:$0x3FDB];
	_ =	sdelay $0x1  }
0x9c: {  	s3 =	simm.s32 $_scs_section_size  }
0x9d: {  	s4 =	simm.s32 $_size__tile_overlayer_lowered;
	s5 =	simm.s32 $_tile_overlayer_lowered  }
0x9e: {  	s20 =	simm.s32 $0x1BFF;
	s19 =	sshll.u32 s5, $0x1;
	s2 =	sadd.s32 s3, s17  }
0x9f: {  	s6 =	simm.s32 $0x0;
	s18 =	sshll.u32 s4, $0x1;
	s4 =	sadd.s32 s19, s2  }
0xa0: {  	[timem:s6], [sflag:s20] =	dma.local [hbm:s4], s18  }
0xa1: {  	_ =	swait.ge [sflag:s20], s18  }
0xa2: {  	s3 =	ssub.s32 $0x0, s18;
	[sflag:s20] =	ssyncset.done $0x0  }
0xa3: {  	[sflag:s20] =	ssyncadd.s32 s3;
	_ =	sdelay $0x1  }
0xa4: {  	s21 =	simm.s32 $0x1B8B  }
0xa5: {  	_ =	swait.ge [sflag:s21], $0x1  }
0xa6: {  	[sflag:s21] =	ssyncset.done $0x0  }
0xa7: {  	s23 =	simm.s32 $0x1B8E;
	s22 =	sld [smem:$0x3FFE];
	[sflag:s21] =	ssyncadd.s32 $0xFFFFFFFF  }
0xa8: {  	s24 =	simm.s32 $execute0_lowered;
	[smem:$0x3FD2] =	sst s23  }
0xa9: {  	s4 =	sshll.u32 s24, $0x1;
	_ =	strace $0x80000052;
	[dreg:$0x1] =	wrdreg $0xFFFFFFFF  }
0xaa: {  	s25 =	simm.s32 $_size_execute0_lowered;
	s2 =	sadd.s32 s2, s4;
	[dreg:$0x0] =	wrdreg $0x0  }
0xab: {  	s4 =	sshll.u32 s25, $0x1;
	[dreg:$0x2] =	wrdreg s2  }
0xac: {  	[dreg:$0x3] =	wrdreg s4  }
0xad: {  	[dreg:$0x4] =	wrdreg $0xC0  }
0xae: {  	_ =	task [dreg:s6], $0x5FFFF  }
0xaf: {  	[dreg:$0x1] =	wrdreg $0xFFFFFFFF  }
0xb0: {  	[dreg:$0x0] =	wrdreg $0x60  }
0xb1: {  	[dreg:$0x2] =	wrdreg s22  }
0xb2: {  	[dreg:$0x3] =	wrdreg s15  }
0xb3: {  	[dreg:$0x4] =	wrdreg s14  }
0xb4: {  	[dreg:$0x5] =	wrdreg $0x9  }
0xb5: {  	_ =	task.clear_ibuf [dreg:s6], $0x6FFFF;
	_ =	strace $0x90000052  }
0xb6: {  	s26 =	simm.s32 $0x9;
	_ =	strace $0x80000054  }
0xb7: {  	_ =	swait.ge [sflag:s26], $0x1  }
0xb8: {  	[sflag:s26] =	ssyncadd.s32 $0xFFFFFFFF  }
0xb9: {  	_ =	strace $0x90000054  }
0xba: {  	_ =	sfence  }
0xbb: {  	s28 =	sld [smem:$0x0];
	_ =	sdelay $0x1  }
0xbc: {  	s29 =	srdreg.scid  }
0xbd: {  	s30 =	sshll.u32 s29, $0xD;
	s31 =	sshrl.u32 s29, $0x2  }
0xbe: {  	s1 =	sand.u32 $0x1, s29;
	s2 =	sand.u32 $0x4000, s30;
	s0 =	sadd.s32 s31, s28  }
0xbf: {  	s1 =	sor.u32 s2, s1;
	s0 =	sshll.u32 s0, $0x11  }
0xc0: {  	s0 =	sor.u32 s0, s1  }
0xc1: {  	s0 =	sadd.s32 $0x8F2B, s0  }
0xc2: {  	[sflag:s0] =	ssyncadd.remote.s32 $0x1  }
0xc3: {  	_ =	sfence.sel $0xFFFF  }
0xc4: {  	[dreg:$0x0] =	wrdreg $0xFFFFFFFF;
	(pc) =	sbr.abs _section_cstart, $3  }
0xc5: {  	[dreg:$0x1] =	wrdreg $0xFFFFFFFF  }
0xc6: {  	_ =	task.clear_ibuf [dreg:s6], $0x2FFFF;
	_ =	strace $0x9FFFFFFF  }
0xc7: {  	(tm) =	ssettm $0x7FFFFFFF  }
tec
execute0_lowered:
.L_overlay_start_1:
0x0: {  	(tag) =	ssettag $0x1  }
0x1: {  	s8 =	rddreg [dreg:$0x0]  }
0x2: {  	s2 =	rddreg [dreg:$0x1]  }
0x3: {  	s3 =	rddreg [dreg:$0x2]  }
0x4: {  	s0 =	rddreg [dreg:$0x3];
	_ =	strace $0x80000053;
	s4 =	simm.s32 $0x1  }
0x5: {  	s1 =	stileid.u32;
	s7 =	simm.s32 $0x1;
	s9 =	simm.s32 $0x1  }
0x6: {  	s6 =	simm.s32 $0x2;
	s10 =	simm.s32 $0x3;
	s13 =	simm.s32 $0x0  }
.Ltmp0:
0x7: {  	s12 =	simm.s32 $0x0;
	p0 =	slt.u32 s1, $0xA;
	(pc) =	sbr.rel .LBB2_1-.Ltmp0, $4  }
0x8: {  	[sflag:s4] =	ssyncpa.u1 $0x0;
	s7 =	simm.s32 @!p0 $0x0;
	p0 =	sne.s32 s1, $0x9  }
0x9: {  	s5 =	smul.u32 $0x190, s1;
	[sflag:s6] =	ssyncpa.u1 $0x0;
	s9 =	simm.s32 @!p0 $0x0  }
0xa: {  	s8 =	sadd.s32 $0x6D000, s8;
	[sflag:s10] =	ssyncpa.u1 $0x0;
	s7 =	sadd.s32 s9, s7  }
0xb: {  	vm0 =	vmmov $0xffff;
	s10 =	simm.s32 $0x0;
	s11 =	smov.u32 s5;
	s9 =	sadd.s32 $0x1, s7  }
.LBB2_4:
0xc: {  	v2 =	vnsel vm1, $0x0, v2  }
0xd: {  	vm1 =	vgt.s32 v0, $0x0;
	v2 =	vmin.u32 v2, $0x4E1FF  }
0xe: {  	v0 =	vnsel vm1, $0x0, v0  }
0xf: {  	v0 =	vmin.u32 v0, $0x4E1FF  }
0x10: {  	[tilespmem:s18], [sflag:$0x1] =	stream.indirect_vreg.gather [hbm4b:s8+s10], $0x1, v1, vm0, $0x4038;
	[tilespmem:$0x640] =	vst v63  }
0x11: {  	(ifvalue) =	ssetifvalue $0x7FFFFFFF  }
0x12: {  	[tilespmem:s15], [sflag:$0x1] =	stream.indirect_vreg.gather [hbm4b:s8+s10], $0x1, v2, vm0, $0x4038;
	[tilespmem:$0x640] =	vst v63  }
0x13: {  	s29 =	sadd.s32 $0x10, s15;
	(ifvalue) =	ssetifvalue $0x7FFFFFFF  }
0x14: {  	[tilespmem:s29], [sflag:$0x1] =	stream.indirect_vreg.gather [hbm4b:s8+s10], $0x1, v0, vm0, $0x4038;
	[tilespmem:$0x640] =	vst v63  }
0x15: {  	_ =	swait.ge [sflag:s4], $0x190  }
0x16: {  	s30 =	sshrl.u32 s13, $0x3;
	[sflag:s4] =	ssyncset.done $0x0  }
0x17: {  	s31 =	sand.u32 $0x7, s13;
	s15 =	sadd.s32 s3, s30;
	[sflag:s4] =	ssyncadd.s32 $0xFFFFFE70  }
0x18: {  	[hbm4b:s15+s31] =	stream.linear.scatter [tilespmem:s14], [sflag:$0x3], $0x190, $0x38;
	[tilespmem:$0x640] =	vst v63  }
.LBB2_5:
0x19: {  	s15 =	sadd.s32 $0x1900, s11  }
0x1a: {  	p1 =	sgt.s32 s15, $0x270F  }
0x1b: {  	s15 =	smov.u32 @p1 s5;
	p1 =	sne.s32 s12, s9  }
.Ltmp1:
0x1c: {  	p0 =	slt.u32 s12, $0x2;
	(pc) =	sbr.rel @!p1 .LBB2_6-.Ltmp1, $4  }
0x1d: {  	s14 =	simm.s32 @!p0 $0x3  }
0x1e: {  	_ =	swait.ge @!p0 [sflag:s14], $0x190  }
0x1f: {  	s16 =	sadd.s32 $0x1, s12;
	s13 =	smov.u32 s11;
	[sflag:s14] =	ssyncset.done @!p0 $0x0  }
0x20: {  	s12 =	smov.u32 s16;
	s11 =	smov.u32 s15;
	[sflag:s14] =	ssyncadd.s32 @!p0 $0xFFFFFE70  }
.LBB2_1:
0x21: {  	p0 =	sge.u32 s12, s7  }
0x22: {  	s14 =	sxor.u32 @!p0 $0x1, s12  }
0x23: {  	s14 =	smul.u32 @!p0 $0x640, s14  }
0x24: {  	s31 =	sadd.s32 $0xFFFFFFFF, s12;
	s15 =	sshrl.u32 @!p0 s11, $0x3  }
0x25: {  	s16 =	sand.u32 @!p0 $0x7, s11;
	s15 =	sadd.s32 @!p0 s2, s15;
	s14 =	sshra.s32 @!p0 s14, $0x2  }
0x26: {  	[tilespmem:s14], [sflag:$0x2] =	stream.linear.gather @!p0 [hbm4b:s15+s16], $0x190, $0x38;
	[tilespmem:$0x640] =	vst v63  }
0x27: {  	p0 =	sge.u32 s31, s7  }
.Ltmp2:
0x28: {  	_ = 	snop;
	(pc) =	sbr.rel @p0 .LBB2_5-.Ltmp2, $1  }
0x29: {  	_ =	sdelay $0x3  }
0x2a: {  	s14 =	sand.u32 $0x1, s12  }
0x2b: {  	_ =	swait.ge [sflag:s6], $0x190;
	p0 =	seq.s32 s14, $0x1;
	s14 =	simm.s32 $0x190  }
0x2c: {  	[sflag:s6] =	ssyncset.done $0x0;
	s14 =	simm.s32 @!p0 $0x0  }
0x2d: {  	[sflag:s6] =	ssyncadd.s32 $0xFFFFFE70;
	(ifvalue) =	ssetifvalue $0x7FFFFFFF;
	v0 =	vld.msk [tilespmem:s14+$0x0 ss:$0x1], $0xffff;
	_ =	sdelay $0x4  }
0x2e: {  	s15 =	sadd.s32 $0x10, s14;
	vm1 =	vgt.s32 v0, $0x0  }
0x2f: {  	v2 =	vld.msk [tilespmem:s15+$0x0 ss:$0x1], $0xffff;
	v1 =	vnsel vm1, $0x0, v0  }
0x30: {  	v1 =	vmin.u32 v1, $0x4E1FF;
	_ =	sdelay $0x2  }
0x31: {  	s17 =	simm.s32 $0x20;
	s14 =	sadd.s32 $0x320, s14;
	s16 =	sadd.s32 $0x10, s15  }
0x32: {  	s15 =	sadd.s32 $0x10, s14;
	s18 =	smov.u32 s14;
	v0 =	vld.msk [tilespmem:s16+$0x0 ss:$0x1], $0xffff;
	vm1 =	vgt.s32 v2, $0x0;
	(ifvalue) =	ssetifvalue $0x7FFFFFFF  }
.LBB2_3:
0x33: {  	[tilespmem:s18], [sflag:$0x1] =	stream.indirect_vreg.gather [hbm4b:s8+s10], $0x1, v1, vm0, $0x4038;
	[tilespmem:$0x640] =	vst v63  }
0x34: {  	s17 =	sadd.s32 $0x10, s17  }
0x35: {  	v2 =	vnsel vm1, $0x0, v2;
	p0 =	slt.u32 s17, $0x180  }
.Ltmp3:
0x36: {  	s18 =	smov.u32 s15;
	v1 =	vmin.u32 v2, $0x4E1FF;
	(pc) =	sbr.rel @p0 .LBB2_3-.Ltmp3, $3  }
0x37: {  	_ =	sdelay $0x1  }
0x38: {  	s16 =	sadd.s32 $0x10, s16  }
0x39: {  	vm1 =	vgt.s32 v0, $0x0;
	s15 =	sadd.s32 $0x10, s15;
	v2 =	vmov v0;
	(ifvalue) =	ssetifvalue $0x7FFFFFFF;
	v0 =	vld.msk [tilespmem:s16+$0x0 ss:$0x1], $0xffff  }
.Ltmp4:
0x3a: {  	_ = 	snop;
	(pc) =	sbr.rel .LBB2_4-.Ltmp4, $1  }
0x3b: {  	_ =	sdelay $0x3  }
.LBB2_6:
0x3c: {  	_ =	sfence.sel $0x180000  }
0x3d: {  	s2 =	simm.s32 $0x2;
	[bflag:$0x0] =	sbarrier.arrive $0xFFFF  }
0x3e: {  	s30 =	simm.s32 $0x3;
	[sflag:s2] =	ssyncpa.u1 $0x1  }
0x3f: {  	s31 =	simm.s32 $0x1;
	[sflag:s30] =	ssyncpa.u1 $0x1  }
0x40: {  	[sflag:s31] =	ssyncpa.u1 $0x1  }
0x41: {  	p0 =	sne.s32 s1, $0x0;
	_ =	strace $0x90000053  }
0x42: {  	s0 =	sadd.s32 @!p0 $0x100000, s0;
	[bflag:$0x2] =	sbarrier.arrive $0xFFFF  }
0x43: {  	[sflag:s0] =	ssyncadd.tile.s32 @!p0 $0x1;
	_ =	shalt  }
.Lfunc_end2:
_tile_overlayer_lowered:
.L_overlay_start_2:
0x44: {  	(tag) =	ssettag $0x2  }
0x45: {  	s0 =	rddreg [dreg:$0x0];
	s2 =	stileid.u32  }
0x46: {  	s1 =	rddreg [dreg:$0x1];
	p0 =	sne.s32 s2, $0x0  }
0x47: {  	s3 =	rddreg [dreg:$0x2];
	[bflag:$0x3] =	sbarrier.arrive $0xFFFF;
	s2 =	simm.s32 @!p0 $0x1C01  }
0x48: {  	[timem:s3], [sflag:s2] =	dma.local @!p0 [hbm:s0], s1  }
0x49: {  	s0 =	simm.s32 @!p0 $0x1  }
0x4a: {  	_ =	swait.ge @!p0 [sflag:s0], s1  }
0x4b: {  	s1 =	ssub.s32 @!p0 $0x0, s1;
	[sflag:s0] =	ssyncset.done @!p0 $0x0  }
0x4c: {  	[sflag:s0] =	ssyncadd.s32 @!p0 s1  }
0x4d: {  	[bflag:$0x3] =	sbarrier.arrive $0xFFFF  }
0x4e: {  	_ =	shalt  }

// kernel: kernel.5.cloned.1.call-start
scs
__scs_entry_jumppad:
0x0: {  	(pc) =	sbr.rel $0x88, $3  }
0x1: {  	(tag) =	ssettag $0x0;
	lr =	simm.s32 $0x1  }
0x2: {  	[smem:$0x3F95] =	sst lr;
	_ =	strace $0xD0000000  }
0x3: {  	_ = 	snop  }
0x4: {  	_ = 	snop  }
0x5: {  	_ = 	snop  }
0x6: {  	_ = 	snop  }
0x7: {  	_ = 	snop  }
__scs_overlays_trampoline_lowered:
0x8: {  	[smem:$0x3FA4] =	sst s0  }
0x9: {  	[smem:$0x3FA5] =	sst s1  }
0xa: {  	[smem:$0x3FA6] =	sst s2  }
0xb: {  	[smem:$0x3FA7] =	sst s3  }
0xc: {  	[smem:$0x3FA8] =	sst s4  }
0xd: {  	[smem:$0x3FA9] =	sst s5  }
0xe: {  	[smem:$0x3FAA] =	sst s6  }
0xf: {  	[smem:$0x3FAB] =	sst s7  }
0x10: {  	[smem:$0x3FAC] =	sst s8  }
0x11: {  	[smem:$0x3FAD] =	sst s9;
	s0 =	simm.s32 @!p0 $0x0  }
0x12: {  	s1 =	sld [smem:$0x3F93];
	s0 =	simm.s32 @p0 $0x1  }
0x13: {  	[smem:$0x3FAE] =	sst s0;
	s0 =	simm.s32 @!p1 $0x0  }
0x14: {  	s2 =	sld [smem:$0x3F92];
	s0 =	simm.s32 @p1 $0x1  }
0x15: {  	[smem:$0x3FAF] =	sst s0;
	s0 =	simm.s32 @!p2 $0x0  }
0x16: {  	s3 =	sld [smem:$0x3FDB];
	s0 =	simm.s32 @p2 $0x1  }
0x17: {  	s4 =	simm.s32 $0x1BF5;
	[smem:$0x3FB1] =	sst s0  }
0x18: {  	s0 =	sld [smem:$0x3F94];
	_ =	swait.ge [sflag:s4], $0x0  }
0x19: {  	s7 =	sld [smem:$0x3F95]  }
0x1a: {  	s8 =	sadd.s32 $0xFFFFE003, lr  }
0x1b: {  	s9 =	sadd.s32 $0xFFFFFEF7, lr;
	s5 =	simm.s32 $0xFFFFFFFF;
	p2 =	slt.u32 s8, $0xFFFFF086  }
0x1c: {  	p1 =	slt.u32 s9, $0xF7A;
	s5 =	simm.s32 @!p2 $0x0  }
0x1d: {  	s5 =	simm.s32 @p1 $0x1;
	p0 =	seq.s32 s7, s2  }
0x1e: {  	s7 =	smul.u32 @!p0 $0xF7A, s2;
	p2 =	seq.s32 @!p0 s5, $0x0  }
0x1f: {  	s9 =	smul.u32 $0xF7A, s1;
	s8 =	simm.s32 @!p0 $0x1BF5;
	p2 =	por !p2, p0  }
0x20: {  	[sflag:s8] =	ssyncset.s32 @!p0 $0xFFFFF086;
	s6 =	sadd.s32 @!p0 s3, s7;
	s7 =	simm.s32 @!p0 $0x108  }
0x21: {  	s3 =	sadd.s32 s3, s9;
	s6 =	sadd.s32 @!p0 $0x88, s6;
	s7 =	simm.s32 @p2 $0x1082  }
0x22: {  	[simem:s7], [sflag:s8] =	dma.local @!p0 [hbm:s6], $0xF7A  }
0x23: {  	s9 =	sor.u32 $0xD0000000, s2;
	s6 =	simm.s32 $0x108;
	_ =	swait.ge @!p0 [sflag:s8], $0x0  }
0x24: {  	s3 =	sadd.s32 $0x88, s3;
	s6 =	simm.s32 @!p1 $0x1082;
	[sflag:s4] =	ssyncset.s32 $0xFFFFF086  }
0x25: {  	[simem:s6], [sflag:s4] =	dma.local [hbm:s3], $0xF7A  }
0x26: {  	[smem:$0x3F95] =	sst s1;
	(tag) =	ssettag s2;
	_ =	strace s9  }
0x27: {  	s1 =	sld [smem:$0x3FA5]  }
0x28: {  	s2 =	sld [smem:$0x3FA6]  }
0x29: {  	s4 =	sld [smem:$0x3FA8]  }
0x2a: {  	p0 =	seq.s32 s5, $0x0;
	s5 =	sld [smem:$0x3FA9]  }
0x2b: {  	s6 =	sld [smem:$0x3FAA]  }
0x2c: {  	s7 =	sld [smem:$0x3FAB]  }
0x2d: {  	s3 =	simm.s32 $0x108;
	s8 =	sld [smem:$0x3FAC]  }
0x2e: {  	s3 =	simm.s32 @!p0 $0x1082;
	s9 =	sld [smem:$0x3FAD]  }
0x2f: {  	lr =	sadd.s32 s0, s3;
	s0 =	sld [smem:$0x3FA4]  }
0x30: {  	s3 =	sld [smem:$0x3FA7]  }
0x31: {  	[smem:$0x3FB0] =	sst s10  }
0x32: {  	s10 =	sld [smem:$0x3FAE];
	_ =	sdelay $0x3  }
0x33: {  	p0 =	seq.s32 s10, $0x1;
	s10 =	sld [smem:$0x3FB0];
	_ =	sdelay $0x3  }
0x34: {  	[smem:$0x3FB0] =	sst s10  }
0x35: {  	s10 =	sld [smem:$0x3FAF];
	_ =	sdelay $0x3  }
0x36: {  	p1 =	seq.s32 s10, $0x1;
	s10 =	sld [smem:$0x3FB0];
	_ =	sdelay $0x3  }
0x37: {  	[smem:$0x3FB0] =	sst s10  }
0x38: {  	s10 =	sld [smem:$0x3FB1]  }
0x39: {  	_ = 	snop;
	(pc) =	sbr.ind lr, $3  }
0x3a: {  	_ = 	snop  }
0x3b: {  	_ = 	snop  }
0x3c: {  	p2 =	seq.s32 s10, $0x1;
	s10 =	sld [smem:$0x3FB0]  }
0x3d: {  	_ =	shalt  }
0x3e: {  	_ =	shalt  }
0x3f: {  	_ =	shalt  }
0x40: {  	_ =	shalt  }
0x41: {  	_ =	shalt  }
0x42: {  	_ =	shalt  }
0x43: {  	_ =	shalt  }
0x44: {  	_ =	shalt  }
0x45: {  	_ =	shalt  }
0x46: {  	_ =	shalt  }
0x47: {  	_ =	shalt  }
0x48: {  	_ =	shalt  }
0x49: {  	_ =	shalt  }
0x4a: {  	_ =	shalt  }
0x4b: {  	_ =	shalt  }
0x4c: {  	_ =	shalt  }
0x4d: {  	_ =	shalt  }
0x4e: {  	_ =	shalt  }
0x4f: {  	_ =	shalt  }
0x50: {  	_ =	shalt  }
0x51: {  	_ =	shalt  }
0x52: {  	_ =	shalt  }
0x53: {  	_ =	shalt  }
0x54: {  	_ =	shalt  }
0x55: {  	_ =	shalt  }
0x56: {  	_ =	shalt  }
0x57: {  	_ =	shalt  }
0x58: {  	_ =	shalt  }
0x59: {  	_ =	shalt  }
0x5a: {  	_ =	shalt  }
0x5b: {  	_ =	shalt  }
0x5c: {  	_ =	shalt  }
0x5d: {  	_ =	shalt  }
0x5e: {  	_ =	shalt  }
0x5f: {  	_ =	shalt  }
0x60: {  	_ =	shalt  }
0x61: {  	_ =	shalt  }
0x62: {  	_ =	shalt  }
0x63: {  	_ =	shalt  }
0x64: {  	_ =	shalt  }
0x65: {  	_ =	shalt  }
0x66: {  	_ =	shalt  }
0x67: {  	_ =	shalt  }
0x68: {  	_ =	shalt  }
0x69: {  	_ =	shalt  }
0x6a: {  	_ =	shalt  }
0x6b: {  	_ =	shalt  }
0x6c: {  	_ =	shalt  }
0x6d: {  	_ =	shalt  }
0x6e: {  	_ =	shalt  }
0x6f: {  	_ =	shalt  }
0x70: {  	_ =	shalt  }
0x71: {  	_ =	shalt  }
0x72: {  	_ =	shalt  }
0x73: {  	_ =	shalt  }
0x74: {  	_ =	shalt  }
0x75: {  	_ =	shalt  }
0x76: {  	_ =	shalt  }
0x77: {  	_ =	shalt  }
0x78: {  	_ =	shalt  }
0x79: {  	_ =	shalt  }
0x7a: {  	_ =	shalt  }
0x7b: {  	_ =	shalt  }
0x7c: {  	_ =	shalt  }
0x7d: {  	_ =	shalt  }
0x7e: {  	_ =	shalt  }
0x7f: {  	_ =	shalt  }
0x80: {  	_ =	shalt  }
0x81: {  	_ =	shalt  }
0x82: {  	_ =	shalt  }
0x83: {  	_ =	shalt  }
0x84: {  	_ =	shalt  }
0x85: {  	_ =	shalt  }
0x86: {  	_ =	shalt  }
0x87: {  	_ =	shalt  }
.Lfunc_end0:
.L_simem_size_0:
called_computation.4_lowered:
.L_overlay_start_0:
0x88: {  	s2 =	sld [smem:$0x3FD9]  }
0x89: {  	s3 =	sld [smem:$0x3FFE];
	_ =	sdelay $0x1  }
0x8a: {  	s1 =	srdreg.scid  }
0x8b: {  	s0 =	sand.u32 $0x1, s1  }
0x8c: {  	s14 =	sshll.u32 s0, $0xA;
	s2 =	sadd.s32 s3, s2  }
0x8d: {  	s2 =	sadd.s32 s2, s14  }
0x8e: {  	[smem:$0x3FBC] =	sst s2  }
0x8f: {  	_ = 	snop  }
0x90: {  	s2 =	sld [smem:$0x3FD0];
	_ =	sdelay $0x2  }
0x91: {  	s15 =	simm.s32 $0xA;
	s4 =	simm.s32 $0x10  }
0x92: {  	[smem:s4], [sflag:s15] =	dma.local [hbm:s2], $0x1  }
0x93: {  	_ =	swait.eq [sflag:s15], $0x1  }
0x94: {  	[sflag:s15] =	ssyncset.done $0x0  }
0x95: {  	s16 =	sld [smem:$0x10];
	[sflag:s15] =	ssyncadd.s32 $0xFFFFFFFF  }
0x96: {  	s17 =	sld [smem:$0x12];
	(tm) =	ssettm $0x1  }
0x97: {  	s18 =	sld [smem:$0x3FFB];
	_ =	sdelay $0x3  }
0x98: {  	_ =	strace s18  }
0x99: {  	s4 =	sld [smem:$0x3FFC];
	_ =	sdelay $0x3  }
0x9a: {  	_ =	strace s4  }
0x9b: {  	s4 =	sld [smem:$0x3FFD];
	_ =	sdelay $0x3  }
0x9c: {  	_ =	strace s4  }
0x9d: {  	_ =	strace $0x8FFFFFFF  }
0x9e: {  	s19 =	sld [smem:$0x3FDB];
	_ =	sdelay $0x1  }
0x9f: {  	s5 =	simm.s32 $_scs_section_size  }
0xa0: {  	s6 =	simm.s32 $_size__tile_overlayer_lowered;
	s7 =	simm.s32 $_tile_overlayer_lowered  }
0xa1: {  	s22 =	simm.s32 $0x1BFF;
	s21 =	sshll.u32 s7, $0x1;
	s4 =	sadd.s32 s5, s19  }
0xa2: {  	s8 =	simm.s32 $0x0;
	s20 =	sshll.u32 s6, $0x1;
	s6 =	sadd.s32 s21, s4  }
0xa3: {  	[timem:s8], [sflag:s22] =	dma.local [hbm:s6], s20  }
0xa4: {  	_ =	swait.ge [sflag:s22], s20  }
0xa5: {  	s5 =	ssub.s32 $0x0, s20;
	[sflag:s22] =	ssyncset.done $0x0  }
0xa6: {  	[sflag:s22] =	ssyncadd.s32 s5;
	_ =	sdelay $0x1  }
0xa7: {  	s23 =	simm.s32 $0x1B8B  }
0xa8: {  	_ =	swait.ge [sflag:s23], $0x1  }
0xa9: {  	[sflag:s23] =	ssyncset.done $0x0  }
0xaa: {  	s25 =	simm.s32 $0x1B8E;
	s24 =	sld [smem:$0x3FFE];
	[sflag:s23] =	ssyncadd.s32 $0xFFFFFFFF  }
0xab: {  	s26 =	simm.s32 $execute0_lowered;
	[smem:$0x3FD2] =	sst s25  }
0xac: {  	s6 =	sshll.u32 s26, $0x1;
	_ =	strace $0x8000004C;
	[dreg:$0x1] =	wrdreg $0xFFFFFFFF  }
0xad: {  	s28 =	simm.s32 $_size_execute0_lowered;
	s4 =	sadd.s32 s4, s6;
	[dreg:$0x0] =	wrdreg $0x0  }
0xae: {  	s6 =	sshll.u32 s28, $0x1;
	[dreg:$0x2] =	wrdreg s4  }
0xaf: {  	[dreg:$0x3] =	wrdreg s6  }
0xb0: {  	[dreg:$0x4] =	wrdreg $0xC0  }
0xb1: {  	_ =	task [dreg:s8], $0x5FFFF  }
0xb2: {  	[dreg:$0x1] =	wrdreg $0xFFFFFFFF  }
0xb3: {  	[dreg:$0x0] =	wrdreg $0x60  }
0xb4: {  	[dreg:$0x2] =	wrdreg s16  }
0xb5: {  	[dreg:$0x3] =	wrdreg s24  }
0xb6: {  	[dreg:$0x4] =	wrdreg s17  }
0xb7: {  	[dreg:$0x5] =	wrdreg $0x85800  }
0xb8: {  	[dreg:$0x6] =	wrdreg $0x9  }
0xb9: {  	_ =	task.clear_ibuf [dreg:s8], $0x7FFFF;
	_ =	strace $0x9000004C  }
0xba: {  	s29 =	simm.s32 $0x9;
	_ =	strace $0x8000004E  }
0xbb: {  	_ =	swait.ge [sflag:s29], $0x1  }
0xbc: {  	[sflag:s29] =	ssyncadd.s32 $0xFFFFFFFF  }
0xbd: {  	_ =	strace $0x9000004E  }
0xbe: {  	_ =	sfence  }
0xbf: {  	s30 =	sld [smem:$0x0];
	_ =	sdelay $0x2  }
0xc0: {  	s31 =	sshll.u32 s1, $0xD;
	s1 =	sshrl.u32 s1, $0x2  }
0xc1: {  	s3 =	sand.u32 $0x4000, s31;
	s1 =	sadd.s32 s1, s30  }
0xc2: {  	s0 =	sor.u32 s3, s0;
	s1 =	sshll.u32 s1, $0x11  }
0xc3: {  	s0 =	sor.u32 s1, s0  }
0xc4: {  	s0 =	sadd.s32 $0x8F2B, s0  }
0xc5: {  	[sflag:s0] =	ssyncadd.remote.s32 $0x1  }
0xc6: {  	_ =	sfence.sel $0xFFFF  }
0xc7: {  	[dreg:$0x0] =	wrdreg $0xFFFFFFFF;
	(pc) =	sbr.abs _section_cstart, $3  }
0xc8: {  	[dreg:$0x1] =	wrdreg $0xFFFFFFFF  }
0xc9: {  	_ =	task.clear_ibuf [dreg:s8], $0x2FFFF;
	_ =	strace $0x9FFFFFFF  }
0xca: {  	(tm) =	ssettm $0x7FFFFFFF  }
0xcb: {  	_ =	shalt  }
tec
execute0_lowered:
.L_overlay_start_1:
0x0: {  	(tag) =	ssettag $0x1  }
0x1: {  	s0 =	rddreg [dreg:$0x1]  }
0x2: {  	s4 =	rddreg [dreg:$0x3];
	s2 =	srdreg.scid  }
0x3: {  	s10 =	stileid.u32;
	s5 =	simm.s32 $0x0;
	s2 =	sand.u32 $0x1, s2  }
0x4: {  	s3 =	smul.u32 $0x28000, s10;
	[smem:$0x7FF] =	sst s5;
	s6 =	sadd.s32 $0x45E00, s0  }
0x5: {  	s7 =	sadd.s32 $0x200, s0;
	s13 =	smul.u32 $0x50000, s10;
	s12 =	sshll.u32 s2, $0x7  }
0x6: {  	s8 =	sadd.s32 $0xA200, s0;
	s14 =	ssub.s32 $0x2, s2;
	s3 =	sor.u32 s12, s3  }
0x7: {  	s9 =	sshrl.u32 s14, $0x1;
	s5 =	sshrl.u32 s13, $0x2;
	s3 =	sshrl.u32 s3, $0x3  }
0x8: {  	s0 =	sadd.s32 s3, s0;
	s3 =	ssub.s32 s14, s9;
	s9 =	sadd.s32 s5, s4  }
0x9: {  	s1 =	rddreg [dreg:$0x0];
	s5 =	sadd.s32 $0xA00, s9  }
0xa: {  	_ =	strace $0x8000004D;
	s15 =	sadd.s32 $0x1400, s9;
	[dreg:$0x5] =	wrdreg s5  }
0xb: {  	s16 =	sadd.s32 $0x1E00, s9;
	[dreg:$0x6] =	wrdreg s15  }
0xc: {  	s17 =	sadd.s32 $0x2800, s9;
	[dreg:$0x7] =	wrdreg s16  }
0xd: {  	s18 =	sadd.s32 $0x3200, s9;
	[dreg:$0x8] =	wrdreg s17  }
0xe: {  	s19 =	sadd.s32 $0x3C00, s9;
	[dreg:$0x9] =	wrdreg s18  }
0xf: {  	s20 =	sadd.s32 $0x4600, s9;
	[dreg:$0xa] =	wrdreg s19  }
0x10: {  	s21 =	sadd.s32 $0x5000, s9;
	[dreg:$0xb] =	wrdreg s20  }
0x11: {  	s22 =	sadd.s32 $0x5A00, s9;
	[dreg:$0xc] =	wrdreg s21  }
0x12: {  	s23 =	sadd.s32 $0x6400, s9;
	[dreg:$0xd] =	wrdreg s22  }
0x13: {  	s24 =	sadd.s32 $0x6E00, s9;
	[dreg:$0xe] =	wrdreg s23  }
0x14: {  	s25 =	sadd.s32 $0x7800, s9;
	[dreg:$0xf] =	wrdreg s24  }
0x15: {  	s26 =	sadd.s32 $0x8200, s9;
	[dreg:$0x10] =	wrdreg s25  }
0x16: {  	s0 =	sadd.s32 $0x6D000, s0;
	[dreg:$0x11] =	wrdreg s26  }
0x17: {  	s10 =	sshll.u32 s10, $0x1;
	s3 =	smax.u32 s3, $0x1;
	[dreg:$0x12] =	wrdreg s0  }
0x18: {  	s2 =	sor.u32 s2, s10;
	s10 =	sadd.s32 $0x9600, s9;
	[dreg:$0x13] =	wrdreg s3  }
0x19: {  	s11 =	sadd.s32 $0xA000, s9;
	[dreg:$0x15] =	wrdreg s10  }
0x1a: {  	s12 =	sadd.s32 $0xAA00, s9;
	[dreg:$0x16] =	wrdreg s11  }
0x1b: {  	s13 =	sadd.s32 $0xB400, s9;
	[dreg:$0x17] =	wrdreg s12  }
0x1c: {  	s14 =	sadd.s32 $0xBE00, s9;
	[dreg:$0x18] =	wrdreg s13  }
0x1d: {  	s5 =	sadd.s32 $0x8C00, s9;
	[dreg:$0x19] =	wrdreg s14  }
0x1e: {  	s15 =	sadd.s32 $0xC800, s9;
	[dreg:$0x14] =	wrdreg s5  }
0x1f: {  	s16 =	sadd.s32 $0xD200, s9;
	[dreg:$0x1a] =	wrdreg s15  }
0x20: {  	s17 =	sadd.s32 $0xDC00, s9;
	[dreg:$0x1b] =	wrdreg s16  }
0x21: {  	s18 =	sadd.s32 $0xE600, s9;
	[dreg:$0x1c] =	wrdreg s17  }
0x22: {  	s19 =	sadd.s32 $0xF000, s9;
	[dreg:$0x1d] =	wrdreg s18  }
0x23: {  	s20 =	sadd.s32 $0xFA00, s9;
	[dreg:$0x1e] =	wrdreg s19  }
0x24: {  	s28 =	simm.s32 $0x1;
	s21 =	sadd.s32 $0x10400, s9;
	[dreg:$0x1f] =	wrdreg s20  }
0x25: {  	s29 =	simm.s32 $0x2;
	s22 =	sadd.s32 $0x10E00, s9;
	[smem:$0x7F9] =	sst s21  }
0x26: {  	s30 =	simm.s32 $0x3;
	s24 =	sadd.s32 $0x11800, s9;
	[smem:$0x7FA] =	sst s22  }
0x27: {  	s31 =	simm.s32 $0x0;
	s25 =	sadd.s32 $0x12200, s9;
	[smem:$0x7FB] =	sst s24  }
0x28: {  	s23 =	smul.u32 $0x27B0, s2;
	s26 =	sadd.s32 $0x12C00, s9;
	[smem:$0x7FC] =	sst s25  }
0x29: {  	[smem:$0x7FD] =	sst s26;
	s18 =	sadd.s32 $0x13600, s9;
	s19 =	simm.s32 $0x4  }
0x2a: {  	s20 =	simm.s32 $0x7B00;
	s21 =	simm.s32 $0x80;
	s22 =	simm.s32 $0x50  }
0x2b: {  	v0 =	vimm.f32 $0.0e+00;
	s24 =	simm.s32 $0x100;
	s25 =	simm.s32 $0x2900;
	s26 =	simm.s32 $0x5100  }
.LBB2_1:
0x2c: {  	s0 =	rddreg [dreg:$0x2];
	s2 =	simm.s32 $0x0;
	s3 =	simm.s32 $0x7900  }
0x2d: {  	[tilespmem:s3], [sflag:$0x4] =	stream.linear.gather [hbm4b:s0+s2], $0x180, $0x38;
	[tilespmem:$0x1C580] =	vst v63  }
0x2e: {  	_ =	swait.ge [sflag:s19], $0x180  }
0x2f: {  	[sflag:s19] =	ssyncset.done $0x0  }
0x30: {  	s0 =	simm.s32 $0x40;
	s2 =	simm.s32 $0x0;
	[sflag:s19] =	ssyncadd.s32 $0xFFFFFE80  }
.LBB2_2:
0x31: {  	p0 =	sne.s32 s0, $0x27C0;
	[tilespmem:s2+$0x7B00] =	vst v0;
	s2 =	smov.u32 s0;
	s0 =	sadd.s32 $0x40, s0  }
.Ltmp0:
0x32: {  	(pc) =	sbr.rel @p0 .LBB2_2-.Ltmp0, $2  }
0x33: {  	_ =	sdelay $0x2  }
0x34: {  	s2 =	sshra.s32 s2, $0x2  }
0x35: {  	[tilespmem:s2+$0x7B00] =	vst v0  }
0x36: {  	[spmem:s9] =	stream.linear.scatter [tilespmem:s20], [sflag:$0x4], $0xA00, $0x38;
	[tilespmem:$0x1C580] =	vst v63  }
0x37: {  	_ =	swait.ge [sflag:s19], $0xA00  }
0x38: {  	[sflag:s19] =	ssyncset.done $0x0  }
0x39: {  	s0 =	rddreg [dreg:$0x5];
	[sflag:s19] =	ssyncadd.s32 $0xFFFFF600  }
0x3a: {  	[spmem:s0] =	stream.linear.scatter [tilespmem:s20], [sflag:$0x4], $0xA00, $0x38;
	[tilespmem:$0x1C580] =	vst v63  }
0x3b: {  	_ =	swait.ge [sflag:s19], $0xA00  }
0x3c: {  	[sflag:s19] =	ssyncset.done $0x0  }
0x3d: {  	s11 =	rddreg [dreg:$0x6];
	[sflag:s19] =	ssyncadd.s32 $0xFFFFF600  }
0x3e: {  	[spmem:s11] =	stream.linear.scatter [tilespmem:s20], [sflag:$0x4], $0xA00, $0x38;
	[tilespmem:$0x1C580] =	vst v63  }
0x3f: {  	_ =	swait.ge [sflag:s19], $0xA00  }
0x40: {  	[sflag:s19] =	ssyncset.done $0x0  }
0x41: {  	s12 =	rddreg [dreg:$0x7];
	[sflag:s19] =	ssyncadd.s32 $0xFFFFF600  }
0x42: {  	[spmem:s12] =	stream.linear.scatter [tilespmem:s20], [sflag:$0x4], $0xA00, $0x38;
	[tilespmem:$0x1C580] =	vst v63  }
0x43: {  	_ =	swait.ge [sflag:s19], $0xA00  }
0x44: {  	[sflag:s19] =	ssyncset.done $0x0  }
0x45: {  	s13 =	rddreg [dreg:$0x8];
	[sflag:s19] =	ssyncadd.s32 $0xFFFFF600  }
0x46: {  	[spmem:s13] =	stream.linear.scatter [tilespmem:s20], [sflag:$0x4], $0xA00, $0x38;
	[tilespmem:$0x1C580] =	vst v63  }
0x47: {  	_ =	swait.ge [sflag:s19], $0xA00  }
0x48: {  	[sflag:s19] =	ssyncset.done $0x0  }
0x49: {  	s14 =	rddreg [dreg:$0x9];
	[sflag:s19] =	ssyncadd.s32 $0xFFFFF600  }
0x4a: {  	[spmem:s14] =	stream.linear.scatter [tilespmem:s20], [sflag:$0x4], $0xA00, $0x38;
	[tilespmem:$0x1C580] =	vst v63  }
0x4b: {  	_ =	swait.ge [sflag:s19], $0xA00  }
0x4c: {  	[sflag:s19] =	ssyncset.done $0x0  }
0x4d: {  	s15 =	rddreg [dreg:$0xa];
	[sflag:s19] =	ssyncadd.s32 $0xFFFFF600  }
0x4e: {  	[spmem:s15] =	stream.linear.scatter [tilespmem:s20], [sflag:$0x4], $0xA00, $0x38;
	[tilespmem:$0x1C580] =	vst v63  }
0x4f: {  	_ =	swait.ge [sflag:s19], $0xA00  }
0x50: {  	[sflag:s19] =	ssyncset.done $0x0  }
0x51: {  	s16 =	rddreg [dreg:$0xb];
	[sflag:s19] =	ssyncadd.s32 $0xFFFFF600  }
0x52: {  	[spmem:s16] =	stream.linear.scatter [tilespmem:s20], [sflag:$0x4], $0xA00, $0x38;
	[tilespmem:$0x1C580] =	vst v63  }
0x53: {  	_ =	swait.ge [sflag:s19], $0xA00  }
0x54: {  	[sflag:s19] =	ssyncset.done $0x0  }
0x55: {  	s17 =	rddreg [dreg:$0xc];
	[sflag:s19] =	ssyncadd.s32 $0xFFFFF600  }
0x56: {  	[spmem:s17] =	stream.linear.scatter [tilespmem:s20], [sflag:$0x4], $0xA00, $0x38;
	[tilespmem:$0x1C580] =	vst v63  }
0x57: {  	_ =	swait.ge [sflag:s19], $0xA00  }
0x58: {  	[sflag:s19] =	ssyncset.done $0x0  }
0x59: {  	s2 =	rddreg [dreg:$0xd];
	[sflag:s19] =	ssyncadd.s32 $0xFFFFF600  }
0x5a: {  	[spmem:s2] =	stream.linear.scatter [tilespmem:s20], [sflag:$0x4], $0xA00, $0x38;
	[tilespmem:$0x1C580] =	vst v63  }
0x5b: {  	_ =	swait.ge [sflag:s19], $0xA00  }
0x5c: {  	[sflag:s19] =	ssyncset.done $0x0  }
0x5d: {  	s3 =	rddreg [dreg:$0xe];
	[sflag:s19] =	ssyncadd.s32 $0xFFFFF600  }
0x5e: {  	[spmem:s3] =	stream.linear.scatter [tilespmem:s20], [sflag:$0x4], $0xA00, $0x38;
	[tilespmem:$0x1C580] =	vst v63  }
0x5f: {  	_ =	swait.ge [sflag:s19], $0xA00  }
0x60: {  	[sflag:s19] =	ssyncset.done $0x0  }
0x61: {  	s5 =	rddreg [dreg:$0xf];
	[sflag:s19] =	ssyncadd.s32 $0xFFFFF600  }
0x62: {  	[spmem:s5] =	stream.linear.scatter [tilespmem:s20], [sflag:$0x4], $0xA00, $0x38;
	[tilespmem:$0x1C580] =	vst v63  }
0x63: {  	_ =	swait.ge [sflag:s19], $0xA00  }
0x64: {  	[sflag:s19] =	ssyncset.done $0x0  }
0x65: {  	s10 =	rddreg [dreg:$0x10];
	[sflag:s19] =	ssyncadd.s32 $0xFFFFF600  }
0x66: {  	[spmem:s10] =	stream.linear.scatter [tilespmem:s20], [sflag:$0x4], $0xA00, $0x38;
	[tilespmem:$0x1C580] =	vst v63  }
0x67: {  	_ =	swait.ge [sflag:s19], $0xA00  }
0x68: {  	[sflag:s19] =	ssyncset.done $0x0  }
0x69: {  	s11 =	rddreg [dreg:$0x11];
	[sflag:s19] =	ssyncadd.s32 $0xFFFFF600  }
0x6a: {  	[spmem:s11] =	stream.linear.scatter [tilespmem:s20], [sflag:$0x4], $0xA00, $0x38;
	[tilespmem:$0x1C580] =	vst v63  }
0x6b: {  	_ =	swait.ge [sflag:s19], $0xA00  }
0x6c: {  	[sflag:s19] =	ssyncset.done $0x0  }
0x6d: {  	s12 =	rddreg [dreg:$0x14];
	[sflag:s19] =	ssyncadd.s32 $0xFFFFF600  }
0x6e: {  	[spmem:s12] =	stream.linear.scatter [tilespmem:s20], [sflag:$0x4], $0xA00, $0x38;
	[tilespmem:$0x1C580] =	vst v63  }
0x6f: {  	_ =	swait.ge [sflag:s19], $0xA00  }
0x70: {  	[sflag:s19] =	ssyncset.done $0x0  }
0x71: {  	s13 =	rddreg [dreg:$0x15];
	[sflag:s19] =	ssyncadd.s32 $0xFFFFF600  }
0x72: {  	[spmem:s13] =	stream.linear.scatter [tilespmem:s20], [sflag:$0x4], $0xA00, $0x38;
	[tilespmem:$0x1C580] =	vst v63  }
0x73: {  	_ =	swait.ge [sflag:s19], $0xA00  }
0x74: {  	[sflag:s19] =	ssyncset.done $0x0  }
0x75: {  	s14 =	rddreg [dreg:$0x16];
	[sflag:s19] =	ssyncadd.s32 $0xFFFFF600  }
0x76: {  	[spmem:s14] =	stream.linear.scatter [tilespmem:s20], [sflag:$0x4], $0xA00, $0x38;
	[tilespmem:$0x1C580] =	vst v63  }
0x77: {  	_ =	swait.ge [sflag:s19], $0xA00  }
0x78: {  	[sflag:s19] =	ssyncset.done $0x0  }
0x79: {  	s15 =	rddreg [dreg:$0x17];
	[sflag:s19] =	ssyncadd.s32 $0xFFFFF600  }
0x7a: {  	[spmem:s15] =	stream.linear.scatter [tilespmem:s20], [sflag:$0x4], $0xA00, $0x38;
	[tilespmem:$0x1C580] =	vst v63  }
0x7b: {  	_ =	swait.ge [sflag:s19], $0xA00  }
0x7c: {  	[sflag:s19] =	ssyncset.done $0x0  }
0x7d: {  	s16 =	rddreg [dreg:$0x18];
	[sflag:s19] =	ssyncadd.s32 $0xFFFFF600  }
0x7e: {  	[spmem:s16] =	stream.linear.scatter [tilespmem:s20], [sflag:$0x4], $0xA00, $0x38;
	[tilespmem:$0x1C580] =	vst v63  }
0x7f: {  	_ =	swait.ge [sflag:s19], $0xA00  }
0x80: {  	[sflag:s19] =	ssyncset.done $0x0  }
0x81: {  	s17 =	rddreg [dreg:$0x19];
	[sflag:s19] =	ssyncadd.s32 $0xFFFFF600  }
0x82: {  	[spmem:s17] =	stream.linear.scatter [tilespmem:s20], [sflag:$0x4], $0xA00, $0x38;
	[tilespmem:$0x1C580] =	vst v63  }
0x83: {  	_ =	swait.ge [sflag:s19], $0xA00  }
0x84: {  	[sflag:s19] =	ssyncset.done $0x0  }
0x85: {  	s2 =	rddreg [dreg:$0x1a];
	[sflag:s19] =	ssyncadd.s32 $0xFFFFF600  }
0x86: {  	[spmem:s2] =	stream.linear.scatter [tilespmem:s20], [sflag:$0x4], $0xA00, $0x38;
	[tilespmem:$0x1C580] =	vst v63  }
0x87: {  	_ =	swait.ge [sflag:s19], $0xA00  }
0x88: {  	[sflag:s19] =	ssyncset.done $0x0  }
0x89: {  	s3 =	rddreg [dreg:$0x1b];
	[sflag:s19] =	ssyncadd.s32 $0xFFFFF600  }
0x8a: {  	[spmem:s3] =	stream.linear.scatter [tilespmem:s20], [sflag:$0x4], $0xA00, $0x38;
	[tilespmem:$0x1C580] =	vst v63  }
0x8b: {  	_ =	swait.ge [sflag:s19], $0xA00  }
0x8c: {  	[sflag:s19] =	ssyncset.done $0x0  }
0x8d: {  	s5 =	rddreg [dreg:$0x1c];
	[sflag:s19] =	ssyncadd.s32 $0xFFFFF600  }
0x8e: {  	[spmem:s5] =	stream.linear.scatter [tilespmem:s20], [sflag:$0x4], $0xA00, $0x38;
	[tilespmem:$0x1C580] =	vst v63  }
0x8f: {  	_ =	swait.ge [sflag:s19], $0xA00  }
0x90: {  	[sflag:s19] =	ssyncset.done $0x0  }
0x91: {  	s10 =	rddreg [dreg:$0x1d];
	[sflag:s19] =	ssyncadd.s32 $0xFFFFF600  }
0x92: {  	[spmem:s10] =	stream.linear.scatter [tilespmem:s20], [sflag:$0x4], $0xA00, $0x38;
	[tilespmem:$0x1C580] =	vst v63  }
0x93: {  	_ =	swait.ge [sflag:s19], $0xA00  }
0x94: {  	[sflag:s19] =	ssyncset.done $0x0  }
0x95: {  	s11 =	rddreg [dreg:$0x1e];
	[sflag:s19] =	ssyncadd.s32 $0xFFFFF600  }
0x96: {  	[spmem:s11] =	stream.linear.scatter [tilespmem:s20], [sflag:$0x4], $0xA00, $0x38;
	[tilespmem:$0x1C580] =	vst v63  }
0x97: {  	_ =	swait.ge [sflag:s19], $0xA00  }
0x98: {  	[sflag:s19] =	ssyncset.done $0x0  }
0x99: {  	s12 =	rddreg [dreg:$0x1f];
	[sflag:s19] =	ssyncadd.s32 $0xFFFFF600  }
0x9a: {  	[spmem:s12] =	stream.linear.scatter [tilespmem:s20], [sflag:$0x4], $0xA00, $0x38;
	[tilespmem:$0x1C580] =	vst v63  }
0x9b: {  	_ =	swait.ge [sflag:s19], $0xA00  }
0x9c: {  	s13 =	sld [smem:$0x7F9]  }
0x9d: {  	[sflag:s19] =	ssyncset.done $0x0  }
0x9e: {  	[sflag:s19] =	ssyncadd.s32 $0xFFFFF600  }
0x9f: {  	[spmem:s13] =	stream.linear.scatter [tilespmem:s20], [sflag:$0x4], $0xA00, $0x38;
	[tilespmem:$0x1C580] =	vst v63  }
0xa0: {  	_ =	swait.ge [sflag:s19], $0xA00  }
0xa1: {  	s14 =	sld [smem:$0x7FA]  }
0xa2: {  	[sflag:s19] =	ssyncset.done $0x0  }
0xa3: {  	[sflag:s19] =	ssyncadd.s32 $0xFFFFF600  }
0xa4: {  	[spmem:s14] =	stream.linear.scatter [tilespmem:s20], [sflag:$0x4], $0xA00, $0x38;
	[tilespmem:$0x1C580] =	vst v63  }
0xa5: {  	_ =	swait.ge [sflag:s19], $0xA00  }
0xa6: {  	s15 =	sld [smem:$0x7FB]  }
0xa7: {  	[sflag:s19] =	ssyncset.done $0x0  }
0xa8: {  	[sflag:s19] =	ssyncadd.s32 $0xFFFFF600  }
0xa9: {  	[spmem:s15] =	stream.linear.scatter [tilespmem:s20], [sflag:$0x4], $0xA00, $0x38;
	[tilespmem:$0x1C580] =	vst v63  }
0xaa: {  	_ =	swait.ge [sflag:s19], $0xA00  }
0xab: {  	s16 =	sld [smem:$0x7FC]  }
0xac: {  	[sflag:s19] =	ssyncset.done $0x0  }
0xad: {  	[sflag:s19] =	ssyncadd.s32 $0xFFFFF600  }
0xae: {  	[spmem:s16] =	stream.linear.scatter [tilespmem:s20], [sflag:$0x4], $0xA00, $0x38;
	[tilespmem:$0x1C580] =	vst v63  }
0xaf: {  	_ =	swait.ge [sflag:s19], $0xA00  }
0xb0: {  	s17 =	sld [smem:$0x7FD]  }
0xb1: {  	[sflag:s19] =	ssyncset.done $0x0  }
0xb2: {  	[sflag:s19] =	ssyncadd.s32 $0xFFFFF600  }
0xb3: {  	[spmem:s17] =	stream.linear.scatter [tilespmem:s20], [sflag:$0x4], $0xA00, $0x38;
	[tilespmem:$0x1C580] =	vst v63  }
0xb4: {  	_ =	swait.ge [sflag:s19], $0xA00  }
0xb5: {  	[sflag:s19] =	ssyncset.done $0x0  }
0xb6: {  	[sflag:s19] =	ssyncadd.s32 $0xFFFFF600  }
0xb7: {  	[spmem:s18] =	stream.linear.scatter [tilespmem:s20], [sflag:$0x4], $0xA00, $0x38;
	[tilespmem:$0x1C580] =	vst v63  }
0xb8: {  	_ =	swait.ge [sflag:s19], $0xA00  }
0xb9: {  	[sflag:s19] =	ssyncset.done $0x0  }
0xba: {  	[sflag:s19] =	ssyncadd.s32 $0xFFFFF600  }
0xbb: {  	[bflag:$0x0] =	sbarrier.arrive $0xFFFF  }
0xbc: {  	v1 =	vld [tilespmem:$0x7900]  }
0xbd: {  	v2 =	vld [tilespmem:$0x7980]  }
0xbe: {  	v3 =	vld [tilespmem:$0x7A00]  }
0xbf: {  	v4 =	vld [tilespmem:$0x7910]  }
0xc0: {  	v5 =	vld [tilespmem:$0x7990]  }
0xc1: {  	v6 =	vld [tilespmem:$0x7A10]  }
0xc2: {  	v7 =	vld [tilespmem:$0x7920]  }
0xc3: {  	v8 =	vld [tilespmem:$0x79A0]  }
0xc4: {  	v9 =	vld [tilespmem:$0x7A20]  }
0xc5: {  	v10 =	vld [tilespmem:$0x7930]  }
0xc6: {  	v11 =	vld [tilespmem:$0x79B0]  }
0xc7: {  	v12 =	vld [tilespmem:$0x7A30]  }
0xc8: {  	v13 =	vld [tilespmem:$0x7940]  }
0xc9: {  	v14 =	vld [tilespmem:$0x79C0]  }
0xca: {  	v15 =	vld [tilespmem:$0x7A40]  }
0xcb: {  	v16 =	vld [tilespmem:$0x7950]  }
0xcc: {  	v17 =	vld [tilespmem:$0x79D0]  }
0xcd: {  	v18 =	vld [tilespmem:$0x7A50]  }
0xce: {  	v19 =	vld [tilespmem:$0x7960]  }
0xcf: {  	v20 =	vld [tilespmem:$0x79E0]  }
0xd0: {  	v21 =	vld [tilespmem:$0x7A60]  }
0xd1: {  	v27 =	vimm.f32 $0.0e+00;
	v25 =	vimm.f32 $0.0e+00;
	v22 =	vld [tilespmem:$0x7970]  }
0xd2: {  	v28 =	vimm.f32 $0.0e+00;
	v30 =	vimm.f32 $0.0e+00;
	v32 =	vimm.f32 $0.0e+00;
	v23 =	vld [tilespmem:$0x79F0]  }
0xd3: {  	v29 =	vimm.f32 $0.0e+00;
	v31 =	vimm.f32 $0.0e+00;
	v26 =	vimm.f32 $0.0e+00;
	s0 =	simm.s32 $0x0;
	s3 =	simm.s32 $0x0;
	s10 =	simm.s32 $0xFFFFFFFF;
	v24 =	vld [tilespmem:$0x7A70]  }
.LBB2_4:
0xd4: {  	s2 =	smul.u32 $0x50, s3;
	_ =	sdelay $0x1  }
0xd5: {  	s2 =	sadd.s32 s23, s2  }
0xd6: {  	s2 =	sshrl.u32 s2, $0x3  }
0xd7: {  	s5 =	sadd.s32 s7, s2  }
0xd8: {  	[tilespmem:s0], [sflag:$0x4] =	stream.linear.gather [hbm4b:s5+s0], $0x50, $0x38;
	[tilespmem:$0x1C580] =	vst v63  }
0xd9: {  	_ =	swait.ge [sflag:s19], $0x50  }
0xda: {  	[sflag:s19] =	ssyncset.done $0x0  }
0xdb: {  	s2 =	sadd.s32 s8, s2;
	[sflag:s19] =	ssyncadd.s32 $0xFFFFFFB0  }
0xdc: {  	[tilespmem:s21], [sflag:$0x4] =	stream.linear.gather [hbm4b:s2+s0], $0x50, $0x38;
	[tilespmem:$0x1C580] =	vst v63  }
0xdd: {  	_ =	swait.ge [sflag:s19], $0x50  }
0xde: {  	[sflag:s19] =	ssyncset.done $0x0  }
0xdf: {  	[sflag:s19] =	ssyncadd.s32 $0xFFFFFFB0  }
0xe0: {  	[tilespmem:s24], [sflag:$0x1] =	stream.indirect.gather [hbm4b:s1+s22], $0x80, s0, s22, $0xb8;
	[tilespmem:$0x1C580] =	vst v63  }
0xe1: {  	_ = 	snop  }
0xe2: {  	[tilespmem:s25], [sflag:$0x2] =	stream.indirect.gather [hbm4b:s6+s22], $0x80, s0, s22, $0xb8;
	[tilespmem:$0x1C580] =	vst v63  }
0xe3: {  	_ = 	snop  }
0xe4: {  	[tilespmem:s26], [sflag:$0x3] =	stream.indirect.gather [hbm4b:s6+s22], $0x80, s21, s22, $0xb8;
	[tilespmem:$0x1C580] =	vst v63  }
0xe5: {  	_ =	swait.ge [sflag:s28], $0x2800  }
0xe6: {  	[sflag:s28] =	ssyncset.done $0x0  }
0xe7: {  	[sflag:s28] =	ssyncadd.s32 $0xFFFFD800  }
0xe8: {  	_ =	swait.ge [sflag:s29], $0x2800  }
0xe9: {  	[sflag:s29] =	ssyncset.done $0x0  }
0xea: {  	[sflag:s29] =	ssyncadd.s32 $0xFFFFD800  }
0xeb: {  	_ =	swait.ge [sflag:s30], $0x2800  }
0xec: {  	[sflag:s30] =	ssyncset.done $0x0  }
0xed: {  	[sflag:s30] =	ssyncadd.s32 $0xFFFFD800  }
0xee: {  	v33 =	vld [tilespmem:$0x80];
	_ =	sdelay $0x4  }
0xef: {  	(v2sf) =	vpush v33, $0x0  }
0xf0: {  	(v2sf) =	vpush v33, $0x1  }
0xf1: {  	(v2sf) =	vpush v33, $0x2  }
0xf2: {  	(v2sf) =	vpush v33, $0x3  }
0xf3: {  	(v2sf) =	vpush v33, $0x4  }
0xf4: {  	(v2sf) =	vpush v33, $0x5  }
0xf5: {  	(v2sf) =	vpush v33, $0x6  }
0xf6: {  	(v2sf) =	vpush v33, $0x7  }
0xf7: {  	(v2sf) =	vpush v33, $0x8  }
0xf8: {  	(v2sf) =	vpush v33, $0x9  }
0xf9: {  	(v2sf) =	vpush v33, $0xA  }
0xfa: {  	v34 =	vld [tilespmem:$0x90];
	(v2sf) =	vpush v33, $0xB  }
0xfb: {  	(v2sf) =	vpush v33, $0xC  }
0xfc: {  	(v2sf) =	vpush v33, $0xD  }
0xfd: {  	(v2sf) =	vpush v33, $0xE  }
0xfe: {  	s15 =	spop (v2sf);
	(v2sf) =	vpush v33, $0xF  }
0xff: {  	[smem:$0x0] =	sst s15;
	s16 =	spop (v2sf);
	(v2sf) =	vpush v34, $0x0  }
0x100: {  	[smem:$0x1] =	sst s16;
	s17 =	spop (v2sf);
	(v2sf) =	vpush v34, $0x1  }
0x101: {  	[smem:$0x2] =	sst s17;
	s5 =	spop (v2sf);
	(v2sf) =	vpush v34, $0x2  }
0x102: {  	[smem:$0x3] =	sst s5;
	s11 =	spop (v2sf);
	(v2sf) =	vpush v34, $0x3  }
0x103: {  	[smem:$0x4] =	sst s11;
	s12 =	spop (v2sf);
	(v2sf) =	vpush v34, $0x4  }
0x104: {  	[smem:$0x5] =	sst s12;
	s13 =	spop (v2sf);
	(v2sf) =	vpush v34, $0x5  }
0x105: {  	[smem:$0x6] =	sst s13;
	s14 =	spop (v2sf);
	(v2sf) =	vpush v34, $0x6  }
0x106: {  	[smem:$0x7] =	sst s14;
	s15 =	spop (v2sf);
	(v2sf) =	vpush v34, $0x7  }
0x107: {  	[smem:$0x8] =	sst s15;
	s16 =	spop (v2sf);
	(v2sf) =	vpush v34, $0x8  }
0x108: {  	[smem:$0x9] =	sst s16;
	s17 =	spop (v2sf);
	(v2sf) =	vpush v34, $0x9  }
0x109: {  	[smem:$0xA] =	sst s17;
	s5 =	spop (v2sf);
	(v2sf) =	vpush v34, $0xA  }
0x10a: {  	v53 =	vld [tilespmem:$0xA0];
	[smem:$0xB] =	sst s5;
	s11 =	spop (v2sf);
	(v2sf) =	vpush v34, $0xB  }
0x10b: {  	[smem:$0xC] =	sst s11;
	s12 =	spop (v2sf);
	(v2sf) =	vpush v34, $0xC  }
0x10c: {  	[smem:$0xD] =	sst s12;
	s13 =	spop (v2sf);
	(v2sf) =	vpush v34, $0xD  }
0x10d: {  	[smem:$0xE] =	sst s13;
	s14 =	spop (v2sf);
	(v2sf) =	vpush v34, $0xE  }
0x10e: {  	[smem:$0xF] =	sst s14;
	s15 =	spop (v2sf);
	(v2sf) =	vpush v34, $0xF  }
0x10f: {  	[smem:$0x10] =	sst s15;
	s16 =	spop (v2sf);
	(v2sf) =	vpush v53, $0x0  }
0x110: {  	[smem:$0x11] =	sst s16;
	s17 =	spop (v2sf);
	(v2sf) =	vpush v53, $0x1  }
0x111: {  	[smem:$0x12] =	sst s17;
	s5 =	spop (v2sf);
	(v2sf) =	vpush v53, $0x2  }
0x112: {  	[smem:$0x13] =	sst s5;
	s11 =	spop (v2sf);
	(v2sf) =	vpush v53, $0x3  }
0x113: {  	[smem:$0x14] =	sst s11;
	s12 =	spop (v2sf);
	(v2sf) =	vpush v53, $0x4  }
0x114: {  	[smem:$0x15] =	sst s12;
	s13 =	spop (v2sf);
	(v2sf) =	vpush v53, $0x5  }
0x115: {  	[smem:$0x16] =	sst s13;
	s14 =	spop (v2sf);
	(v2sf) =	vpush v53, $0x6  }
0x116: {  	[smem:$0x17] =	sst s14;
	s15 =	spop (v2sf);
	(v2sf) =	vpush v53, $0x7  }
0x117: {  	[smem:$0x18] =	sst s15;
	s16 =	spop (v2sf);
	(v2sf) =	vpush v53, $0x8  }
0x118: {  	[smem:$0x19] =	sst s16;
	s17 =	spop (v2sf);
	(v2sf) =	vpush v53, $0x9  }
0x119: {  	[smem:$0x1A] =	sst s17;
	s5 =	spop (v2sf);
	(v2sf) =	vpush v53, $0xA  }
0x11a: {  	v54 =	vld [tilespmem:$0xB0];
	[smem:$0x1B] =	sst s5;
	s11 =	spop (v2sf);
	(v2sf) =	vpush v53, $0xB  }
0x11b: {  	[smem:$0x1C] =	sst s11;
	s12 =	spop (v2sf);
	(v2sf) =	vpush v53, $0xC  }
0x11c: {  	[smem:$0x1D] =	sst s12;
	s13 =	spop (v2sf);
	(v2sf) =	vpush v53, $0xD  }
0x11d: {  	[smem:$0x1E] =	sst s13;
	s14 =	spop (v2sf);
	(v2sf) =	vpush v53, $0xE  }
0x11e: {  	[smem:$0x1F] =	sst s14;
	s15 =	spop (v2sf);
	(v2sf) =	vpush v53, $0xF  }
0x11f: {  	[smem:$0x20] =	sst s15;
	s16 =	spop (v2sf);
	(v2sf) =	vpush v54, $0x0  }
0x120: {  	[smem:$0x21] =	sst s16;
	s17 =	spop (v2sf);
	(v2sf) =	vpush v54, $0x1  }
0x121: {  	[smem:$0x22] =	sst s17;
	s5 =	spop (v2sf);
	(v2sf) =	vpush v54, $0x2  }
0x122: {  	[smem:$0x23] =	sst s5;
	s11 =	spop (v2sf);
	(v2sf) =	vpush v54, $0x3  }
0x123: {  	[smem:$0x24] =	sst s11;
	s12 =	spop (v2sf);
	(v2sf) =	vpush v54, $0x4  }
0x124: {  	[smem:$0x25] =	sst s12;
	s13 =	spop (v2sf);
	(v2sf) =	vpush v54, $0x5  }
0x125: {  	[smem:$0x26] =	sst s13;
	s14 =	spop (v2sf);
	(v2sf) =	vpush v54, $0x6  }
0x126: {  	[smem:$0x27] =	sst s14;
	s15 =	spop (v2sf);
	(v2sf) =	vpush v54, $0x7  }
0x127: {  	[smem:$0x28] =	sst s15;
	s16 =	spop (v2sf);
	(v2sf) =	vpush v54, $0x8  }
0x128: {  	[smem:$0x29] =	sst s16;
	s17 =	spop (v2sf);
	(v2sf) =	vpush v54, $0x9  }
0x129: {  	[smem:$0x2A] =	sst s17;
	s5 =	spop (v2sf);
	(v2sf) =	vpush v54, $0xA  }
0x12a: {  	v55 =	vld [tilespmem:$0xC0];
	[smem:$0x2B] =	sst s5;
	s11 =	spop (v2sf);
	(v2sf) =	vpush v54, $0xB  }
0x12b: {  	[smem:$0x2C] =	sst s11;
	s12 =	spop (v2sf);
	(v2sf) =	vpush v54, $0xC  }
0x12c: {  	[smem:$0x2D] =	sst s12;
	s13 =	spop (v2sf);
	(v2sf) =	vpush v54, $0xD  }
0x12d: {  	[smem:$0x2E] =	sst s13;
	s14 =	spop (v2sf);
	(v2sf) =	vpush v54, $0xE  }
0x12e: {  	[smem:$0x2F] =	sst s14;
	s15 =	spop (v2sf);
	(v2sf) =	vpush v54, $0xF  }
0x12f: {  	[smem:$0x30] =	sst s15;
	s16 =	spop (v2sf);
	(v2sf) =	vpush v55, $0x0  }
0x130: {  	[smem:$0x31] =	sst s16;
	s17 =	spop (v2sf);
	(v2sf) =	vpush v55, $0x1  }
0x131: {  	[smem:$0x32] =	sst s17;
	s5 =	spop (v2sf);
	(v2sf) =	vpush v55, $0x2  }
0x132: {  	[smem:$0x33] =	sst s5;
	s11 =	spop (v2sf);
	(v2sf) =	vpush v55, $0x3  }
0x133: {  	[smem:$0x34] =	sst s11;
	s12 =	spop (v2sf);
	(v2sf) =	vpush v55, $0x4  }
0x134: {  	[smem:$0x35] =	sst s12;
	s13 =	spop (v2sf);
	(v2sf) =	vpush v55, $0x5  }
0x135: {  	[smem:$0x36] =	sst s13;
	s14 =	spop (v2sf);
	(v2sf) =	vpush v55, $0x6  }
0x136: {  	[smem:$0x37] =	sst s14;
	s15 =	spop (v2sf);
	(v2sf) =	vpush v55, $0x7  }
0x137: {  	[smem:$0x38] =	sst s15;
	s16 =	spop (v2sf);
	(v2sf) =	vpush v55, $0x8  }
0x138: {  	[smem:$0x39] =	sst s16;
	s17 =	spop (v2sf);
	(v2sf) =	vpush v55, $0x9  }
0x139: {  	[smem:$0x3A] =	sst s17;
	s5 =	spop (v2sf);
	(v2sf) =	vpush v55, $0xA  }
0x13a: {  	[smem:$0x3B] =	sst s5;
	s11 =	spop (v2sf)  }
0x13b: {  	(v2sf) =	vpush v55, $0xB;
	[smem:$0x3C] =	sst s11;
	s12 =	spop (v2sf)  }
0x13c: {  	(v2sf) =	vpush v55, $0xC;
	[smem:$0x3D] =	sst s12;
	s13 =	spop (v2sf)  }
0x13d: {  	(v2sf) =	vpush v55, $0xD;
	[smem:$0x3E] =	sst s13;
	s14 =	spop (v2sf)  }
0x13e: {  	(v2sf) =	vpush v55, $0xE;
	[smem:$0x3F] =	sst s14;
	s15 =	spop (v2sf)  }
0x13f: {  	(v2sf) =	vpush v55, $0xF;
	s16 =	spop (v2sf);
	[smem:$0x40] =	sst s15  }
0x140: {  	s17 =	spop (v2sf);
	[smem:$0x41] =	sst s16  }
0x141: {  	s11 =	spop (v2sf);
	[smem:$0x42] =	sst s17  }
0x142: {  	s12 =	spop (v2sf);
	[smem:$0x43] =	sst s11  }
0x143: {  	s13 =	spop (v2sf);
	[smem:$0x44] =	sst s12  }
0x144: {  	s14 =	spop (v2sf);
	[smem:$0x45] =	sst s13  }
0x145: {  	s15 =	spop (v2sf);
	[smem:$0x46] =	sst s14  }
0x146: {  	s16 =	spop (v2sf);
	[smem:$0x47] =	sst s15  }
0x147: {  	s17 =	spop (v2sf);
	[smem:$0x48] =	sst s16  }
0x148: {  	s11 =	spop (v2sf);
	[smem:$0x49] =	sst s17  }
0x149: {  	[smem:$0x4A] =	sst s11;
	s11 =	simm.s32 $0x0  }
0x14a: {  	s12 =	spop (v2sf);
	v56 =	vld [tilespmem:s11+$0x5100]  }
0x14b: {  	s13 =	spop (v2sf);
	[smem:$0x4B] =	sst s12;
	v57 =	vld [tilespmem:s11+$0x2900]  }
0x14c: {  	s14 =	spop (v2sf);
	[smem:$0x4C] =	sst s13  }
0x14d: {  	s15 =	spop (v2sf);
	[smem:$0x4D] =	sst s14  }
0x14e: {  	[smem:$0x4E] =	sst s15;
	s16 =	spop (v2sf)  }
0x14f: {  	[smem:$0x4F] =	sst s16  }
0x150: {  	s2 =	sld [smem:$0x0];
	v35 =	vld [tilespmem:s11+$0x140];
	v33 =	vsub.f32 v56, v57  }
0x151: {  	v34 =	vld [tilespmem:s11+$0x130]  }
0x152: {  	v36 =	vld [tilespmem:s11+$0x120];
	v37 =	vshrl.u32 v33, $0x10  }
0x153: {  	v38 =	vld [tilespmem:s11+$0x110];
	v37 =	vand.u32 $0x1, v37  }
0x154: {  	p0 =	slt.s32 s10, $0x0;
	v39 =	vld [tilespmem:s11+$0x100];
	v33 =	vadd.s32 v37, v33  }
0x155: {  	v58 =	vld [tilespmem:s11+$0x170];
	p1 =	seq.s32 @!p0 s2, s10;
	v33 =	vadd.s32 $0x7FFF, v33  }
0x156: {  	v41 =	vld [tilespmem:s11+$0x160];
	p0 =	por p1, p0;
	v33 =	vand.u32 $0xFFFF0000, v33  }
0x157: {  	v40 =	vld [tilespmem:s11+$0x150];
	[tilespmem:$0x8540] =	vst @!p0 v30;
	v42 =	vbroadcast v33, $0x0;
	v43 =	vbroadcast v33, $0x1  }
0x158: {  	[tilespmem:$0x8510] =	vst @!p0 v31;
	v44 =	vbroadcast v33, $0x2  }
0x159: {  	[tilespmem:$0x8530] =	vst @!p0 v32;
	v59 =	vmul.f32 v42, v22;
	v45 =	vmul.f32 v43, v23  }
0x15a: {  	[tilespmem:$0x8550] =	vst @!p0 v28;
	v46 =	vmul.f32 v43, v2;
	v47 =	vmul.f32 v42, v10  }
0x15b: {  	[tilespmem:$0x8560] =	vst @!p0 v25;
	v60 =	vmul.f32 v44, v24;
	v48 =	vmul.f32 v42, v1  }
0x15c: {  	s5 =	sshll.u32 @!p0 s10, $0x9;
	[tilespmem:$0x8500] =	vst @!p0 v26;
	v49 =	vmul.f32 v43, v20;
	v50 =	vmul.f32 v42, v4  }
0x15d: {  	[tilespmem:$0x8520] =	vst @!p0 v29;
	s5 =	sshra.s32 @!p0 s5, $0x2;
	v51 =	vmul.f32 v44, v21;
	v61 =	vmul.f32 v43, v5  }
0x15e: {  	s11 =	simm.s32 @!p0 $0x8500;
	[tilespmem:$0x8570] =	vst @!p0 v27;
	s12 =	simm.s32 @!p0 $0x4;
	s5 =	sadd.s32 @!p0 s5, s4;
	v62 =	vmul.f32 v42, v7;
	v52 =	vmul.f32 v44, v6  }
0x15f: {  	[spmem:s5] =	stream.linear.scatter @!p0 [tilespmem:s11], [sflag:$0x4], $0x80, $0x38;
	v53 =	vmul.f32 v43, v11;
	v57 =	vmul.f32 v43, v8;
	[tilespmem:$0x1C580] =	vst v63  }
0x160: {  	v54 =	vmul.f32 v43, v14;
	_ =	swait.ge @!p0 [sflag:s12], $0x80;
	v33 =	vadd.f32 v45, v59;
	v45 =	vadd.f32 v46, v48  }
0x161: {  	[sflag:s12] =	ssyncset.done @!p0 $0x0;
	v63 =	vadd.f32 v61, v50;
	v47 =	vadd.f32 v53, v47;
	v59 =	vmul.f32 v44, v12  }
0x162: {  	s17 =	simm.s32 $0x80;
	v46 =	vadd.f32 v57, v62;
	v61 =	vmul.f32 v44, v9;
	[sflag:s12] =	ssyncadd.s32 @!p0 $0xFFFFFF80;
	v33 =	vadd.f32 v33, v60  }
0x163: {  	v43 =	vmul.f32 v43, v17;
	v55 =	vmul.f32 v44, v3;
	v62 =	vld [tilespmem:s17+$0x5100];
	v47 =	vadd.f32 v47, v59  }
0x164: {  	v57 =	vld [tilespmem:s17+$0x2900];
	v60 =	vmul.f32 v42, v16;
	v46 =	vadd.f32 v46, v61;
	v37 =	vadd.f32 v33, v58  }
0x165: {  	v58 =	vmul.f32 v42, v13;
	v33 =	vadd.f32 v63, v52;
	v34 =	vadd.f32 v47, v34  }
0x166: {  	v59 =	vmul.f32 v42, v19;
	v43 =	vadd.f32 v43, v60;
	v36 =	vadd.f32 v46, v36  }
0x167: {  	v63 =	vmul.f32 v44, v15;
	v42 =	vadd.f32 v45, v55;
	v50 =	vadd.f32 v54, v58  }
0x168: {  	v33 =	vadd.f32 v33, v38;
	v58 =	vmul.f32 v44, v18;
	v34 =	vmax.f32 v34, $0.0e+00  }
0x169: {  	v52 =	vmax.f32 v36, $0.0e+00;
	v62 =	vsub.f32 v62, v57;
	v39 =	vadd.f32 v42, v39  }
0x16a: {  	v60 =	vadd.f32 v34, v32;
	v33 =	vmax.f32 v33, $0.0e+00;
	v38 =	vadd.f32 v50, v63  }
0x16b: {  	v61 =	vadd.f32 v43, v58;
	v54 =	vshrl.u32 v62, $0x10;
	v39 =	vmax.f32 v39, $0.0e+00  }
0x16c: {  	v31 =	vadd.f32 v33, v31;
	v56 =	vand.u32 $0x1, v54;
	v26 =	vadd.f32 v39, v26  }
0x16d: {  	s5 =	sld [smem:$0x1];
	v46 =	vld [tilespmem:s17+$0x170];
	v35 =	vadd.f32 v38, v35;
	v53 =	vadd.f32 v61, v40;
	v40 =	vmax.f32 v37, $0.0e+00  }
0x16e: {  	p1 =	sne.s32 s2, s10;
	v36 =	vld [tilespmem:s17+$0x140];
	v38 =	vadd.f32 v49, v59;
	v43 =	vadd.s32 v56, v62;
	v59 =	vadd.f32 v52, v29  }
0x16f: {  	v37 =	vld [tilespmem:s17+$0x110];
	v33 =	vpsel p1, v33, v31;
	v31 =	vpsel p1, v34, v60;
	v43 =	vadd.s32 $0x7FFF, v43  }
0x170: {  	v34 =	vld [tilespmem:s17+$0x120];
	v47 =	vadd.f32 v40, v27;
	v26 =	vpsel p1, v39, v26;
	v63 =	vmax.f32 v35, $0.0e+00  }
0x171: {  	p0 =	slt.s32 s2, $0x0;
	v27 =	vld [tilespmem:s17+$0x160];
	v57 =	vmax.f32 v53, $0.0e+00;
	v38 =	vadd.f32 v38, v51;
	v43 =	vand.u32 $0xFFFF0000, v43  }
0x172: {  	p2 =	seq.s32 @!p0 s5, s2;
	v35 =	vld [tilespmem:s17+$0x130];
	v39 =	vpsel p1, v52, v59;
	v30 =	vadd.f32 v63, v30;
	v42 =	vbroadcast v43, $0x0  }
0x173: {  	p0 =	por p2, p0;
	v58 =	vadd.f32 v57, v28;
	v45 =	vbroadcast v43, $0x1;
	v28 =	vld [tilespmem:s17+$0x150];
	v41 =	vadd.f32 v38, v41  }
0x174: {  	v38 =	vbroadcast v43, $0x2;
	v32 =	vpsel p1, v63, v30;
	v30 =	vld [tilespmem:s17+$0x100];
	v60 =	vmul.f32 v42, v22;
	[tilespmem:$0x8510] =	vst @!p0 v33  }
0x175: {  	v61 =	vmul.f32 v45, v23;
	v62 =	vmul.f32 v45, v2;
	[tilespmem:$0x8530] =	vst @!p0 v31;
	v41 =	vmax.f32 v41, $0.0e+00  }
0x176: {  	v48 =	vmul.f32 v42, v10;
	v55 =	vmul.f32 v42, v1;
	[tilespmem:$0x8500] =	vst @!p0 v26;
	v25 =	vadd.f32 v41, v25  }
0x177: {  	s10 =	sshll.u32 @!p0 s2, $0x9;
	v29 =	vpsel p1, v57, v58;
	[tilespmem:$0x8540] =	vst @!p0 v32;
	v63 =	vmul.f32 v38, v24;
	v50 =	vadd.f32 v61, v60  }
0x178: {  	s11 =	simm.s32 $0x400;
	s12 =	simm.s32 $0x1;
	s10 =	sshra.s32 @!p0 s10, $0x2;
	v43 =	vmul.f32 v45, v20;
	v49 =	vmul.f32 v42, v4;
	[tilespmem:$0x8550] =	vst @!p0 v29;
	v25 =	vpsel p1, v41, v25  }
0x179: {  	s14 =	simm.s32 @!p0 $0x8500;
	s13 =	sadd.s32 @!p0 s10, s4;
	s10 =	smov.u32 s5;
	v44 =	vmul.f32 v38, v21;
	v41 =	vadd.f32 v62, v55;
	v50 =	vadd.f32 v50, v63;
	[tilespmem:$0x8560] =	vst @!p0 v25  }
.LBB2_5:
0x17a: {  	v51 =	vmul.f32 v45, v5;
	v52 =	vmul.f32 v42, v7;
	[tilespmem:$0x8520] =	vst @!p0 v39;
	s12 =	sadd.s32 $0x1, s12;
	v47 =	vpsel p1, v40, v47;
	s15 =	smov.u32 s11;
	s11 =	sadd.s32 $0x200, s11  }
0x17b: {  	v40 =	vmul.f32 v38, v6;
	v53 =	vmul.f32 v45, v11;
	s16 =	simm.s32 @!p0 $0x4;
	s17 =	smov.u32 s10;
	p2 =	sne.s32 s11, $0xA000;
	v50 =	vadd.f32 v50, v46;
	[tilespmem:$0x8570] =	vst @!p0 v47  }
0x17c: {  	v46 =	vadd.f32 v51, v49;
	v49 =	vmul.f32 v45, v8;
	v51 =	vmul.f32 v42, v13;
	[spmem:s13] =	stream.linear.scatter @!p0 [tilespmem:s14], [sflag:$0x4], $0x80, $0x38;
	[tilespmem:$0x1C580] =	vst v63  }
0x17d: {  	v54 =	vmul.f32 v45, v14;
	s13 =	sshra.s32 s15, $0x2;
	v48 =	vadd.f32 v53, v48;
	v53 =	vmul.f32 v38, v12;
	_ =	swait.ge @!p0 [sflag:s16], $0x80  }
0x17e: {  	v40 =	vadd.f32 v46, v40;
	v46 =	vadd.f32 v49, v52;
	v49 =	vmul.f32 v42, v16;
	[sflag:s16] =	ssyncset.done @!p0 $0x0  }
0x17f: {  	v52 =	vmul.f32 v38, v9;
	v48 =	vadd.f32 v48, v53;
	v51 =	vadd.f32 v54, v51;
	[sflag:s16] =	ssyncadd.s32 @!p0 $0xFFFFFF80  }
0x180: {  	v45 =	vmul.f32 v45, v17;
	v53 =	vld [tilespmem:s13+$0x5100];
	v37 =	vadd.f32 v40, v37;
	v40 =	vmul.f32 v38, v15  }
0x181: {  	v46 =	vadd.f32 v46, v52;
	v48 =	vadd.f32 v48, v35;
	v52 =	vmul.f32 v38, v18;
	v54 =	vld [tilespmem:s13+$0x2900]  }
0x182: {  	s10 =	sld [smem:s12+$0x0];
	v55 =	vld [tilespmem:s13+$0x140];
	v56 =	vmax.f32 v37, $0.0e+00;
	v37 =	vadd.f32 v51, v40;
	v40 =	vadd.f32 v45, v49  }
0x183: {  	v45 =	vadd.f32 v46, v34;
	v46 =	vmax.f32 v48, $0.0e+00;
	v35 =	vld [tilespmem:s13+$0x130];
	v33 =	vadd.f32 v56, v33  }
0x184: {  	p1 =	sne.s32 s5, s2;
	v42 =	vmul.f32 v42, v19;
	p0 =	slt.s32 s17, $0x0;
	v31 =	vadd.f32 v46, v31;
	v34 =	vld [tilespmem:s13+$0x120];
	v57 =	vadd.f32 v37, v36  }
0x185: {  	s2 =	smov.u32 s17;
	v51 =	vmax.f32 v45, $0.0e+00;
	v40 =	vadd.f32 v40, v52;
	v37 =	vld [tilespmem:s13+$0x110];
	p3 =	seq.s32 @!p0 s10, s17;
	v33 =	vpsel p1, v56, v33;
	s5 =	smov.u32 s10  }
0x186: {  	v31 =	vpsel p1, v46, v31;
	v45 =	vsub.f32 v53, v54;
	v48 =	vld [tilespmem:s13+$0x100];
	p0 =	por p3, p0;
	v49 =	vmax.f32 v57, $0.0e+00  }
0x187: {  	v52 =	vadd.f32 v40, v28;
	v40 =	vmax.f32 v50, $0.0e+00;
	v46 =	vld [tilespmem:s13+$0x170];
	s14 =	sshll.u32 @!p0 s2, $0x9;
	v32 =	vadd.f32 v49, v32;
	v36 =	vmovc v55  }
0x188: {  	v38 =	vmul.f32 v38, v3;
	v42 =	vadd.f32 v43, v42;
	v28 =	vshrl.u32 v45, $0x10;
	v50 =	vld [tilespmem:s13+$0x160];
	s14 =	sshra.s32 @!p0 s14, $0x2  }
0x189: {  	v52 =	vmax.f32 v52, $0.0e+00;
	v43 =	vand.u32 $0x1, v28;
	v28 =	vld [tilespmem:s13+$0x150];
	s13 =	sadd.s32 @!p0 s14, s4;
	v32 =	vpsel p1, v49, v32  }
0x18a: {  	v38 =	vadd.f32 v41, v38;
	v41 =	vadd.f32 v42, v44;
	v43 =	vadd.s32 v43, v45;
	[tilespmem:$0x8540] =	vst @!p0 v32  }
0x18b: {  	v47 =	vadd.f32 v40, v47;
	v29 =	vadd.f32 v52, v29;
	v42 =	vadd.s32 $0x7FFF, v43;
	[tilespmem:$0x8510] =	vst @!p0 v33  }
0x18c: {  	v44 =	vadd.f32 v38, v30;
	v41 =	vadd.f32 v41, v27;
	v30 =	vmovc v48;
	v43 =	vand.u32 $0xFFFF0000, v42;
	[tilespmem:$0x8530] =	vst @!p0 v31  }
0x18d: {  	v39 =	vadd.f32 v51, v39;
	v42 =	vbroadcast v43, $0x0;
	v45 =	vbroadcast v43, $0x1;
	v27 =	vmovc v50  }
0x18e: {  	v44 =	vmax.f32 v44, $0.0e+00;
	v41 =	vmax.f32 v41, $0.0e+00;
	v38 =	vbroadcast v43, $0x2  }
0x18f: {  	v25 =	vadd.f32 v41, v25;
	v49 =	vmul.f32 v42, v22;
	v50 =	vmul.f32 v45, v23  }
.Ltmp1:
0x190: {  	v26 =	vadd.f32 v44, v26;
	v53 =	vmul.f32 v45, v2;
	v48 =	vmul.f32 v42, v10;
	(pc) =	sbr.rel @p2 .LBB2_5-.Ltmp1, $4  }
0x191: {  	v29 =	vpsel p1, v52, v29;
	v54 =	vmul.f32 v42, v1;
	v43 =	vmul.f32 v45, v20  }
0x192: {  	s14 =	simm.s32 @!p0 $0x8500;
	v25 =	vpsel p1, v41, v25;
	v52 =	vmul.f32 v38, v24;
	v50 =	vadd.f32 v50, v49;
	[tilespmem:$0x8550] =	vst @!p0 v29  }
0x193: {  	v26 =	vpsel p1, v44, v26;
	v41 =	vadd.f32 v53, v54;
	v49 =	vmul.f32 v42, v4;
	[tilespmem:$0x8560] =	vst @!p0 v25  }
0x194: {  	v39 =	vpsel p1, v51, v39;
	v44 =	vmul.f32 v38, v21;
	v50 =	vadd.f32 v50, v52;
	[tilespmem:$0x8500] =	vst @!p0 v26  }
0x195: {  	v51 =	vmul.f32 v45, v5;
	v52 =	vmul.f32 v42, v7  }
0x196: {  	v53 =	vmul.f32 v38, v6;
	v54 =	vmul.f32 v45, v11  }
0x197: {  	v63 =	vmul.f32 v45, v8;
	v57 =	vmul.f32 v42, v13  }
0x198: {  	v58 =	vmul.f32 v38, v12;
	v59 =	vmul.f32 v45, v14  }
0x199: {  	v60 =	vmul.f32 v42, v16;
	v61 =	vmul.f32 v38, v9  }
0x19a: {  	v62 =	vmul.f32 v38, v15;
	v56 =	vmul.f32 v38, v3;
	v46 =	vadd.f32 v50, v46  }
0x19b: {  	v40 =	vpsel p1, v40, v47;
	v49 =	vadd.f32 v51, v49;
	v48 =	vadd.f32 v54, v48  }
0x19c: {  	v50 =	vadd.f32 v63, v52;
	v51 =	vadd.f32 v59, v57;
	v63 =	vmul.f32 v45, v17  }
0x19d: {  	v54 =	vmul.f32 v42, v19;
	v49 =	vadd.f32 v49, v53;
	v48 =	vadd.f32 v48, v58  }
0x19e: {  	v59 =	vmax.f32 v46, $0.0e+00;
	v50 =	vadd.f32 v50, v61;
	v45 =	vadd.f32 v63, v60  }
0x19f: {  	v53 =	vmul.f32 v38, v18;
	v42 =	vadd.f32 v43, v54;
	v38 =	vadd.f32 v41, v56  }
0x1a0: {  	v61 =	vadd.f32 v59, v40;
	v37 =	vadd.f32 v49, v37  }
0x1a1: {  	v35 =	vadd.f32 v48, v35;
	v49 =	vadd.f32 v51, v62  }
0x1a2: {  	v34 =	vadd.f32 v50, v34;
	v55 =	vadd.f32 v45, v53  }
0x1a3: {  	v42 =	vadd.f32 v42, v44;
	v30 =	vadd.f32 v38, v30;
	v37 =	vmax.f32 v37, $0.0e+00  }
0x1a4: {  	v35 =	vmax.f32 v35, $0.0e+00;
	v36 =	vadd.f32 v49, v36;
	v28 =	vadd.f32 v55, v28  }
0x1a5: {  	s3 =	sadd.s32 $0x1, s3;
	v34 =	vmax.f32 v34, $0.0e+00;
	v27 =	vadd.f32 v42, v27;
	v33 =	vadd.f32 v37, v33  }
0x1a6: {  	[tilespmem:$0x8520] =	vst @!p0 v39;
	p2 =	sne.s32 s3, $0x7F;
	v62 =	vmax.f32 v30, $0.0e+00;
	v57 =	vadd.f32 v35, v31;
	v63 =	vadd.f32 v34, v39  }
.Ltmp2:
0x1a7: {  	p6 =	sne.s32 s5, s2;
	s2 =	simm.s32 @!p0 $0x4;
	[tilespmem:$0x8570] =	vst @!p0 v40;
	v26 =	vadd.f32 v62, v26;
	v58 =	vmax.f32 v36, $0.0e+00;
	v28 =	vmax.f32 v28, $0.0e+00;
	(pc) =	sbr.rel @p2 .LBB2_4-.Ltmp2, $4  }
0x1a8: {  	[spmem:s13] =	stream.linear.scatter @!p0 [tilespmem:s14], [sflag:$0x4], $0x80, $0x38;
	v27 =	vmax.f32 v27, $0.0e+00;
	v60 =	vadd.f32 v58, v32;
	v29 =	vadd.f32 v28, v29;
	[tilespmem:$0x1C580] =	vst v63  }
0x1a9: {  	_ =	swait.ge @!p0 [sflag:s2], $0x80;
	v31 =	vpsel p6, v37, v33;
	v25 =	vadd.f32 v27, v25;
	v32 =	vpsel p6, v35, v57  }
0x1aa: {  	[sflag:s2] =	ssyncset.done @!p0 $0x0;
	v26 =	vpsel p6, v62, v26;
	v30 =	vpsel p6, v58, v60;
	v28 =	vpsel p6, v28, v29  }
0x1ab: {  	[sflag:s2] =	ssyncadd.s32 @!p0 $0xFFFFFF80;
	v25 =	vpsel p6, v27, v25;
	v29 =	vpsel p6, v34, v63;
	v27 =	vpsel p6, v59, v61  }
0x1ac: {  	p0 =	slt.s32 s10, $0x0  }
0x1ad: {  	[tilespmem:$0x8500] =	vst @!p0 v26  }
0x1ae: {  	[tilespmem:$0x8510] =	vst @!p0 v31  }
0x1af: {  	[tilespmem:$0x8520] =	vst @!p0 v29  }
0x1b0: {  	[tilespmem:$0x8530] =	vst @!p0 v32  }
0x1b1: {  	[tilespmem:$0x8540] =	vst @!p0 v30  }
0x1b2: {  	[tilespmem:$0x8550] =	vst @!p0 v28;
	s0 =	sshll.u32 @!p0 s10, $0x9  }
0x1b3: {  	[tilespmem:$0x8560] =	vst @!p0 v25;
	s0 =	sshra.s32 @!p0 s0, $0x2  }
0x1b4: {  	[tilespmem:$0x8570] =	vst @!p0 v27;
	s2 =	simm.s32 @!p0 $0x8500;
	s0 =	sadd.s32 @!p0 s0, s4  }
0x1b5: {  	[spmem:s0] =	stream.linear.scatter @!p0 [tilespmem:s2], [sflag:$0x4], $0x80, $0x38;
	[tilespmem:$0x1C580] =	vst v63  }
0x1b6: {  	s0 =	simm.s32 @!p0 $0x4  }
0x1b7: {  	_ =	swait.ge @!p0 [sflag:s0], $0x80  }
0x1b8: {  	[sflag:s0] =	ssyncset.done @!p0 $0x0  }
0x1b9: {  	s14 =	stileid.u32;
	s15 =	sshrl.u32 s9, $0x3;
	[sflag:s0] =	ssyncadd.s32 @!p0 $0xFFFFFF80  }
0x1ba: {  	s5 =	simm.s32 $0x20;
	s0 =	sshll.u32 s14, $0x6;
	[bflag:$0x0] =	sbarrier.arrive $0xFFFF  }
0x1bb: {  	s16 =	simm.s32 $0x10;
	s0 =	sor.u32 $0x1C04, s0;
	s3 =	rddreg [dreg:$0x12]  }
0x1bc: {  	[hbm:s3@s5], [sflag:s0] =	dma.strided [spmem:s15@s16], $0x2800, s28, $0x10   }
0x1bd: {  	_ =	swait.ge [sflag:s19], $0x2800  }
0x1be: {  	s31 =	sadd.s32 $0x1, s31;
	s17 =	rddreg [dreg:$0x13]  }
0x1bf: {  	p0 =	sne.s32 s31, s17  }
.Ltmp3:
0x1c0: {  	_ = 	snop;
	(pc) =	sbr.rel @p0 .LBB2_1-.Ltmp3, $3  }
0x1c1: {  	_ =	sdelay $0x1  }
0x1c2: {  	[sflag:s19] =	ssyncset.done $0x0  }
0x1c3: {  	[sflag:s19] =	ssyncadd.s32 $0xFFFFD800  }
0x1c4: {  	_ =	sfence.sel $0x180000  }
0x1c5: {  	[bflag:$0x0] =	sbarrier.arrive $0xFFFF  }
0x1c6: {  	_ =	strace $0x9000004D  }
0x1c7: {  	s0 =	stileid.u32;
	[bflag:$0x2] =	sbarrier.arrive $0xFFFF  }
0x1c8: {  	p0 =	sne.s32 s0, $0x0;
	s0 =	rddreg [dreg:$0x4]  }
0x1c9: {  	s0 =	sadd.s32 @!p0 $0x100000, s0  }
0x1ca: {  	[sflag:s0] =	ssyncadd.tile.s32 @!p0 $0x1;
	_ =	shalt  }
.Lfunc_end2:
_tile_overlayer_lowered:
.L_overlay_start_2:
0x1cb: {  	(tag) =	ssettag $0x2  }
0x1cc: {  	s0 =	rddreg [dreg:$0x0];
	s2 =	stileid.u32  }
0x1cd: {  	s1 =	rddreg [dreg:$0x1];
	p0 =	sne.s32 s2, $0x0  }
0x1ce: {  	s3 =	rddreg [dreg:$0x2];
	[bflag:$0x3] =	sbarrier.arrive $0xFFFF;
	s2 =	simm.s32 @!p0 $0x1C04  }
0x1cf: {  	[timem:s3], [sflag:s2] =	dma.local @!p0 [hbm:s0], s1  }
0x1d0: {  	s0 =	simm.s32 @!p0 $0x4  }
0x1d1: {  	_ =	swait.ge @!p0 [sflag:s0], s1  }
0x1d2: {  	s1 =	ssub.s32 @!p0 $0x0, s1;
	[sflag:s0] =	ssyncset.done @!p0 $0x0  }
0x1d3: {  	[sflag:s0] =	ssyncadd.s32 @!p0 s1  }
0x1d4: {  	[bflag:$0x3] =	sbarrier.arrive $0xFFFF  }
0x1d5: {  	_ =	shalt  }

// kernel: scatter_offload_async_start
scs
__scs_entry_jumppad:
0x0: {  	(pc) =	sbr.rel $0x88, $3  }
0x1: {  	(tag) =	ssettag $0x0;
	lr =	simm.s32 $0x1  }
0x2: {  	[smem:$0x3F95] =	sst lr;
	_ =	strace $0xD0000000  }
0x3: {  	_ = 	snop  }
0x4: {  	_ = 	snop  }
0x5: {  	_ = 	snop  }
0x6: {  	_ = 	snop  }
0x7: {  	_ = 	snop  }
__scs_overlays_trampoline_lowered:
0x8: {  	[smem:$0x3FA4] =	sst s0  }
0x9: {  	[smem:$0x3FA5] =	sst s1  }
0xa: {  	[smem:$0x3FA6] =	sst s2  }
0xb: {  	[smem:$0x3FA7] =	sst s3  }
0xc: {  	[smem:$0x3FA8] =	sst s4  }
0xd: {  	[smem:$0x3FA9] =	sst s5  }
0xe: {  	[smem:$0x3FAA] =	sst s6  }
0xf: {  	[smem:$0x3FAB] =	sst s7  }
0x10: {  	[smem:$0x3FAC] =	sst s8  }
0x11: {  	[smem:$0x3FAD] =	sst s9;
	s0 =	simm.s32 @!p0 $0x0  }
0x12: {  	s1 =	sld [smem:$0x3F93];
	s0 =	simm.s32 @p0 $0x1  }
0x13: {  	[smem:$0x3FAE] =	sst s0;
	s0 =	simm.s32 @!p1 $0x0  }
0x14: {  	s2 =	sld [smem:$0x3F92];
	s0 =	simm.s32 @p1 $0x1  }
0x15: {  	[smem:$0x3FAF] =	sst s0;
	s0 =	simm.s32 @!p2 $0x0  }
0x16: {  	s3 =	sld [smem:$0x3FDB];
	s0 =	simm.s32 @p2 $0x1  }
0x17: {  	s4 =	simm.s32 $0x1BF5;
	[smem:$0x3FB1] =	sst s0  }
0x18: {  	s0 =	sld [smem:$0x3F94];
	_ =	swait.ge [sflag:s4], $0x0  }
0x19: {  	s7 =	sld [smem:$0x3F95]  }
0x1a: {  	s8 =	sadd.s32 $0xFFFFE003, lr  }
0x1b: {  	s9 =	sadd.s32 $0xFFFFFEF7, lr;
	s5 =	simm.s32 $0xFFFFFFFF;
	p2 =	slt.u32 s8, $0xFFFFF086  }
0x1c: {  	p1 =	slt.u32 s9, $0xF7A;
	s5 =	simm.s32 @!p2 $0x0  }
0x1d: {  	s5 =	simm.s32 @p1 $0x1;
	p0 =	seq.s32 s7, s2  }
0x1e: {  	s7 =	smul.u32 @!p0 $0xF7A, s2;
	p2 =	seq.s32 @!p0 s5, $0x0  }
0x1f: {  	s9 =	smul.u32 $0xF7A, s1;
	s8 =	simm.s32 @!p0 $0x1BF5;
	p2 =	por !p2, p0  }
0x20: {  	[sflag:s8] =	ssyncset.s32 @!p0 $0xFFFFF086;
	s6 =	sadd.s32 @!p0 s3, s7;
	s7 =	simm.s32 @!p0 $0x108  }
0x21: {  	s3 =	sadd.s32 s3, s9;
	s6 =	sadd.s32 @!p0 $0x88, s6;
	s7 =	simm.s32 @p2 $0x1082  }
0x22: {  	[simem:s7], [sflag:s8] =	dma.local @!p0 [hbm:s6], $0xF7A  }
0x23: {  	s9 =	sor.u32 $0xD0000000, s2;
	s6 =	simm.s32 $0x108;
	_ =	swait.ge @!p0 [sflag:s8], $0x0  }
0x24: {  	s3 =	sadd.s32 $0x88, s3;
	s6 =	simm.s32 @!p1 $0x1082;
	[sflag:s4] =	ssyncset.s32 $0xFFFFF086  }
0x25: {  	[simem:s6], [sflag:s4] =	dma.local [hbm:s3], $0xF7A  }
0x26: {  	[smem:$0x3F95] =	sst s1;
	(tag) =	ssettag s2;
	_ =	strace s9  }
0x27: {  	s1 =	sld [smem:$0x3FA5]  }
0x28: {  	s2 =	sld [smem:$0x3FA6]  }
0x29: {  	s4 =	sld [smem:$0x3FA8]  }
0x2a: {  	p0 =	seq.s32 s5, $0x0;
	s5 =	sld [smem:$0x3FA9]  }
0x2b: {  	s6 =	sld [smem:$0x3FAA]  }
0x2c: {  	s7 =	sld [smem:$0x3FAB]  }
0x2d: {  	s3 =	simm.s32 $0x108;
	s8 =	sld [smem:$0x3FAC]  }
0x2e: {  	s3 =	simm.s32 @!p0 $0x1082;
	s9 =	sld [smem:$0x3FAD]  }
0x2f: {  	lr =	sadd.s32 s0, s3;
	s0 =	sld [smem:$0x3FA4]  }
0x30: {  	s3 =	sld [smem:$0x3FA7]  }
0x31: {  	[smem:$0x3FB0] =	sst s10  }
0x32: {  	s10 =	sld [smem:$0x3FAE];
	_ =	sdelay $0x3  }
0x33: {  	p0 =	seq.s32 s10, $0x1;
	s10 =	sld [smem:$0x3FB0];
	_ =	sdelay $0x3  }
0x34: {  	[smem:$0x3FB0] =	sst s10  }
0x35: {  	s10 =	sld [smem:$0x3FAF];
	_ =	sdelay $0x3  }
0x36: {  	p1 =	seq.s32 s10, $0x1;
	s10 =	sld [smem:$0x3FB0];
	_ =	sdelay $0x3  }
0x37: {  	[smem:$0x3FB0] =	sst s10  }
0x38: {  	s10 =	sld [smem:$0x3FB1]  }
0x39: {  	_ = 	snop;
	(pc) =	sbr.ind lr, $3  }
0x3a: {  	_ = 	snop  }
0x3b: {  	_ = 	snop  }
0x3c: {  	p2 =	seq.s32 s10, $0x1;
	s10 =	sld [smem:$0x3FB0]  }
0x3d: {  	_ =	shalt  }
0x3e: {  	_ =	shalt  }
0x3f: {  	_ =	shalt  }
0x40: {  	_ =	shalt  }
0x41: {  	_ =	shalt  }
0x42: {  	_ =	shalt  }
0x43: {  	_ =	shalt  }
0x44: {  	_ =	shalt  }
0x45: {  	_ =	shalt  }
0x46: {  	_ =	shalt  }
0x47: {  	_ =	shalt  }
0x48: {  	_ =	shalt  }
0x49: {  	_ =	shalt  }
0x4a: {  	_ =	shalt  }
0x4b: {  	_ =	shalt  }
0x4c: {  	_ =	shalt  }
0x4d: {  	_ =	shalt  }
0x4e: {  	_ =	shalt  }
0x4f: {  	_ =	shalt  }
0x50: {  	_ =	shalt  }
0x51: {  	_ =	shalt  }
0x52: {  	_ =	shalt  }
0x53: {  	_ =	shalt  }
0x54: {  	_ =	shalt  }
0x55: {  	_ =	shalt  }
0x56: {  	_ =	shalt  }
0x57: {  	_ =	shalt  }
0x58: {  	_ =	shalt  }
0x59: {  	_ =	shalt  }
0x5a: {  	_ =	shalt  }
0x5b: {  	_ =	shalt  }
0x5c: {  	_ =	shalt  }
0x5d: {  	_ =	shalt  }
0x5e: {  	_ =	shalt  }
0x5f: {  	_ =	shalt  }
0x60: {  	_ =	shalt  }
0x61: {  	_ =	shalt  }
0x62: {  	_ =	shalt  }
0x63: {  	_ =	shalt  }
0x64: {  	_ =	shalt  }
0x65: {  	_ =	shalt  }
0x66: {  	_ =	shalt  }
0x67: {  	_ =	shalt  }
0x68: {  	_ =	shalt  }
0x69: {  	_ =	shalt  }
0x6a: {  	_ =	shalt  }
0x6b: {  	_ =	shalt  }
0x6c: {  	_ =	shalt  }
0x6d: {  	_ =	shalt  }
0x6e: {  	_ =	shalt  }
0x6f: {  	_ =	shalt  }
0x70: {  	_ =	shalt  }
0x71: {  	_ =	shalt  }
0x72: {  	_ =	shalt  }
0x73: {  	_ =	shalt  }
0x74: {  	_ =	shalt  }
0x75: {  	_ =	shalt  }
0x76: {  	_ =	shalt  }
0x77: {  	_ =	shalt  }
0x78: {  	_ =	shalt  }
0x79: {  	_ =	shalt  }
0x7a: {  	_ =	shalt  }
0x7b: {  	_ =	shalt  }
0x7c: {  	_ =	shalt  }
0x7d: {  	_ =	shalt  }
0x7e: {  	_ =	shalt  }
0x7f: {  	_ =	shalt  }
0x80: {  	_ =	shalt  }
0x81: {  	_ =	shalt  }
0x82: {  	_ =	shalt  }
0x83: {  	_ =	shalt  }
0x84: {  	_ =	shalt  }
0x85: {  	_ =	shalt  }
0x86: {  	_ =	shalt  }
0x87: {  	_ =	shalt  }
.Lfunc_end0:
.L_simem_size_0:
called_computation_lowered:
.L_overlay_start_0:
0x88: {  	s0 =	sld [smem:$0x3FD9]  }
0x89: {  	s1 =	sld [smem:$0x3FFE];
	_ =	sdelay $0x3  }
0x8a: {  	s0 =	sadd.s32 s1, s0  }
0x8b: {  	[smem:$0x3FBC] =	sst s0  }
0x8c: {  	_ = 	snop  }
0x8d: {  	(tm) =	ssettm $0x1  }
0x8e: {  	s15 =	sld [smem:$0x3FFB];
	_ =	sdelay $0x3  }
0x8f: {  	_ =	strace s15  }
0x90: {  	s0 =	sld [smem:$0x3FFC];
	_ =	sdelay $0x3  }
0x91: {  	_ =	strace s0  }
0x92: {  	s0 =	sld [smem:$0x3FFD];
	_ =	sdelay $0x3  }
0x93: {  	_ =	strace s0  }
0x94: {  	_ =	strace $0x8FFFFFFF  }
0x95: {  	s16 =	sld [smem:$0x3FDB];
	_ =	sdelay $0x1  }
0x96: {  	s17 =	simm.s32 $_scs_section_size  }
0x97: {  	s2 =	simm.s32 $_size__tile_overlayer_lowered;
	s3 =	simm.s32 $_tile_overlayer_lowered  }
0x98: {  	s20 =	simm.s32 $0x1BFF;
	s19 =	sshll.u32 s3, $0x1;
	s0 =	sadd.s32 s17, s16  }
0x99: {  	s4 =	simm.s32 $0x0;
	s18 =	sshll.u32 s2, $0x1;
	s2 =	sadd.s32 s19, s0  }
0x9a: {  	[timem:s4], [sflag:s20] =	dma.local [hbm:s2], s18  }
0x9b: {  	_ =	swait.ge [sflag:s20], s18  }
0x9c: {  	s1 =	ssub.s32 $0x0, s18;
	[sflag:s20] =	ssyncset.done $0x0  }
0x9d: {  	[sflag:s20] =	ssyncadd.s32 s1;
	_ =	sdelay $0x1  }
0x9e: {  	s21 =	simm.s32 $0x1B8B  }
0x9f: {  	_ =	swait.ge [sflag:s21], $0x1  }
0xa0: {  	[sflag:s21] =	ssyncset.done $0x0  }
0xa1: {  	s23 =	simm.s32 $0x1B8E;
	s22 =	sld [smem:$0x3FFE];
	[sflag:s21] =	ssyncadd.s32 $0xFFFFFFFF  }
0xa2: {  	s24 =	simm.s32 $execute0_lowered;
	[smem:$0x3FD2] =	sst s23  }
0xa3: {  	s2 =	sshll.u32 s24, $0x1;
	_ =	strace $0x8000004F;
	[dreg:$0x1] =	wrdreg $0xFFFFFFFF  }
0xa4: {  	s25 =	simm.s32 $_size_execute0_lowered;
	s0 =	sadd.s32 s0, s2;
	[dreg:$0x0] =	wrdreg $0x0  }
0xa5: {  	s2 =	sshll.u32 s25, $0x1;
	[dreg:$0x2] =	wrdreg s0  }
0xa6: {  	[dreg:$0x3] =	wrdreg s2  }
0xa7: {  	[dreg:$0x4] =	wrdreg $0xC0  }
0xa8: {  	_ =	task [dreg:s4], $0x5FFFF  }
0xa9: {  	[dreg:$0x1] =	wrdreg $0xFFFFFFFF  }
0xaa: {  	[dreg:$0x0] =	wrdreg $0x60  }
0xab: {  	[dreg:$0x2] =	wrdreg s22  }
0xac: {  	[dreg:$0x3] =	wrdreg $0x9  }
0xad: {  	_ =	task.clear_ibuf [dreg:s4], $0x4FFFF;
	_ =	strace $0x9000004F  }
0xae: {  	s26 =	simm.s32 $0x9;
	_ =	strace $0x80000051  }
0xaf: {  	_ =	swait.ge [sflag:s26], $0x1  }
0xb0: {  	[sflag:s26] =	ssyncadd.s32 $0xFFFFFFFF  }
0xb1: {  	_ =	strace $0x90000051  }
0xb2: {  	_ =	sfence  }
0xb3: {  	s28 =	sld [smem:$0x0];
	_ =	sdelay $0x1  }
0xb4: {  	s29 =	srdreg.scid  }
0xb5: {  	s30 =	sshll.u32 s29, $0xD;
	s31 =	sshrl.u32 s29, $0x2  }
0xb6: {  	s1 =	sand.u32 $0x1, s29;
	s2 =	sand.u32 $0x4000, s30;
	s0 =	sadd.s32 s31, s28  }
0xb7: {  	s1 =	sor.u32 s2, s1;
	s0 =	sshll.u32 s0, $0x11  }
0xb8: {  	s0 =	sor.u32 s0, s1  }
0xb9: {  	s0 =	sadd.s32 $0x8F2B, s0  }
0xba: {  	[sflag:s0] =	ssyncadd.remote.s32 $0x1  }
0xbb: {  	_ =	sfence.sel $0xFFFF  }
0xbc: {  	[dreg:$0x0] =	wrdreg $0xFFFFFFFF;
	(pc) =	sbr.abs _section_cstart, $3  }
0xbd: {  	[dreg:$0x1] =	wrdreg $0xFFFFFFFF  }
0xbe: {  	_ =	task.clear_ibuf [dreg:s4], $0x2FFFF;
	_ =	strace $0x9FFFFFFF  }
0xbf: {  	(tm) =	ssettm $0x7FFFFFFF  }
tec
execute0_lowered:
.L_overlay_start_1:
0x0: {  	(tag) =	ssettag $0x1  }
0x1: {  	s0 =	rddreg [dreg:$0x0];
	_ =	strace $0x80000050;
	s15 =	stileid.u32  }
0x2: {  	s2 =	simm.s32 $0x1;
	s1 =	smin.u32 s15, $0x8;
	s3 =	sshll.u32 s15, $0x1  }
0x3: {  	v1 =	vimm.s32 $0xFFFFFFFF;
	[sflag:s2] =	ssyncpa.u1 $0x0;
	s1 =	sadd.s32 s1, s3  }
0x4: {  	p0 =	slt.u32 s15, $0x8;
	[tilespmem:$0x10] =	vst v1;
	s4 =	smul.u32 $0x1F40, s1;
	s1 =	simm.s32 $0x5DC0  }
0x5: {  	v0 =	vimm.f32 $0.0e+00;
	[tilespmem:$0x20] =	vst v1;
	s1 =	simm.s32 @!p0 $0x3E80  }
0x6: {  	[tilespmem:$0x30] =	vst v0;
	s1 =	sadd.s32 s1, s4  }
0x7: {  	[tilespmem:$0x40] =	vst v0;
	s5 =	smin.u32 s1, $0x4E200  }
0x8: {  	s7 =	simm.s32 $0x2;
	s8 =	simm.s32 $0x8;
	[tilespmem:$0x50] =	vst v0;
	s9 =	ssub.s32 s5, s4  }
0x9: {  	s31 =	simm.s32 $0x9;
	s16 =	simm.s32 $0x0;
	[tilespmem:$0x60] =	vst v1;
	p0 =	sgt.s32 s9, $0x0  }
0xa: {  	s17 =	simm.s32 $0xF0;
	s18 =	simm.s32 $0xFFFFFFFF;
	[tilespmem:$0x70] =	vst v1;
	s9 =	simm.s32 @!p0 $0x0  }
0xb: {  	s19 =	simm.s32 $0xFFFFC280;
	s20 =	simm.s32 $0xFFFFFFFE;
	[tilespmem:$0x80] =	vst v1;
	s30 =	smulhi.u32 $0x10624DD3, s9  }
0xc: {  	s21 =	simm.s32 $0xF;
	s25 =	simm.s32 $0x0;
	s24 =	simm.s32 $0x0;
	v1 =	vimm.s32 $0x0;
	[tilespmem:$0xB0] =	vst v0  }
0xd: {  	s6 =	sadd.s32 $0x2200, s0;
	s15 =	sshllo.u32 s15, $0x1;
	[tilespmem:$0x90] =	vst v1;
	s10 =	sshrl.u32 s30, $0x9  }
0xe: {  	[tilespmem:$0xA0] =	vst v1;
	[sflag:s7] =	ssyncpa.u1 $0x0;
	s7 =	simm.s32 $0x7;
	s11 =	smul.u32 $0x1F40, s10  }
.Ltmp0:
0xf: {  	s13 =	sor.u32 $0x80, s3;
	[sflag:s7] =	ssyncpa.u1 $0x0;
	(pc) =	sbr.rel .LBB2_1-.Ltmp0, $4  }
0x10: {  	s14 =	sor.u32 $0x81, s3;
	[sflag:s8] =	ssyncpa.u1 $0x0;
	p0 =	sne.s32 s9, s11  }
0x11: {  	s23 =	smov.u32 s4;
	s1 =	sadd.s32 $0x16200, s0;
	s2 =	simm.s32 @!p0 $0x0  }
0x12: {  	vm0 =	vmmov $0xffff;
	v2 =	vlaneseq.u32;
	[sflag:s31] =	ssyncpa.u1 $0x0;
	s9 =	sadd.s32 $0xC000, s0;
	s10 =	sadd.s32 s2, s10  }
0x13: {  	vm1 =	vmxor vm1, vm1;
	vm2 =	vmmov $0x1;
	vm3 =	vcmask $0x3F3C;
	p0 =	por $0x0, $0x0;
	s11 =	sadd.s32 $0x1, s10;
	s12 =	sadd.s32 $0x2, s10  }
.LBB2_9:
0x14: {  	p1 =	slt.u32 s24, $0x3  }
0x15: {  	s0 =	simm.s32 @!p1 $0x2  }
0x16: {  	_ =	swait.ge @!p1 [sflag:s0], $0x1F40  }
0x17: {  	[sflag:s0] =	ssyncset.done @!p1 $0x0  }
0x18: {  	[sflag:s0] =	ssyncadd.s32 @!p1 $0xFFFFE0C0;
	s0 =	simm.s32 @!p1 $0x9  }
0x19: {  	_ =	swait.ge @!p1 [sflag:s0], $0x10  }
0x1a: {  	[sflag:s0] =	ssyncset.done @!p1 $0x0  }
0x1b: {  	[sflag:s0] =	ssyncadd.s32 @!p1 $0xFFFFFFF0;
	p1 =	sne.s32 s24, s12  }
.Ltmp1:
0x1c: {  	s2 =	sadd.s32 $0x1F40, s23;
	(pc) =	sbr.rel @!p1 .LBB2_10-.Ltmp1, $4  }
0x1d: {  	s22 =	smov.u32 s4;
	s31 =	sadd.s32 $0x1, s24;
	s17 =	sadd.s32 $0x1F40, s17  }
0x1e: {  	s18 =	sadd.s32 $0x1, s18;
	s25 =	smov.u32 s23;
	p2 =	slt.s32 s2, s5  }
0x1f: {  	p0 =	por !p0, !p0;
	s19 =	sadd.s32 $0x1F40, s19;
	s22 =	smov.u32 @p2 s2  }
0x20: {  	s20 =	sadd.s32 $0x1, s20;
	s23 =	smov.u32 s22;
	s24 =	smov.u32 s31  }
.LBB2_1:
0x21: {  	p1 =	sge.u32 s24, s10  }
0x22: {  	s0 =	smulhi.u32 @!p1 $0xAAAAAAAB, s24;
	_ =	sdelay $0x1  }
0x23: {  	s0 =	sshrl.u32 @!p1 s0, $0x1  }
0x24: {  	s0 =	smul.u32 @!p1 $0x3, s0;
	_ =	sdelay $0x1  }
0x25: {  	s0 =	ssub.s32 @!p1 s24, s0  }
0x26: {  	s0 =	smul.u32 @!p1 $0x7D00, s0;
	_ =	sdelay $0x1  }
0x27: {  	s2 =	sshrl.u32 @!p1 s23, $0x3;
	s0 =	sshrl.u32 @!p1 s0, $0x2  }
0x28: {  	s22 =	sand.u32 @!p1 $0x7, s23;
	s2 =	sadd.s32 @!p1 s6, s2;
	s0 =	sadd.s32 @!p1 $0x100, s0  }
0x29: {  	[tilespmem:s0], [sflag:$0x7] =	stream.linear.gather @!p1 [hbm4b:s2+s22], $0x1F40, $0x38;
	[tilespmem:$0x11A60] =	vst v63  }
0x2a: {  	s0 =	sadd.s32 $0xFFFFFFFF, s24  }
0x2b: {  	p1 =	sge.u32 s0, s10  }
.Ltmp2:
0x2c: {  	_ = 	snop;
	(pc) =	sbr.rel @p1 .LBB2_5-.Ltmp2, $1  }
0x2d: {  	_ =	sdelay $0x3  }
0x2e: {  	s2 =	smulhi.u32 $0xAAAAAAAB, s0;
	_ =	sdelay $0x1  }
0x2f: {  	s2 =	sshrl.u32 s2, $0x1  }
0x30: {  	s2 =	smul.u32 $0x3, s2;
	_ =	sdelay $0x1  }
0x31: {  	s2 =	ssub.s32 s0, s2  }
0x32: {  	s2 =	smul.u32 $0x7D00, s2  }
0x33: {  	_ =	swait.ge [sflag:s7], $0x1F40  }
0x34: {  	[sflag:s7] =	ssyncset.done $0x0;
	s2 =	sshrl.u32 s2, $0x2  }
0x35: {  	[sflag:s7] =	ssyncadd.s32 $0xFFFFE0C0;
	(ifvalue) =	ssetifvalue $0xFFFFFFFF;
	v3 =	vld.msk [tilespmem:s2+$0x100 ss:$0x1], $0xffff;
	_ =	sdelay $0x2  }
0x36: {  	s30 =	smulhi.u32 $0xAAAAAAAB, s18;
	p1 =	sne.s32 s24, $0x1  }
0x37: {  	v4 =	vimm.s32 @!p1 $0x0  }
0x38: {  	s2 =	sshrl.u32 s30, $0x1;
	v4 =	vperm.xlane @!p1 v3, v4  }
0x39: {  	s22 =	sshll.u32 s24, $0x4;
	s2 =	smul.u32 $0xFFFE8900, s2;
	vm4 =	vlt.u32 v3, $0x3D800  }
0x3a: {  	s22 =	sand.u32 $0x10, s22;
	v3 =	vnsel vm4, $0xFFFFFFFE, v3;
	vm4 =	vlt.u32 @!p1 v4, $0x3D800  }
0x3b: {  	s2 =	sshra.s32 s2, $0x2;
	[tilespmem:s22+$0x60] =	vst v3;
	v3 =	vnsel @!p1 vm4, $0xFFFFFFFE, v4  }
0x3c: {  	s28 =	sadd.s32 s2, s17;
	[tilespmem:$0x80] =	vst @!p1 v3  }
0x3d: {  	v3 =	vld.msk [tilespmem:s28+$0x0 ss:$0x1], $0xffff;
	_ =	sdelay $0x4  }
0x3e: {  	(xrf1) =	vunique.msk.u32 $0xffff, v3;
	_ =	sdelay $0xd  }
0x3f: {  	v4 =	vimm.s32 $0xFFFFFFFF;
	v5, _, _ =	vpop (xrf1)  }
0x40: {  	vm5 =	vne.s32 v3, v4;
	vm4 =	veq.s32 v5, v2  }
0x41: {  	vm6 =	vlt.u32 v3, $0x3D800;
	vm4 =	vmand vm5, vm4  }
0x42: {  	vm4 =	vmand vm6, vm4  }
0x43: {  	v4 =	vnsel vm4, $0xFFFFFFFF, v3  }
0x44: {  	s31 =	sand.u32 $0x1, s0  }
0x45: {  	s0 =	simm.s32 $0x1F40;
	p1 =	seq.s32 s31, $0x1  }
0x46: {  	s0 =	simm.s32 @!p1 $0x0  }
0x47: {  	s26 =	sadd.s32 $0x7DF0, s0;
	(ifvalue) =	ssetifvalue $0xFFFFFFFF  }
0x48: {  	v3 =	vperm.xlane v3, v1;
	[tilespmem:s26], [sflag:$0x8] =	stream.indirect_vreg.gather [hbm4b:s1+s16], $0x1, v4, vm0, $0x4038;
	v4 =	vnsel vm6, $0xFFFFFFFE, v4;
	[tilespmem:$0x11A60] =	vst v63  }
0x49: {  	s2 =	simm.s32 $0x0;
	s22 =	sadd.s32 $0xFFFFFFF0, s28;
	[tilespmem:s28+$0x0] =	vst v4  }
.LBB2_3:
0x4a: {  	v4 =	vld.msk [tilespmem:s22+$0x0 ss:$0x1], $0xffff;
	s2 =	sadd.s32 $0x10, s2;
	v5 =	vmov v3;
	s28 =	smov.u32 s22  }
0x4b: {  	p1 =	slt.u32 s2, $0x1F30;
	_ =	sdelay $0x4  }
0x4c: {  	v3 =	vperm.xlane v4, v1;
	(xrf1) =	vunique.msk.u32 $0xffff, v4;
	_ =	sdelay $0xd  }
0x4d: {  	v6, _, _ =	vpop (xrf1)  }
0x4e: {  	vm5 =	vne.s32 v4, v5;
	vm4 =	veq.s32 v6, v2  }
0x4f: {  	vm6 =	vlt.u32 v4, $0x3D800;
	vm4 =	vmand vm5, vm4  }
0x50: {  	vm4 =	vmand vm6, vm4  }
0x51: {  	v4 =	vnsel vm4, $0xFFFFFFFF, v4  }
.Ltmp3:
0x52: {  	v5 =	vnsel vm6, $0xFFFFFFFE, v4;
	(pc) =	sbr.rel @p1 .LBB2_3-.Ltmp3, $3  }
0x53: {  	_ =	sdelay $0x1  }
0x54: {  	s22 =	sadd.s32 $0xFFFFFFF0, s22;
	s26 =	sadd.s32 $0xFFFFFFF0, s26;
	(ifvalue) =	ssetifvalue $0xFFFFFFFF  }
0x55: {  	[tilespmem:s26], [sflag:$0x8] =	stream.indirect_vreg.gather [hbm4b:s1+s16], $0x1, v4, vm0, $0x4038;
	[tilespmem:s28+$0x0] =	vst v5  }
0x56: {  	s2 =	sshrl.u32 s25, $0x3  }
0x57: {  	s0 =	sadd.s32 $0x9D40, s0;
	s2 =	sadd.s32 s9, s2  }
0x58: {  	[tilespmem:s0], [sflag:$0x8] =	stream.linear.gather [hbm:s2], $0x1F40, $0x38;
	[tilespmem:$0x11A60] =	vst v63  }
.LBB2_5:
0x59: {  	p1 =	slt.u32 s24, $0x2  }
0x5a: {  	p2 =	sge.u32 @!p1 s24, s12  }
0x5b: {  	p1 =	por p1, p2  }
.Ltmp4:
0x5c: {  	_ = 	snop;
	(pc) =	sbr.rel @p1 .LBB2_9-.Ltmp4, $1  }
0x5d: {  	_ =	sdelay $0x3  }
0x5e: {  	s0 =	sadd.s32 $0xFFFFFFFE, s24  }
0x5f: {  	s2 =	smulhi.u32 $0xAAAAAAAB, s0;
	_ =	sdelay $0x1  }
0x60: {  	s2 =	sshrl.u32 s2, $0x1  }
0x61: {  	s2 =	smul.u32 $0x3, s2;
	_ =	sdelay $0x1  }
0x62: {  	s0 =	ssub.s32 s0, s2  }
0x63: {  	_ =	swait.ge [sflag:s8], $0x3E80;
	s0 =	smul.u32 $0x1F40, s0  }
0x64: {  	p1 =	sne.s32 s24, s11;
	[sflag:s8] =	ssyncset.done $0x0  }
0x65: {  	[sflag:s8] =	ssyncadd.s32 $0xFFFFC180;
	s2 =	sadd.s32 @!p1 $0x203F, s0  }
0x66: {  	[spmem:s14] =	stream.linear.scatter @!p1 [tilespmem:s2], [sflag:$0x1], $0x1, $0x38;
	[tilespmem:$0x11A60] =	vst v63  }
0x67: {  	s2 =	simm.s32 @!p1 $0x1  }
0x68: {  	_ =	swait.ge @!p1 [sflag:s2], $0x1  }
0x69: {  	s22 =	sshll.u32 s24, $0x4;
	[sflag:s2] =	ssyncset.done @!p1 $0x0  }
0x6a: {  	s25 =	sand.u32 $0x10, s22;
	[sflag:s2] =	ssyncadd.s32 @!p1 $0xFFFFFFFF  }
0x6b: {  	s2 =	sxor.u32 $0x10, s25;
	v4 =	vld [tilespmem:s25+$0x10]  }
0x6c: {  	v5 =	vld [tilespmem:s2+$0x60]  }
0x6d: {  	v3 =	vld [tilespmem:$0x80];
	_ =	sdelay $0x2  }
0x6e: {  	(v2sf) =	vpush v4, $0x0  }
0x6f: {  	(v2sf) =	vpush v5, $0x0  }
0x70: {  	(v2sf) =	vpush v3, $0x0;
	_ =	sdelay $0xc  }
0x71: {  	s22 =	spop (v2sf)  }
0x72: {  	s26 =	spop (v2sf)  }
0x73: {  	s28 =	spop (v2sf)  }
0x74: {  	p2 =	seq.s32 s22, s26;
	p3 =	seq.s32 s28, s22  }
0x75: {  	p3 =	por p2, p3  }
0x76: {  	s26 =	sand.u32 $0x1, s24;
	v4 =	vpsel p3, $0xFFFFFFFF, v4  }
0x77: {  	s29 =	smul.u32 $0x1F40, s26;
	[tilespmem:s25+$0x10] =	vst.msk $0x1, v4  }
0x78: {  	v4 =	vld [tilespmem:$0x30]  }
0x79: {  	v5 =	vld [tilespmem:s29+$0x9D40]  }
0x7a: {  	v6 =	vld [tilespmem:s25+$0x40];
	_ =	sdelay $0x3  }
0x7b: {  	vm4 =	vmmov vm1;
	v5 =	vadd.f32 v5, v4  }
0x7c: {  	vm5 =	vmmov vm2;
	vm4 =	vmmov @p2 vm2;
	s22 =	sshll.u32 s26, $0x4;
	v4 =	vadd.f32 v6, v4  }
0x7d: {  	s26 =	sor.u32 $0x11A40, s22;
	vm5 =	vmmov @p3 vm1;
	[tilespmem:s29+$0x9D40] =	vst.msk vm4, v5  }
0x7e: {  	[tilespmem:s26+$0x0] =	vst.msk vm5, v4  }
0x7f: {  	v4 =	vld [tilespmem:s29+$0x7DF0];
	_ =	sdelay $0x3  }
0x80: {  	v5 =	vimm.f32 $0.0e+00  }
0x81: {  	v4 =	vshift.insert v4, v5, s21  }
0x82: {  	s22 =	sor.u32 $0x40, s2  }
0x83: {  	[tilespmem:s22+$0x0] =	vst.msk $0x1, v4  }
0x84: {  	[tilespmem:s29+$0x7DFF] =	vst.msk $0x1, v5  }
0x85: {  	v4 =	vld [tilespmem:s0+$0x2030];
	_ =	sdelay $0x1  }
0x86: {  	s22 =	smulhi.u32 $0xAAAAAAAB, s20;
	s0 =	simm.s32 $0x1  }
0x87: {  	s0 =	simm.s32 @!p0 $0x0  }
0x88: {  	s22 =	sshrl.u32 s22, $0x1;
	s0 =	smul.u32 $0x7D00, s0  }
0x89: {  	s22 =	smul.u32 $0xFFFE8900, s22;
	v4 =	vshift.insert v4, v1, s21  }
0x8a: {  	s0 =	sshrl.u32 s0, $0x2  }
0x8b: {  	s22 =	sshra.s32 s22, $0x2;
	s30 =	sadd.s32 $0x9D40, s0;
	[tilespmem:s2+$0x10] =	vst.msk $0x1, v4  }
0x8c: {  	s22 =	sadd.s32 s22, s19;
	v6 =	vld [tilespmem:s30+$0x0]  }
0x8d: {  	v7 =	vld [tilespmem:s22+$0x0];
	_ =	sdelay $0x3  }
0x8e: {  	v5 =	vadd.f32 v6, v5  }
0x8f: {  	vm4 =	vne.s32 v7, $0xFFFFFFFF  }
0x90: {  	(xrf2) =	vadd.seg.scan.f32 vm4, v5;
	_ =	sdelay $0x3  }
0x91: {  	s31 =	sadd.s32 $0x5EC0, s0;
	v5 =	vperm.xlane v4, v1  }
0x92: {  	v6 =	vld [tilespmem:s31+$0x0]  }
0x93: {  	vm5 =	veq.s32 v7, v3;
	vm6 =	veq.s32 v7, v5  }
0x94: {  	vm7 =	vgt.u32 v7, $0xFFFFFFFD;
	vm6 =	vmor vm6, vm5  }
0x95: {  	vm6 =	vmor vm6, vm7  }
0x96: {  	v9 =	vld [tilespmem:$0xA0];
	v7 =	vsel vm6, $0xFFFFFFFF, v7  }
0x97: {  	v10 =	vld [tilespmem:$0x90];
	v6 =	vsel vm5, $0x0, v6;
	v8, _, _ =	vpop (xrf2)  }
0x98: {  	v6 =	vadd.f32 v8, v6  }
0x99: {  	s0 =	sadd.s32 $0xDBC0, s0  }
0x9a: {  	vm4 =	vmand vm4, vm3;
	[tilespmem:s0+$0x0] =	vst v6;
	(ifvalue) =	ssetifvalue $0xFFFFFFFF  }
0x9b: {  	vm6 =	veq.s32 v9, $0x1;
	[hbm4b:s1+s16] =	stream.indirect_vreg.scatter [tilespmem:s0], [sflag:$0x2], $0x1, v7, vm0, $0x4038;
	v7 =	vsel vm4, $0x0, v8;
	[tilespmem:$0x11A60] =	vst v63  }
0x9c: {  	s2 =	simm.s32 $0x0;
	s22 =	sadd.s32 $0x10, s22;
	vm4 =	vmor vm6, vm5;
	v6 =	vsel vm5, v8, v10;
	v7 =	vshift.insert v7, v0, s21  }
.LBB2_7:
0x9d: {  	v8 =	vld [tilespmem:s22+$0x0];
	s30 =	sadd.s32 $0x10, s30  }
0x9e: {  	s31 =	sadd.s32 $0x10, s31;
	v9 =	vld [tilespmem:s30+$0x0]  }
0x9f: {  	s2 =	sadd.s32 $0x10, s2;
	v10 =	vld [tilespmem:s31+$0x0]  }
0xa0: {  	p2 =	slt.u32 s2, $0x1F30;
	_ =	sdelay $0x2  }
0xa1: {  	v7 =	vadd.f32 v9, v7  }
0xa2: {  	vm5 =	vne.s32 v8, $0xFFFFFFFF  }
0xa3: {  	vm6 =	vmand vm5, vm3;
	(xrf2) =	vadd.seg.scan.f32 vm5, v7;
	_ =	sdelay $0x5  }
0xa4: {  	vm7 =	veq.s32 v8, v5;
	vm5 =	veq.s32 v8, v3  }
0xa5: {  	vm8 =	vgt.u32 v8, $0xFFFFFFFD;
	vm4 =	vmor vm4, vm5;
	vm7 =	vmor vm7, vm5  }
0xa6: {  	vm7 =	vmor vm7, vm8  }
0xa7: {  	v8 =	vsel vm7, $0xFFFFFFFF, v8  }
.Ltmp5:
0xa8: {  	v7 =	vsel vm5, $0x0, v10;
	v9, _, _ =	vpop (xrf2);
	(pc) =	sbr.rel @p2 .LBB2_7-.Ltmp5, $4  }
0xa9: {  	v6 =	vsel vm5, v9, v6;
	v10 =	vadd.f32 v9, v7;
	v7 =	vsel vm6, $0x0, v9  }
0xaa: {  	s0 =	sadd.s32 $0x10, s0;
	v7 =	vshift.insert v7, v0, s21  }
0xab: {  	s22 =	sadd.s32 $0x10, s22;
	[tilespmem:s0+$0x0] =	vst v10;
	(ifvalue) =	ssetifvalue $0xFFFFFFFF  }
0xac: {  	[hbm4b:s1+s16] =	stream.indirect_vreg.scatter [tilespmem:s0], [sflag:$0x2], $0x1, v8, vm0, $0x4038;
	[tilespmem:$0x11A60] =	vst v63  }
0xad: {  	v3 =	vld [tilespmem:s29+$0xFAF0];
	_ =	sdelay $0x4  }
0xae: {  	v3 =	vshift.insert v3, v0, s21  }
0xaf: {  	s0 =	simm.s32 $0x30  }
0xb0: {  	[tilespmem:s0+$0x0] =	vst.msk $0x1, v3  }
0xb1: {  	v3 =	vsel vm4, $0x1, v1;
	[tilespmem:$0x90] =	vst v6  }
0xb2: {  	s0 =	sadd.s32 @!p1 $0xFAFF, s29;
	[tilespmem:$0xA0] =	vst v3  }
0xb3: {  	[spmem:s15] =	stream.linear.scatter @!p1 [tilespmem:s0], [sflag:$0x1], $0x1, $0x38;
	[tilespmem:$0x11A60] =	vst v63  }
0xb4: {  	s0 =	simm.s32 @!p1 $0x1  }
0xb5: {  	v3 =	vmctz.xlane @!p1 vm4;
	_ =	swait.ge @!p1 [sflag:s0], $0x1  }
0xb6: {  	(v2sf) =	vpush @!p1 v4, $0x0  }
0xb7: {  	(v2sf) =	vpush @!p1 v3, $0x0;
	_ =	sdelay $0xd  }
0xb8: {  	s2 =	spop @!p1 (v2sf)  }
0xb9: {  	s22 =	spop @!p1 (v2sf)  }
0xba: {  	p2 =	sne.s32 @!p1 s28, s2;
	p3 =	slt.s32 @!p1 s22, $0xF  }
0xbb: {  	[sflag:s0] =	ssyncset.done @!p1 $0x0;
	p2 =	por p2, p1;
	p3 =	por !p3, p1  }
0xbc: {  	[sflag:s0] =	ssyncadd.s32 @!p1 $0xFFFFFFFF;
	v3 =	vimm.s32 @!p2 $0xFFFFFFFF;
	s22 =	simm.s32 @p3 $0xF  }
0xbd: {  	[tilespmem:$0x80] =	vst @!p2 v3;
	s2 =	sadd.s32 @!p1 $0x90, s22  }
0xbe: {  	[spmem:s3] =	stream.linear.scatter @!p1 [tilespmem:s2], [sflag:$0x1], $0x1, $0x38;
	[tilespmem:$0x11A60] =	vst v63  }
0xbf: {  	_ =	swait.ge @!p1 [sflag:s0], $0x1  }
0xc0: {  	[sflag:s0] =	ssyncset.done @!p1 $0x0  }
0xc1: {  	s2 =	simm.s32 @!p1 $0x80;
	[sflag:s0] =	ssyncadd.s32 @!p1 $0xFFFFFFFF  }
0xc2: {  	[spmem:s13] =	stream.linear.scatter @!p1 [tilespmem:s2], [sflag:$0x1], $0x1, $0x38;
	[tilespmem:$0x11A60] =	vst v63  }
0xc3: {  	_ =	swait.ge @!p1 [sflag:s0], $0x1  }
0xc4: {  	[sflag:s0] =	ssyncset.done @!p1 $0x0  }
0xc5: {  	[sflag:s0] =	ssyncadd.s32 @!p1 $0xFFFFFFFF;
	(ifvalue) =	ssetifvalue $0xFFFFFFFF;
	v3 =	vld [tilespmem:s25+$0x10];
	_ =	sdelay $0x3  }
.Ltmp6:
0xc6: {  	_ = 	snop;
	(pc) =	sbr.rel .LBB2_9-.Ltmp6, $3  }
0xc7: {  	_ =	sdelay $0x1  }
0xc8: {  	(ifvalue) =	ssetifvalue $0xFFFFFFFF  }
0xc9: {  	[hbm4b:s1+s16] =	stream.indirect_vreg.scatter [tilespmem:s26], [sflag:$0x9], $0x1, v3, vm0, $0x4038;
	[tilespmem:$0x11A60] =	vst v63  }
.LBB2_10:
0xca: {  	_ =	sfence.sel $0x180000  }
0xcb: {  	s0 =	simm.s32 $0x7;
	[bflag:$0x0] =	sbarrier.arrive $0xFFFF  }
0xcc: {  	s26 =	simm.s32 $0x8;
	[sflag:s0] =	ssyncpa.u1 $0x1  }
0xcd: {  	s28 =	simm.s32 $0x9;
	[sflag:s26] =	ssyncpa.u1 $0x1  }
0xce: {  	[sflag:s28] =	ssyncpa.u1 $0x1  }
0xcf: {  	_ =	sfence.stream.spmem  }
0xd0: {  	s29 =	simm.s32 $0x3;
	[bflag:$0x0] =	sbarrier.arrive $0xFFFF  }
0xd1: {  	s30 =	simm.s32 $0x4;
	[sflag:s29] =	ssyncpa.u1 $0x1  }
0xd2: {  	s31 =	simm.s32 $0x3C;
	s2 =	stileid.u32;
	[sflag:s30] =	ssyncpa.u1 $0x1  }
0xd3: {  	p0 =	sne.s32 s2, $0x0;
	[sflag:s31] =	ssyncpa.u1 $0x1  }
0xd4: {  	s0 =	simm.s32 @p0 $0x1;
	_ =	sfence @p0  }
0xd5: {  	[sflag:s0] =	ssyncpa.u1 @p0 $0x1;
	s0 =	simm.s32 @p0 $0x2  }
0xd6: {  	[sflag:s0] =	ssyncpa.u1 @p0 $0x1  }
0xd7: {  	_ =	strace @p0 $0x90000050  }
0xd8: {  	[bflag:$0x2] =	sbarrier.arrive @p0 $0xFFFF  }
0xd9: {  	_ =	shalt @p0  }
.LBB2_11:
0xda: {  	_ =	sfence.stream.spmem;
	s0 =	simm.s32 $0x5  }
0xdb: {  	s2 =	simm.s32 $0x80;
	s3 =	simm.s32 $0xC0;
	[sflag:s0] =	ssyncpa.u1 $0x0  }
0xdc: {  	[tilespmem:s3], [sflag:$0x5] =	stream.linear.gather [spmem:s2], $0x20, $0x38;
	[tilespmem:$0x11A60] =	vst v63  }
0xdd: {  	s2 =	simm.s32 $0x0;
	s3 =	simm.s32 $0xE0  }
0xde: {  	[tilespmem:s3], [sflag:$0x5] =	stream.linear.gather [spmem:s2], $0x20, $0x38;
	[tilespmem:$0x11A60] =	vst v63  }
.Ltmp7:
0xdf: {  	_ = 	snop;
	(pc) =	sbr.rel .LBB2_12-.Ltmp7, $4  }
0xe0: {  	_ =	swait.ge [sflag:s0], $0x40  }
0xe1: {  	[sflag:s0] =	ssyncset.done $0x0  }
0xe2: {  	s31 =	simm.s32 $0x6;
	[sflag:s0] =	ssyncadd.s32 $0xFFFFFFC0  }
0xe3: {  	s4 =	simm.s32 $0x0;
	[sflag:s31] =	ssyncpa.u1 $0x0  }
.LBB2_17:
0xe4: {  	p0 =	sgt.u32 s5, $0x3D7FF  }
0xe5: {  	s0 =	sshrl.u32 @!p0 s5, $0x3  }
0xe6: {  	s5 =	sand.u32 @!p0 $0x7, s5;
	s6 =	simm.s32 @!p0 $0xB0;
	s0 =	sadd.s32 @!p0 s1, s0  }
0xe7: {  	[tilespmem:s6], [sflag:$0x6] =	stream.linear.gather @!p0 [hbm4b:s0+s5], $0x1, $0x38;
	[tilespmem:$0x11A60] =	vst v63  }
0xe8: {  	s0 =	simm.s32 @!p0 $0x6  }
0xe9: {  	_ =	swait.ge @!p0 [sflag:s0], $0x1  }
0xea: {  	[sflag:s0] =	ssyncset.done @!p0 $0x0  }
0xeb: {  	[sflag:s0] =	ssyncadd.s32 @!p0 $0xFFFFFFFF  }
0xec: {  	v2 =	vmov @!p0 s4;
	v1 =	vld.msk @!p0 [tilespmem:$0xB0], $0x1;
	_ =	sdelay $0x3  }
0xed: {  	s0 =	simm.s32 @!p0 $0xE0  }
0xee: {  	[tilespmem:v2+s0+$0x0], v1 =	vst.idx.ret.add.f32.msk @!p0 $0x1, v1  }
0xef: {  	[tilespmem:s2+$0xC0] =	vst.msk $0x1, v0  }
0xf0: {  	v0 =	vld.msk [tilespmem:s4+$0xE0], $0x1;
	_ =	sdelay $0x4  }
0xf1: {  	[tilespmem:s2+$0xE0] =	vst.msk $0x1, v0;
	s2 =	sadd.s32 $0x1, s2  }
.LBB2_19:
0xf2: {  	s4 =	sadd.s32 $0x1, s4  }
0xf3: {  	p0 =	sne.s32 s4, $0x20  }
.Ltmp8:
0xf4: {  	_ = 	snop;
	(pc) =	sbr.rel @!p0 .LBB2_20-.Ltmp8, $1  }
0xf5: {  	_ =	sdelay $0x3  }
.LBB2_12:
0xf6: {  	v0 =	vld.msk [tilespmem:s4+$0xC0], $0x1;
	_ =	sdelay $0x4  }
0xf7: {  	(v2sf) =	vpush v0, $0x0;
	_ =	sdelay $0xe  }
0xf8: {  	s5 =	spop (v2sf)  }
0xf9: {  	p0 =	seq.s32 s5, $0xFFFFFFFF  }
.Ltmp9:
0xfa: {  	_ = 	snop;
	(pc) =	sbr.rel @p0 .LBB2_19-.Ltmp9, $1  }
0xfb: {  	_ =	sdelay $0x3  }
0xfc: {  	p0 =	slt.s32 s2, $0x1  }
.Ltmp10:
0xfd: {  	_ = 	snop;
	(pc) =	sbr.rel @p0 .LBB2_17-.Ltmp10, $1  }
0xfe: {  	_ =	sdelay $0x3  }
0xff: {  	s0 =	simm.s32 $0xC0;
	p0 =	por $0x0, $0x0  }
0x100: {  	v1 =	vld.msk @!p0 [tilespmem:s0+$0x0], $0x1;
	_ =	sdelay $0x4  }
0x101: {  	(v2sf) =	vpush @!p0 v1, $0x0;
	_ =	sdelay $0xd  }
0x102: {  	p2 =	sne.s32 s2, $0x1  }
.Ltmp11:
0x103: {  	s6 =	spop @!p0 (v2sf);
	(pc) =	sbr.rel @!p2 .LBB2_16-.Ltmp11, $4  }
0x104: {  	p1 =	seq.s32 @!p0 s5, s6  }
0x105: {  	s6 =	simm.s32 $0x0;
	p1 =	por !p1, p0  }
0x106: {  	s8 =	simm.s32 $0xFFFFFFFF;
	s6 =	simm.s32 @p1 $0xFFFFFFFF  }
0x107: {  	s7 =	simm.s32 $0x1;
	s6 =	smov.u32 @p0 s8  }
.LBB2_15:
0x108: {  	s8 =	smov.u32 s6;
	p0 =	sne.s32 s6, $0xFFFFFFFF  }
0x109: {  	s0 =	sadd.s32 $0x1, s0;
	s6 =	smov.u32 s7;
	s7 =	sadd.s32 $0x1, s7  }
0x10a: {  	p1 =	sne.s32 s2, s7;
	v1 =	vld.msk @!p0 [tilespmem:s0+$0x0], $0x1;
	_ =	sdelay $0x4  }
0x10b: {  	(v2sf) =	vpush @!p0 v1, $0x0;
	_ =	sdelay $0xe  }
.Ltmp12:
0x10c: {  	s9 =	spop @!p0 (v2sf);
	(pc) =	sbr.rel @p1 .LBB2_15-.Ltmp12, $4  }
0x10d: {  	p2 =	seq.s32 @!p0 s5, s9  }
0x10e: {  	p2 =	por !p2, p0  }
0x10f: {  	s6 =	simm.s32 @p2 $0xFFFFFFFF  }
0x110: {  	s6 =	smov.u32 @p0 s8  }
.LBB2_16:
0x111: {  	p0 =	sne.s32 s6, $0xFFFFFFFF  }
.Ltmp13:
0x112: {  	_ = 	snop;
	(pc) =	sbr.rel @!p0 .LBB2_17-.Ltmp13, $1  }
0x113: {  	_ =	sdelay $0x3  }
0x114: {  	v0 =	vld.msk [tilespmem:s4+$0xE0], $0x1;
	v1 =	vmov s6  }
.Ltmp14:
0x115: {  	_ = 	snop;
	(pc) =	sbr.rel .LBB2_19-.Ltmp14, $2  }
0x116: {  	_ =	sdelay $0x2  }
0x117: {  	[tilespmem:v1+s3+$0x0], v0 =	vst.idx.ret.add.f32.msk $0x1, v0  }
.LBB2_20:
0x118: {  	p0 =	slt.s32 s2, $0x1  }
.Ltmp15:
0x119: {  	_ = 	snop;
	(pc) =	sbr.rel @p0 .LBB2_24-.Ltmp15, $3  }
0x11a: {  	_ =	sdelay $0x1  }
0x11b: {  	s0 =	simm.s32 $0x6  }
0x11c: {  	s3 =	simm.s32 $0x0;
	[sflag:s0] =	ssyncpa.u1 $0x1  }
0x11d: {  	s0 =	simm.s32 $0xC0  }
0x11e: {  	v0 =	vld.msk [tilespmem:s0+$0x0], $0x1;
	_ =	sdelay $0x4  }
0x11f: {  	(v2sf) =	vpush v0, $0x0;
	_ =	sdelay $0xe  }
0x120: {  	s2 =	sadd.s32 $0xFFFFFFFF, s2;
	s4 =	spop (v2sf)  }
0x121: {  	p1 =	sne.s32 s2, $0x0;
	p0 =	sgt.u32 s4, $0x3D7FF  }
.Ltmp16:
0x122: {  	s5 =	sshrl.u32 @!p0 s4, $0x3;
	(pc) =	sbr.rel @!p1 .LBB2_23-.Ltmp16, $4  }
0x123: {  	s0 =	simm.s32 $0xE0;
	s4 =	sand.u32 @!p0 $0x7, s4;
	s5 =	sadd.s32 @!p0 s1, s5  }
0x124: {  	[hbm4b:s5+s4] =	stream.linear.scatter @!p0 [tilespmem:s0], [sflag:$0x5], $0x1, $0x38;
	[tilespmem:$0x11A60] =	vst v63  }
0x125: {  	s5 =	simm.s32 $0x0  }
0x126: {  	s4 =	simm.s32 $0xC1;
	s5 =	simm.s32 @!p0 $0x4  }
.LBB2_22:
0x127: {  	v0 =	vld.msk [tilespmem:s4+$0x0], $0x1;
	s2 =	sadd.s32 $0xFFFFFFFF, s2;
	s3 =	sadd.s32 s3, s5  }
0x128: {  	p0 =	sne.s32 s2, $0x0;
	_ =	sdelay $0x3  }
0x129: {  	(v2sf) =	vpush v0, $0x0;
	_ =	sdelay $0xe  }
.Ltmp17:
0x12a: {  	s6 =	spop (v2sf);
	(pc) =	sbr.rel @p0 .LBB2_22-.Ltmp17, $4  }
0x12b: {  	s5 =	simm.s32 $0x0;
	p1 =	sgt.u32 s6, $0x3D7FF  }
0x12c: {  	s0 =	sadd.s32 $0x1, s0;
	s5 =	simm.s32 @!p1 $0x4;
	s7 =	sshrl.u32 @!p1 s6, $0x3  }
0x12d: {  	s4 =	sadd.s32 $0x1, s4;
	s6 =	sand.u32 @!p1 $0x7, s6;
	s7 =	sadd.s32 @!p1 s1, s7  }
0x12e: {  	[hbm4b:s7+s6] =	stream.linear.scatter @!p1 [tilespmem:s0], [sflag:$0x5], $0x1, $0x38;
	[tilespmem:$0x11A60] =	vst v63  }
.LBB2_23:
0x12f: {  	s0 =	sadd.s32 s3, s5  }
0x130: {  	s3 =	sshrl.u32 s0, $0x2  }
.LBB2_24:
0x131: {  	s0 =	simm.s32 $0x5  }
0x132: {  	_ =	swait.ge [sflag:s0], s3  }
0x133: {  	s1 =	ssub.s32 $0x0, s3;
	[sflag:s0] =	ssyncset.done $0x0  }
0x134: {  	[sflag:s0] =	ssyncadd.s32 s1  }
0x135: {  	[sflag:s0] =	ssyncpa.u1 $0x1  }
0x136: {  	s29 =	simm.s32 $0x1;
	_ =	sfence  }
0x137: {  	s30 =	simm.s32 $0x2;
	[sflag:s29] =	ssyncpa.u1 $0x1  }
0x138: {  	[sflag:s30] =	ssyncpa.u1 $0x1  }
0x139: {  	_ =	strace $0x90000050  }
0x13a: {  	[bflag:$0x2] =	sbarrier.arrive $0xFFFF  }
0x13b: {  	s31 =	rddreg [dreg:$0x1]  }
0x13c: {  	s0 =	sadd.s32 $0x100000, s31  }
0x13d: {  	[sflag:s0] =	ssyncadd.tile.s32 $0x1;
	_ =	shalt  }
.Lfunc_end2:
_tile_overlayer_lowered:
.L_overlay_start_2:
0x13e: {  	(tag) =	ssettag $0x2  }
0x13f: {  	s0 =	rddreg [dreg:$0x0];
	s2 =	stileid.u32  }
0x140: {  	s1 =	rddreg [dreg:$0x1];
	p0 =	sne.s32 s2, $0x0  }
0x141: {  	s3 =	rddreg [dreg:$0x2];
	[bflag:$0x3] =	sbarrier.arrive $0xFFFF;
	s2 =	simm.s32 @!p0 $0x1C01  }
0x142: {  	[timem:s3], [sflag:s2] =	dma.local @!p0 [hbm:s0], s1  }
0x143: {  	s0 =	simm.s32 @!p0 $0x1  }
0x144: {  	_ =	swait.ge @!p0 [sflag:s0], s1  }
0x145: {  	s1 =	ssub.s32 @!p0 $0x0, s1;
	[sflag:s0] =	ssyncset.done @!p0 $0x0  }
0x146: {  	[sflag:s0] =	ssyncadd.s32 @!p0 s1  }
0x147: {  	[bflag:$0x3] =	sbarrier.arrive $0xFFFF  }
0x148: {  	_ =	shalt  }

</sc_bundles>
